<compile_context>
chip_gen: v7x
topology: tpu7x:2x2x1
jax: 0.10.2.dev20260603
libtpu: 0.0.44.dev20260713+nightly
codegen_flags: <defaults>
</compile_context>

<pallas_src>
import functools

import jax
import jax.numpy as jnp
from jax import lax
from jax.experimental import pallas as pl
from jax.experimental.pallas import tpu as pltpu
from jax.experimental.pallas import tpu_sc as plsc

CHILD = 16
BC_DIM = 3
NODE_TOTAL = 273
NUM_LEAVES = 4096
B = 4096
K = 2048

NC, NS, L = 2, 16, 16
NW = NC * NS
CHUNK = B // NW
NBLK = CHUNK // L

_MM_BM = 512


def _mm_body(x_ref, w_ref, b_ref, o_ref):
    acc = jnp.dot(x_ref[...], w_ref[...], preferred_element_type=jnp.float32)
    o_ref[...] = jnp.maximum(acc + b_ref[...], 0.0)


def _forward_prob(state, W, b):
    return pl.pallas_call(
        _mm_body,
        grid=(B // _MM_BM,),
        in_specs=[
            pl.BlockSpec((_MM_BM, K), lambda i: (i, 0)),
            pl.BlockSpec((K, CHILD), lambda i: (0, 0)),
            pl.BlockSpec((1, CHILD), lambda i: (0, 0)),
        ],
        out_specs=pl.BlockSpec((_MM_BM, CHILD), lambda i: (i, 0)),
        out_shape=jax.ShapeDtypeStruct((B, CHILD), jnp.float32),
    )(state, W, b.reshape(1, CHILD))


_SC_MESH = plsc.VectorSubcoreMesh(
    core_axis_name="c", subcore_axis_name="s", num_cores=NC, num_subcores=NS
)


def _make_route(nb):
    chunk = nb // NW
    nblk = chunk // L

    def _route_body(fp_hbm, aval_hbm, leaf_hbm, zero_hbm, mix_hbm, act_hbm,
                    fp_v, aval_v, leaf_v, zero_v, mix_v, act_v, in_sem):
        wid = lax.axis_index("s") * NC + lax.axis_index("c")
        base = wid * chunk
        copies = [
            pltpu.make_async_copy(
                fp_hbm.at[pl.ds(base * CHILD, chunk * CHILD)], fp_v, in_sem),
            pltpu.make_async_copy(aval_hbm, aval_v, in_sem),
            pltpu.make_async_copy(leaf_hbm, leaf_v, in_sem),
            pltpu.make_async_copy(zero_hbm, zero_v, in_sem),
        ]
        for c in copies:
            c.start()
        for c in copies:
            c.wait()

        lanes = jnp.arange(L, dtype=jnp.int32)
        zero = zero_v[...]

        def block(blk, carry):
            off = blk * (L * CHILD)
            cf = []
            for j in range(CHILD):
                f = plsc.load_gather(fp_v, [off + lanes * CHILD + j])
                cf.append(jnp.minimum(jnp.maximum(f, 1e-30), 1.0))

            node = zero
            ch = []
            for depth in range(BC_DIM):
                av = []
                for j in range(CHILD):
                    a = plsc.load_gather(aval_v, [j * NODE_TOTAL + node])
                    av.append(a)
                denom = av[0]
                for j in range(1, CHILD):
                    denom = denom + av[j]
                inv = 1.0 / denom
                best_v = cf[0] * (av[0] * inv)
                best_j = zero
                if depth == BC_DIM - 1:
                    plsc.store_scatter(mix_v, [off + lanes * CHILD], best_v)
                for j in range(1, CHILD):
                    m = cf[j] * (av[j] * inv)
                    upd = m > best_v
                    best_v = jnp.where(upd, m, best_v)
                    best_j = jnp.where(
                        upd, jnp.full((L,), j, jnp.int32), best_j)
                    if depth == BC_DIM - 1:
                        plsc.store_scatter(
                            mix_v, [off + lanes * CHILD + j], m)
                ch.append(best_j)
                if depth == 0:
                    node = 1 + best_j
                elif depth == 1:
                    node = 1 + CHILD + CHILD * ch[0] + best_j
            idx = ch[0] * (CHILD * CHILD) + ch[1] * CHILD + ch[2]
            action = plsc.load_gather(leaf_v, [idx])
            plsc.store_scatter(act_v, [blk * L + lanes], action)
            return carry

        lax.fori_loop(0, nblk, block, 0)

        pltpu.sync_copy(mix_v, mix_hbm.at[pl.ds(base * CHILD, chunk * CHILD)])
        pltpu.sync_copy(act_v, act_hbm.at[pl.ds(base, chunk)])

    return pl.kernel(
        _route_body,
        out_type=(
            jax.ShapeDtypeStruct((nb * CHILD,), jnp.float32),
            jax.ShapeDtypeStruct((nb,), jnp.int32),
        ),
        mesh=_SC_MESH,
        compiler_params=pltpu.CompilerParams(needs_layout_passes=False),
        scratch_types=[
            pltpu.VMEM((chunk * CHILD,), jnp.float32),
            pltpu.VMEM((CHILD * NODE_TOTAL,), jnp.float32),
            pltpu.VMEM((NUM_LEAVES,), jnp.int32),
            pltpu.VMEM((L,), jnp.int32),
            pltpu.VMEM((chunk * CHILD,), jnp.float32),
            pltpu.VMEM((chunk,), jnp.int32),
            pltpu.SemaphoreType.DMA,
        ],
    )


_route = _make_route(B)


_HALF = B // 2
_route_half = _make_route(_HALF)


def _forward_prob_part(state, W, b, part):
    nblocks = _HALF // _MM_BM
    return pl.pallas_call(
        _mm_body,
        grid=(nblocks,),
        in_specs=[
            pl.BlockSpec((_MM_BM, K), lambda i, p=part: (p * nblocks + i, 0)),
            pl.BlockSpec((K, CHILD), lambda i: (0, 0)),
            pl.BlockSpec((1, CHILD), lambda i: (0, 0)),
        ],
        out_specs=pl.BlockSpec((_MM_BM, CHILD), lambda i: (i, 0)),
        out_shape=jax.ShapeDtypeStruct((_HALF, CHILD), jnp.float32),
    )(state, W, b.reshape(1, CHILD))


def kernel(state, W, b, aval_val, leaf_id):
    aval_flat = aval_val.reshape(-1)
    leaf = leaf_id.astype(jnp.int32)
    z = jnp.zeros((L,), jnp.int32)
    fp0 = _forward_prob_part(state, W, b, 0)
    fp1 = _forward_prob_part(state, W, b, 1)
    mix0, act0 = _route_half(fp0.reshape(-1), aval_flat, leaf, z)
    mix1, act1 = _route_half(fp1.reshape(-1), aval_flat, leaf, z)
    mix = jnp.concatenate([mix0, mix1]).reshape(B, CHILD)
    return mix, jnp.concatenate([act0, act1])

# --- scband reference (transcript-rebuilt; emitter-appended) ---
"""Pipeline reference for scband-user-selector-16836271800592 (READ-ONLY COPY).

The authoritative reference and input builder live on the scoring server;
editing this copy changes nothing except your own understanding.
"""

import jax, jax.numpy as jnp
import numpy as np

CHILD_NUM = 16
BC_DIM = 3
STATE_DIM = 2048
BATCH = 4096

def _nnbd(i, c=CHILD_NUM):
    return int((c ** i - 1) // (c - 1))

NODE_TOTAL = _nnbd(BC_DIM)   # 273 internal nodes
NUM_LEAVES = CHILD_NUM ** BC_DIM  # 4096 leaves/actions


def setup_inputs(seed: int = 0) -> dict:
    key = jax.random.key(seed)
    k1, k2, k3 = jax.random.split(key, 3)
    state = jax.random.normal(k1, (BATCH, STATE_DIM), dtype=jnp.float32)
    # The torch module builds ModuleList([actor]*policy_num) from ONE actor object,
    # so all tree policies share a single Linear(state_dim, child_num) weight.
    W = jax.random.normal(k2, (STATE_DIM, CHILD_NUM), dtype=jnp.float32) * (1.0 / np.sqrt(STATE_DIM))
    b = jax.random.normal(k3, (CHILD_NUM,), dtype=jnp.float32) * 0.01
    # Availability counts per (child j, node): a balanced full tree where every
    # leaf is available -> node at depth i has c**(BC_DIM-1-i) leaves per child.
    aval = np.zeros((CHILD_NUM, NODE_TOTAL), dtype=np.float32)
    for i in range(BC_DIM):
        aval[:, _nnbd(i):_nnbd(i + 1)] = float(CHILD_NUM ** (BC_DIM - 1 - i))
    leaf_id = jnp.arange(NUM_LEAVES, dtype=jnp.int32)
    return {"state": state, "W": W, "b": b, "aval_val": jnp.asarray(aval), "leaf_id": leaf_id}


def reference(state, W, b, aval_val, leaf_id):
    c = CHILD_NUM
    B = state.shape[0]
    aval_list = jnp.broadcast_to(aval_val[:, None, :], (c, B, NODE_TOTAL)).astype(jnp.float32)
    pre_shift = jnp.zeros((B,), jnp.float32)
    pre_mul_choice = jnp.zeros((B,), jnp.float32)
    index_in_leaf = jnp.zeros((B,), jnp.int32)
    batch_ar = jnp.arange(B)
    mix_prob = None
    for i in range(BC_DIM):
        forward_index = (_nnbd(i) + c * pre_shift + pre_mul_choice).astype(jnp.int32)
        pre_shift = c * pre_shift + pre_mul_choice
        # get_pro_by_index: per-sample actor lookup, but all actors share weights
        forward_prob = jax.nn.relu(state @ W + b)  # [B, c]
        # gather_nd(aval_list, [j, batch, forward_index]) -> [B, c]
        aval_item = aval_list[:, batch_ar, forward_index].T  # [B, c]
        aval_prob = aval_item / jnp.sum(aval_item, axis=1, keepdims=True)
        mix_prob = jnp.clip(forward_prob, 1e-30, 1.0) * aval_prob
        # eval mode (training=False): greedy argmax routing
        pre_mul_choice = jnp.argmax(mix_prob, axis=1).astype(jnp.float32)
        onehot = jax.nn.one_hot(forward_index, NODE_TOTAL, dtype=jnp.float32)
        sub = jnp.stack(
            [onehot * (pre_mul_choice == float(j)).astype(jnp.float32)[:, None] for j in range(c)],
            axis=0,
        )
        aval_list = aval_list - sub
        index_in_leaf = index_in_leaf * c + pre_mul_choice.astype(jnp.int32)
    forward_sampled_action = jnp.take(leaf_id, index_in_leaf, axis=0)
    return mix_prob, forward_sampled_action

if __name__ == "__main__":
    import jax
    _d = setup_inputs()
    print(jax.jit(kernel)(*tuple(_d.values())))

</pallas_src>

<mosaic_0001>
#map = affine_map<(d0, d1) -> (0)>
module attributes {stable_mosaic.version = 14 : i64} {
  func.func @_route_body(%arg0: i32, %arg1: i32, %arg2: memref<32768xf32, #tpu.memory_space<hbm>>, %arg3: memref<4368xf32, #tpu.memory_space<hbm>>, %arg4: memref<4096xi32, #tpu.memory_space<hbm>>, %arg5: memref<16xi32, #tpu.memory_space<hbm>>, %arg6: memref<32768xf32, #tpu.memory_space<hbm>>, %arg7: memref<2048xi32, #tpu.memory_space<hbm>>, %arg8: memref<1024xf32, #tpu.memory_space<vmem>>, %arg9: memref<4368xf32, #tpu.memory_space<vmem>>, %arg10: memref<4096xi32, #tpu.memory_space<vmem>>, %arg11: memref<16xi32, #tpu.memory_space<vmem>>, %arg12: memref<1024xf32, #tpu.memory_space<vmem>>, %arg13: memref<64xi32, #tpu.memory_space<vmem>>, %arg14: memref<!tpu.dma_semaphore, #tpu.memory_space<semaphore_mem>>) attributes {dimension_semantics = [#tpu.dimension_semantics<core_parallel>, #tpu.dimension_semantics<subcore_parallel>], iteration_bounds = array<i64: 2, 16>, scalar_prefetch = 0 : i64, scratch_operands = 7 : i64, tpu.core_type = #tpu.core_type<sc_vector_subcore>, window_params = [{transform_indices = #map}, {transform_indices = #map}, {transform_indices = #map}, {transform_indices = #map}, {transform_indices = #map}, {transform_indices = #map}]} {
    %mul3A = arith.constant 2 : i32
    %mul3A_0 = arith.muli %arg1, %mul3A : i32
    %add3A = arith.addi %mul3A_0, %arg0 : i32
    %mul3A_1 = arith.constant 64 : i32
    %mul3A_2 = arith.muli %add3A, %mul3A_1 : i32
    %mul3A_3 = arith.constant 16 : i32
    %mul3A_4 = arith.muli %mul3A_2, %mul3A_3 : i32
    %dma_start3A = tpu.memref_slice %arg2[%mul3A_4] : memref<32768xf32, #tpu.memory_space<hbm>> -> memref<1024xf32, #tpu.memory_space<hbm>>
    %dma_start3A_5 = tpu.memref_slice %arg2[%mul3A_4] : memref<32768xf32, #tpu.memory_space<hbm>> -> memref<1024xf32, #tpu.memory_space<hbm>>
    tpu.enqueue_dma source(%dma_start3A_5 : memref<1024xf32, #tpu.memory_space<hbm>>) target(%arg8 : memref<1024xf32, #tpu.memory_space<vmem>>) target_semaphore(%arg14 : memref<!tpu.dma_semaphore, #tpu.memory_space<semaphore_mem>>)
    tpu.enqueue_dma source(%arg3 : memref<4368xf32, #tpu.memory_space<hbm>>) target(%arg9 : memref<4368xf32, #tpu.memory_space<vmem>>) target_semaphore(%arg14 : memref<!tpu.dma_semaphore, #tpu.memory_space<semaphore_mem>>)
    tpu.enqueue_dma source(%arg4 : memref<4096xi32, #tpu.memory_space<hbm>>) target(%arg10 : memref<4096xi32, #tpu.memory_space<vmem>>) target_semaphore(%arg14 : memref<!tpu.dma_semaphore, #tpu.memory_space<semaphore_mem>>)
    tpu.enqueue_dma source(%arg5 : memref<16xi32, #tpu.memory_space<hbm>>) target(%arg11 : memref<16xi32, #tpu.memory_space<vmem>>) target_semaphore(%arg14 : memref<!tpu.dma_semaphore, #tpu.memory_space<semaphore_mem>>)
    %dma_wait3A = tpu.memref_slice %arg2[%mul3A_4] : memref<32768xf32, #tpu.memory_space<hbm>> -> memref<1024xf32, #tpu.memory_space<hbm>>
    %dma_wait3A_6 = tpu.memref_slice %arg2[%mul3A_4] : memref<32768xf32, #tpu.memory_space<hbm>> -> memref<1024xf32, #tpu.memory_space<hbm>>
    tpu.wait_dma2 semaphore(%arg14 : memref<!tpu.dma_semaphore, #tpu.memory_space<semaphore_mem>>) src(%dma_wait3A_6 : memref<1024xf32, #tpu.memory_space<hbm>>) dst(%arg8 : memref<1024xf32, #tpu.memory_space<vmem>>)
    tpu.wait_dma2 semaphore(%arg14 : memref<!tpu.dma_semaphore, #tpu.memory_space<semaphore_mem>>) src(%arg3 : memref<4368xf32, #tpu.memory_space<hbm>>) dst(%arg9 : memref<4368xf32, #tpu.memory_space<vmem>>)
    tpu.wait_dma2 semaphore(%arg14 : memref<!tpu.dma_semaphore, #tpu.memory_space<semaphore_mem>>) src(%arg4 : memref<4096xi32, #tpu.memory_space<hbm>>) dst(%arg10 : memref<4096xi32, #tpu.memory_space<vmem>>)
    tpu.wait_dma2 semaphore(%arg14 : memref<!tpu.dma_semaphore, #tpu.memory_space<semaphore_mem>>) src(%arg5 : memref<16xi32, #tpu.memory_space<hbm>>) dst(%arg11 : memref<16xi32, #tpu.memory_space<vmem>>)
    %iota3A = tpu.iota {dimensions = array<i32: 0>} : vector<16xi32>
    %get3A = arith.constant 0 : index
    %get3A_7 = tpu.vector_load %arg11[%get3A] {strides = array<i32>} : memref<16xi32, #tpu.memory_space<vmem>>, vector<16xi32>,
    %scan3A = arith.constant 0 : i32
    %scan3A_8 = arith.constant 0 : i32
    %scan3A_9 = arith.constant 4 : i32
    %scan3A_10 = arith.addi %scan3A_8, %scan3A_9 : i32
    %scan3A_11 = arith.constant 1 : i32
    scf.for %scan3A_15 = %scan3A_8 to %scan3A_10 step %scan3A_11  : i32 {
      %mul3A_16 = arith.constant 256 : i32
      %mul3A_17 = arith.muli %scan3A_15, %mul3A_16 : i32
      %mul3A_18 = arith.constant 16 : i32
      %mul3A_19 = vector.broadcast %mul3A_18 : i32 to vector<16xi32>
      %mul3A_20 = arith.muli %iota3A, %mul3A_19 : vector<16xi32>
      %add3A_21 = vector.broadcast %mul3A_17 : i32 to vector<16xi32>
      %add3A_22 = arith.addi %add3A_21, %mul3A_20 : vector<16xi32>
      %add3A_23 = arith.constant 0 : i32
      %add3A_24 = vector.broadcast %add3A_23 : i32 to vector<16xi32>
      %add3A_25 = arith.addi %add3A_22, %add3A_24 : vector<16xi32>
      %gather3A = tpu.vector_load_idx %arg8[%add3A_25] : memref<1024xf32, #tpu.memory_space<vmem>>[vector<16xi32>], vector<16xf32>,
      %max3A = arith.constant 1.000000e-30 : f32
      %max3A_26 = vector.broadcast %max3A : f32 to vector<16xf32>
      %max3A_27 = arith.maximumf %gather3A, %max3A_26 : vector<16xf32>
      %min3A = arith.constant 1.000000e+00 : f32
      %min3A_28 = vector.broadcast %min3A : f32 to vector<16xf32>
      %min3A_29 = arith.minimumf %max3A_27, %min3A_28 : vector<16xf32>
      %mul3A_30 = arith.constant 16 : i32
      %mul3A_31 = vector.broadcast %mul3A_30 : i32 to vector<16xi32>
      %mul3A_32 = arith.muli %iota3A, %mul3A_31 : vector<16xi32>
      %add3A_33 = vector.broadcast %mul3A_17 : i32 to vector<16xi32>
      %add3A_34 = arith.addi %add3A_33, %mul3A_32 : vector<16xi32>
      %add3A_35 = arith.constant 1 : i32
      %add3A_36 = vector.broadcast %add3A_35 : i32 to vector<16xi32>
      %add3A_37 = arith.addi %add3A_34, %add3A_36 : vector<16xi32>
      %gather3A_38 = tpu.vector_load_idx %arg8[%add3A_37] : memref<1024xf32, #tpu.memory_space<vmem>>[vector<16xi32>], vector<16xf32>,
      %max3A_39 = arith.constant 1.000000e-30 : f32
      %max3A_40 = vector.broadcast %max3A_39 : f32 to vector<16xf32>
      %max3A_41 = arith.maximumf %gather3A_38, %max3A_40 : vector<16xf32>
      %min3A_42 = arith.constant 1.000000e+00 : f32
      %min3A_43 = vector.broadcast %min3A_42 : f32 to vector<16xf32>
      %min3A_44 = arith.minimumf %max3A_41, %min3A_43 : vector<16xf32>
      %mul3A_45 = arith.constant 16 : i32
      %mul3A_46 = vector.broadcast %mul3A_45 : i32 to vector<16xi32>
      %mul3A_47 = arith.muli %iota3A, %mul3A_46 : vector<16xi32>
      %add3A_48 = vector.broadcast %mul3A_17 : i32 to vector<16xi32>
      %add3A_49 = arith.addi %add3A_48, %mul3A_47 : vector<16xi32>
      %add3A_50 = arith.constant 2 : i32
      %add3A_51 = vector.broadcast %add3A_50 : i32 to vector<16xi32>
      %add3A_52 = arith.addi %add3A_49, %add3A_51 : vector<16xi32>
      %gather3A_53 = tpu.vector_load_idx %arg8[%add3A_52] : memref<1024xf32, #tpu.memory_space<vmem>>[vector<16xi32>], vector<16xf32>,
      %max3A_54 = arith.constant 1.000000e-30 : f32
      %max3A_55 = vector.broadcast %max3A_54 : f32 to vector<16xf32>
      %max3A_56 = arith.maximumf %gather3A_53, %max3A_55 : vector<16xf32>
      %min3A_57 = arith.constant 1.000000e+00 : f32
      %min3A_58 = vector.broadcast %min3A_57 : f32 to vector<16xf32>
      %min3A_59 = arith.minimumf %max3A_56, %min3A_58 : vector<16xf32>
      %mul3A_60 = arith.constant 16 : i32
      %mul3A_61 = vector.broadcast %mul3A_60 : i32 to vector<16xi32>
      %mul3A_62 = arith.muli %iota3A, %mul3A_61 : vector<16xi32>
      %add3A_63 = vector.broadcast %mul3A_17 : i32 to vector<16xi32>
      %add3A_64 = arith.addi %add3A_63, %mul3A_62 : vector<16xi32>
      %add3A_65 = arith.constant 3 : i32
      %add3A_66 = vector.broadcast %add3A_65 : i32 to vector<16xi32>
      %add3A_67 = arith.addi %add3A_64, %add3A_66 : vector<16xi32>
      %gather3A_68 = tpu.vector_load_idx %arg8[%add3A_67] : memref<1024xf32, #tpu.memory_space<vmem>>[vector<16xi32>], vector<16xf32>,
      %max3A_69 = arith.constant 1.000000e-30 : f32
      %max3A_70 = vector.broadcast %max3A_69 : f32 to vector<16xf32>
      %max3A_71 = arith.maximumf %gather3A_68, %max3A_70 : vector<16xf32>
      %min3A_72 = arith.constant 1.000000e+00 : f32
      %min3A_73 = vector.broadcast %min3A_72 : f32 to vector<16xf32>
      %min3A_74 = arith.minimumf %max3A_71, %min3A_73 : vector<16xf32>
      %mul3A_75 = arith.constant 16 : i32
      %mul3A_76 = vector.broadcast %mul3A_75 : i32 to vector<16xi32>
      %mul3A_77 = arith.muli %iota3A, %mul3A_76 : vector<16xi32>
      %add3A_78 = vector.broadcast %mul3A_17 : i32 to vector<16xi32>
      %add3A_79 = arith.addi %add3A_78, %mul3A_77 : vector<16xi32>
      %add3A_80 = arith.constant 4 : i32
      %add3A_81 = vector.broadcast %add3A_80 : i32 to vector<16xi32>
      %add3A_82 = arith.addi %add3A_79, %add3A_81 : vector<16xi32>
      %gather3A_83 = tpu.vector_load_idx %arg8[%add3A_82] : memref<1024xf32, #tpu.memory_space<vmem>>[vector<16xi32>], vector<16xf32>,
      %max3A_84 = arith.constant 1.000000e-30 : f32
      %max3A_85 = vector.broadcast %max3A_84 : f32 to vector<16xf32>
      %max3A_86 = arith.maximumf %gather3A_83, %max3A_85 : vector<16xf32>
      %min3A_87 = arith.constant 1.000000e+00 : f32
      %min3A_88 = vector.broadcast %min3A_87 : f32 to vector<16xf32>
      %min3A_89 = arith.minimumf %max3A_86, %min3A_88 : vector<16xf32>
      %mul3A_90 = arith.constant 16 : i32
      %mul3A_91 = vector.broadcast %mul3A_90 : i32 to vector<16xi32>
      %mul3A_92 = arith.muli %iota3A, %mul3A_91 : vector<16xi32>
      %add3A_93 = vector.broadcast %mul3A_17 : i32 to vector<16xi32>
      %add3A_94 = arith.addi %add3A_93, %mul3A_92 : vector<16xi32>
      %add3A_95 = arith.constant 5 : i32
      %add3A_96 = vector.broadcast %add3A_95 : i32 to vector<16xi32>
      %add3A_97 = arith.addi %add3A_94, %add3A_96 : vector<16xi32>
      %gather3A_98 = tpu.vector_load_idx %arg8[%add3A_97] : memref<1024xf32, #tpu.memory_space<vmem>>[vector<16xi32>], vector<16xf32>,
      %max3A_99 = arith.constant 1.000000e-30 : f32
      %max3A_100 = vector.broadcast %max3A_99 : f32 to vector<16xf32>
      %max3A_101 = arith.maximumf %gather3A_98, %max3A_100 : vector<16xf32>
      %min3A_102 = arith.constant 1.000000e+00 : f32
      %min3A_103 = vector.broadcast %min3A_102 : f32 to vector<16xf32>
      %min3A_104 = arith.minimumf %max3A_101, %min3A_103 : vector<16xf32>
      %mul3A_105 = arith.constant 16 : i32
      %mul3A_106 = vector.broadcast %mul3A_105 : i32 to vector<16xi32>
      %mul3A_107 = arith.muli %iota3A, %mul3A_106 : vector<16xi32>
      %add3A_108 = vector.broadcast %mul3A_17 : i32 to vector<16xi32>
      %add3A_109 = arith.addi %add3A_108, %mul3A_107 : vector<16xi32>
      %add3A_110 = arith.constant 6 : i32
      %add3A_111 = vector.broadcast %add3A_110 : i32 to vector<16xi32>
      %add3A_112 = arith.addi %add3A_109, %add3A_111 : vector<16xi32>
      %gather3A_113 = tpu.vector_load_idx %arg8[%add3A_112] : memref<1024xf32, #tpu.memory_space<vmem>>[vector<16xi32>], vector<16xf32>,
      %max3A_114 = arith.constant 1.000000e-30 : f32
      %max3A_115 = vector.broadcast %max3A_114 : f32 to vector<16xf32>
      %max3A_116 = arith.maximumf %gather3A_113, %max3A_115 : vector<16xf32>
      %min3A_117 = arith.constant 1.000000e+00 : f32
      %min3A_118 = vector.broadcast %min3A_117 : f32 to vector<16xf32>
      %min3A_119 = arith.minimumf %max3A_116, %min3A_118 : vector<16xf32>
      %mul3A_120 = arith.constant 16 : i32
      %mul3A_121 = vector.broadcast %mul3A_120 : i32 to vector<16xi32>
      %mul3A_122 = arith.muli %iota3A, %mul3A_121 : vector<16xi32>
      %add3A_123 = vector.broadcast %mul3A_17 : i32 to vector<16xi32>
      %add3A_124 = arith.addi %add3A_123, %mul3A_122 : vector<16xi32>
      %add3A_125 = arith.constant 7 : i32
      %add3A_126 = vector.broadcast %add3A_125 : i32 to vector<16xi32>
      %add3A_127 = arith.addi %add3A_124, %add3A_126 : vector<16xi32>
      %gather3A_128 = tpu.vector_load_idx %arg8[%add3A_127] : memref<1024xf32, #tpu.memory_space<vmem>>[vector<16xi32>], vector<16xf32>,
      %max3A_129 = arith.constant 1.000000e-30 : f32
      %max3A_130 = vector.broadcast %max3A_129 : f32 to vector<16xf32>
      %max3A_131 = arith.maximumf %gather3A_128, %max3A_130 : vector<16xf32>
      %min3A_132 = arith.constant 1.000000e+00 : f32
      %min3A_133 = vector.broadcast %min3A_132 : f32 to vector<16xf32>
      %min3A_134 = arith.minimumf %max3A_131, %min3A_133 : vector<16xf32>
      %mul3A_135 = arith.constant 16 : i32
      %mul3A_136 = vector.broadcast %mul3A_135 : i32 to vector<16xi32>
      %mul3A_137 = arith.muli %iota3A, %mul3A_136 : vector<16xi32>
      %add3A_138 = vector.broadcast %mul3A_17 : i32 to vector<16xi32>
      %add3A_139 = arith.addi %add3A_138, %mul3A_137 : vector<16xi32>
      %add3A_140 = arith.constant 8 : i32
      %add3A_141 = vector.broadcast %add3A_140 : i32 to vector<16xi32>
      %add3A_142 = arith.addi %add3A_139, %add3A_141 : vector<16xi32>
      %gather3A_143 = tpu.vector_load_idx %arg8[%add3A_142] : memref<1024xf32, #tpu.memory_space<vmem>>[vector<16xi32>], vector<16xf32>,
      %max3A_144 = arith.constant 1.000000e-30 : f32
      %max3A_145 = vector.broadcast %max3A_144 : f32 to vector<16xf32>
      %max3A_146 = arith.maximumf %gather3A_143, %max3A_145 : vector<16xf32>
      %min3A_147 = arith.constant 1.000000e+00 : f32
      %min3A_148 = vector.broadcast %min3A_147 : f32 to vector<16xf32>
      %min3A_149 = arith.minimumf %max3A_146, %min3A_148 : vector<16xf32>
      %mul3A_150 = arith.constant 16 : i32
      %mul3A_151 = vector.broadcast %mul3A_150 : i32 to vector<16xi32>
      %mul3A_152 = arith.muli %iota3A, %mul3A_151 : vector<16xi32>
      %add3A_153 = vector.broadcast %mul3A_17 : i32 to vector<16xi32>
      %add3A_154 = arith.addi %add3A_153, %mul3A_152 : vector<16xi32>
      %add3A_155 = arith.constant 9 : i32
      %add3A_156 = vector.broadcast %add3A_155 : i32 to vector<16xi32>
      %add3A_157 = arith.addi %add3A_154, %add3A_156 : vector<16xi32>
      %gather3A_158 = tpu.vector_load_idx %arg8[%add3A_157] : memref<1024xf32, #tpu.memory_space<vmem>>[vector<16xi32>], vector<16xf32>,
      %max3A_159 = arith.constant 1.000000e-30 : f32
      %max3A_160 = vector.broadcast %max3A_159 : f32 to vector<16xf32>
      %max3A_161 = arith.maximumf %gather3A_158, %max3A_160 : vector<16xf32>
      %min3A_162 = arith.constant 1.000000e+00 : f32
      %min3A_163 = vector.broadcast %min3A_162 : f32 to vector<16xf32>
      %min3A_164 = arith.minimumf %max3A_161, %min3A_163 : vector<16xf32>
      %mul3A_165 = arith.constant 16 : i32
      %mul3A_166 = vector.broadcast %mul3A_165 : i32 to vector<16xi32>
      %mul3A_167 = arith.muli %iota3A, %mul3A_166 : vector<16xi32>
      %add3A_168 = vector.broadcast %mul3A_17 : i32 to vector<16xi32>
      %add3A_169 = arith.addi %add3A_168, %mul3A_167 : vector<16xi32>
      %add3A_170 = arith.constant 10 : i32
      %add3A_171 = vector.broadcast %add3A_170 : i32 to vector<16xi32>
      %add3A_172 = arith.addi %add3A_169, %add3A_171 : vector<16xi32>
      %gather3A_173 = tpu.vector_load_idx %arg8[%add3A_172] : memref<1024xf32, #tpu.memory_space<vmem>>[vector<16xi32>], vector<16xf32>,
      %max3A_174 = arith.constant 1.000000e-30 : f32
      %max3A_175 = vector.broadcast %max3A_174 : f32 to vector<16xf32>
      %max3A_176 = arith.maximumf %gather3A_173, %max3A_175 : vector<16xf32>
      %min3A_177 = arith.constant 1.000000e+00 : f32
      %min3A_178 = vector.broadcast %min3A_177 : f32 to vector<16xf32>
      %min3A_179 = arith.minimumf %max3A_176, %min3A_178 : vector<16xf32>
      %mul3A_180 = arith.constant 16 : i32
      %mul3A_181 = vector.broadcast %mul3A_180 : i32 to vector<16xi32>
      %mul3A_182 = arith.muli %iota3A, %mul3A_181 : vector<16xi32>
      %add3A_183 = vector.broadcast %mul3A_17 : i32 to vector<16xi32>
      %add3A_184 = arith.addi %add3A_183, %mul3A_182 : vector<16xi32>
      %add3A_185 = arith.constant 11 : i32
      %add3A_186 = vector.broadcast %add3A_185 : i32 to vector<16xi32>
      %add3A_187 = arith.addi %add3A_184, %add3A_186 : vector<16xi32>
      %gather3A_188 = tpu.vector_load_idx %arg8[%add3A_187] : memref<1024xf32, #tpu.memory_space<vmem>>[vector<16xi32>], vector<16xf32>,
      %max3A_189 = arith.constant 1.000000e-30 : f32
      %max3A_190 = vector.broadcast %max3A_189 : f32 to vector<16xf32>
      %max3A_191 = arith.maximumf %gather3A_188, %max3A_190 : vector<16xf32>
      %min3A_192 = arith.constant 1.000000e+00 : f32
      %min3A_193 = vector.broadcast %min3A_192 : f32 to vector<16xf32>
      %min3A_194 = arith.minimumf %max3A_191, %min3A_193 : vector<16xf32>
      %mul3A_195 = arith.constant 16 : i32
      %mul3A_196 = vector.broadcast %mul3A_195 : i32 to vector<16xi32>
      %mul3A_197 = arith.muli %iota3A, %mul3A_196 : vector<16xi32>
      %add3A_198 = vector.broadcast %mul3A_17 : i32 to vector<16xi32>
      %add3A_199 = arith.addi %add3A_198, %mul3A_197 : vector<16xi32>
      %add3A_200 = arith.constant 12 : i32
      %add3A_201 = vector.broadcast %add3A_200 : i32 to vector<16xi32>
      %add3A_202 = arith.addi %add3A_199, %add3A_201 : vector<16xi32>
      %gather3A_203 = tpu.vector_load_idx %arg8[%add3A_202] : memref<1024xf32, #tpu.memory_space<vmem>>[vector<16xi32>], vector<16xf32>,
      %max3A_204 = arith.constant 1.000000e-30 : f32
      %max3A_205 = vector.broadcast %max3A_204 : f32 to vector<16xf32>
      %max3A_206 = arith.maximumf %gather3A_203, %max3A_205 : vector<16xf32>
      %min3A_207 = arith.constant 1.000000e+00 : f32
      %min3A_208 = vector.broadcast %min3A_207 : f32 to vector<16xf32>
      %min3A_209 = arith.minimumf %max3A_206, %min3A_208 : vector<16xf32>
      %mul3A_210 = arith.constant 16 : i32
      %mul3A_211 = vector.broadcast %mul3A_210 : i32 to vector<16xi32>
      %mul3A_212 = arith.muli %iota3A, %mul3A_211 : vector<16xi32>
      %add3A_213 = vector.broadcast %mul3A_17 : i32 to vector<16xi32>
      %add3A_214 = arith.addi %add3A_213, %mul3A_212 : vector<16xi32>
      %add3A_215 = arith.constant 13 : i32
      %add3A_216 = vector.broadcast %add3A_215 : i32 to vector<16xi32>
      %add3A_217 = arith.addi %add3A_214, %add3A_216 : vector<16xi32>
      %gather3A_218 = tpu.vector_load_idx %arg8[%add3A_217] : memref<1024xf32, #tpu.memory_space<vmem>>[vector<16xi32>], vector<16xf32>,
      %max3A_219 = arith.constant 1.000000e-30 : f32
      %max3A_220 = vector.broadcast %max3A_219 : f32 to vector<16xf32>
      %max3A_221 = arith.maximumf %gather3A_218, %max3A_220 : vector<16xf32>
      %min3A_222 = arith.constant 1.000000e+00 : f32
      %min3A_223 = vector.broadcast %min3A_222 : f32 to vector<16xf32>
      %min3A_224 = arith.minimumf %max3A_221, %min3A_223 : vector<16xf32>
      %mul3A_225 = arith.constant 16 : i32
      %mul3A_226 = vector.broadcast %mul3A_225 : i32 to vector<16xi32>
      %mul3A_227 = arith.muli %iota3A, %mul3A_226 : vector<16xi32>
      %add3A_228 = vector.broadcast %mul3A_17 : i32 to vector<16xi32>
      %add3A_229 = arith.addi %add3A_228, %mul3A_227 : vector<16xi32>
      %add3A_230 = arith.constant 14 : i32
      %add3A_231 = vector.broadcast %add3A_230 : i32 to vector<16xi32>
      %add3A_232 = arith.addi %add3A_229, %add3A_231 : vector<16xi32>
      %gather3A_233 = tpu.vector_load_idx %arg8[%add3A_232] : memref<1024xf32, #tpu.memory_space<vmem>>[vector<16xi32>], vector<16xf32>,
      %max3A_234 = arith.constant 1.000000e-30 : f32
      %max3A_235 = vector.broadcast %max3A_234 : f32 to vector<16xf32>
      %max3A_236 = arith.maximumf %gather3A_233, %max3A_235 : vector<16xf32>
      %min3A_237 = arith.constant 1.000000e+00 : f32
      %min3A_238 = vector.broadcast %min3A_237 : f32 to vector<16xf32>
      %min3A_239 = arith.minimumf %max3A_236, %min3A_238 : vector<16xf32>
      %mul3A_240 = arith.constant 16 : i32
      %mul3A_241 = vector.broadcast %mul3A_240 : i32 to vector<16xi32>
      %mul3A_242 = arith.muli %iota3A, %mul3A_241 : vector<16xi32>
      %add3A_243 = vector.broadcast %mul3A_17 : i32 to vector<16xi32>
      %add3A_244 = arith.addi %add3A_243, %mul3A_242 : vector<16xi32>
      %add3A_245 = arith.constant 15 : i32
      %add3A_246 = vector.broadcast %add3A_245 : i32 to vector<16xi32>
      %add3A_247 = arith.addi %add3A_244, %add3A_246 : vector<16xi32>
      %gather3A_248 = tpu.vector_load_idx %arg8[%add3A_247] : memref<1024xf32, #tpu.memory_space<vmem>>[vector<16xi32>], vector<16xf32>,
      %max3A_249 = arith.constant 1.000000e-30 : f32
      %max3A_250 = vector.broadcast %max3A_249 : f32 to vector<16xf32>
      %max3A_251 = arith.maximumf %gather3A_248, %max3A_250 : vector<16xf32>
      %min3A_252 = arith.constant 1.000000e+00 : f32
      %min3A_253 = vector.broadcast %min3A_252 : f32 to vector<16xf32>
      %min3A_254 = arith.minimumf %max3A_251, %min3A_253 : vector<16xf32>
      %add3A_255 = arith.constant 0 : i32
      %add3A_256 = vector.broadcast %add3A_255 : i32 to vector<16xi32>
      %add3A_257 = arith.addi %add3A_256, %get3A_7 : vector<16xi32>
      %gather3A_258 = tpu.vector_load_idx %arg9[%add3A_257] : memref<4368xf32, #tpu.memory_space<vmem>>[vector<16xi32>], vector<16xf32>,
      %add3A_259 = arith.constant 273 : i32
      %add3A_260 = vector.broadcast %add3A_259 : i32 to vector<16xi32>
      %add3A_261 = arith.addi %add3A_260, %get3A_7 : vector<16xi32>
      %gather3A_262 = tpu.vector_load_idx %arg9[%add3A_261] : memref<4368xf32, #tpu.memory_space<vmem>>[vector<16xi32>], vector<16xf32>,
      %add3A_263 = arith.constant 546 : i32
      %add3A_264 = vector.broadcast %add3A_263 : i32 to vector<16xi32>
      %add3A_265 = arith.addi %add3A_264, %get3A_7 : vector<16xi32>
      %gather3A_266 = tpu.vector_load_idx %arg9[%add3A_265] : memref<4368xf32, #tpu.memory_space<vmem>>[vector<16xi32>], vector<16xf32>,
      %add3A_267 = arith.constant 819 : i32
      %add3A_268 = vector.broadcast %add3A_267 : i32 to vector<16xi32>
      %add3A_269 = arith.addi %add3A_268, %get3A_7 : vector<16xi32>
      %gather3A_270 = tpu.vector_load_idx %arg9[%add3A_269] : memref<4368xf32, #tpu.memory_space<vmem>>[vector<16xi32>], vector<16xf32>,
      %add3A_271 = arith.constant 1092 : i32
      %add3A_272 = vector.broadcast %add3A_271 : i32 to vector<16xi32>
      %add3A_273 = arith.addi %add3A_272, %get3A_7 : vector<16xi32>
      %gather3A_274 = tpu.vector_load_idx %arg9[%add3A_273] : memref<4368xf32, #tpu.memory_space<vmem>>[vector<16xi32>], vector<16xf32>,
      %add3A_275 = arith.constant 1365 : i32
      %add3A_276 = vector.broadcast %add3A_275 : i32 to vector<16xi32>
      %add3A_277 = arith.addi %add3A_276, %get3A_7 : vector<16xi32>
      %gather3A_278 = tpu.vector_load_idx %arg9[%add3A_277] : memref<4368xf32, #tpu.memory_space<vmem>>[vector<16xi32>], vector<16xf32>,
      %add3A_279 = arith.constant 1638 : i32
      %add3A_280 = vector.broadcast %add3A_279 : i32 to vector<16xi32>
      %add3A_281 = arith.addi %add3A_280, %get3A_7 : vector<16xi32>
      %gather3A_282 = tpu.vector_load_idx %arg9[%add3A_281] : memref<4368xf32, #tpu.memory_space<vmem>>[vector<16xi32>], vector<16xf32>,
      %add3A_283 = arith.constant 1911 : i32
      %add3A_284 = vector.broadcast %add3A_283 : i32 to vector<16xi32>
      %add3A_285 = arith.addi %add3A_284, %get3A_7 : vector<16xi32>
      %gather3A_286 = tpu.vector_load_idx %arg9[%add3A_285] : memref<4368xf32, #tpu.memory_space<vmem>>[vector<16xi32>], vector<16xf32>,
      %add3A_287 = arith.constant 2184 : i32
      %add3A_288 = vector.broadcast %add3A_287 : i32 to vector<16xi32>
      %add3A_289 = arith.addi %add3A_288, %get3A_7 : vector<16xi32>
      %gather3A_290 = tpu.vector_load_idx %arg9[%add3A_289] : memref<4368xf32, #tpu.memory_space<vmem>>[vector<16xi32>], vector<16xf32>,
      %add3A_291 = arith.constant 2457 : i32
      %add3A_292 = vector.broadcast %add3A_291 : i32 to vector<16xi32>
      %add3A_293 = arith.addi %add3A_292, %get3A_7 : vector<16xi32>
      %gather3A_294 = tpu.vector_load_idx %arg9[%add3A_293] : memref<4368xf32, #tpu.memory_space<vmem>>[vector<16xi32>], vector<16xf32>,
      %add3A_295 = arith.constant 2730 : i32
      %add3A_296 = vector.broadcast %add3A_295 : i32 to vector<16xi32>
      %add3A_297 = arith.addi %add3A_296, %get3A_7 : vector<16xi32>
      %gather3A_298 = tpu.vector_load_idx %arg9[%add3A_297] : memref<4368xf32, #tpu.memory_space<vmem>>[vector<16xi32>], vector<16xf32>,
      %add3A_299 = arith.constant 3003 : i32
      %add3A_300 = vector.broadcast %add3A_299 : i32 to vector<16xi32>
      %add3A_301 = arith.addi %add3A_300, %get3A_7 : vector<16xi32>
      %gather3A_302 = tpu.vector_load_idx %arg9[%add3A_301] : memref<4368xf32, #tpu.memory_space<vmem>>[vector<16xi32>], vector<16xf32>,
      %add3A_303 = arith.constant 3276 : i32
      %add3A_304 = vector.broadcast %add3A_303 : i32 to vector<16xi32>
      %add3A_305 = arith.addi %add3A_304, %get3A_7 : vector<16xi32>
      %gather3A_306 = tpu.vector_load_idx %arg9[%add3A_305] : memref<4368xf32, #tpu.memory_space<vmem>>[vector<16xi32>], vector<16xf32>,
      %add3A_307 = arith.constant 3549 : i32
      %add3A_308 = vector.broadcast %add3A_307 : i32 to vector<16xi32>
      %add3A_309 = arith.addi %add3A_308, %get3A_7 : vector<16xi32>
      %gather3A_310 = tpu.vector_load_idx %arg9[%add3A_309] : memref<4368xf32, #tpu.memory_space<vmem>>[vector<16xi32>], vector<16xf32>,
      %add3A_311 = arith.constant 3822 : i32
      %add3A_312 = vector.broadcast %add3A_311 : i32 to vector<16xi32>
      %add3A_313 = arith.addi %add3A_312, %get3A_7 : vector<16xi32>
      %gather3A_314 = tpu.vector_load_idx %arg9[%add3A_313] : memref<4368xf32, #tpu.memory_space<vmem>>[vector<16xi32>], vector<16xf32>,
      %add3A_315 = arith.constant 4095 : i32
      %add3A_316 = vector.broadcast %add3A_315 : i32 to vector<16xi32>
      %add3A_317 = arith.addi %add3A_316, %get3A_7 : vector<16xi32>
      %gather3A_318 = tpu.vector_load_idx %arg9[%add3A_317] : memref<4368xf32, #tpu.memory_space<vmem>>[vector<16xi32>], vector<16xf32>,
      %add3A_319 = arith.addf %gather3A_258, %gather3A_262 : vector<16xf32>
      %add3A_320 = arith.addf %add3A_319, %gather3A_266 : vector<16xf32>
      %add3A_321 = arith.addf %add3A_320, %gather3A_270 : vector<16xf32>
      %add3A_322 = arith.addf %add3A_321, %gather3A_274 : vector<16xf32>
      %add3A_323 = arith.addf %add3A_322, %gather3A_278 : vector<16xf32>
      %add3A_324 = arith.addf %add3A_323, %gather3A_282 : vector<16xf32>
      %add3A_325 = arith.addf %add3A_324, %gather3A_286 : vector<16xf32>
      %add3A_326 = arith.addf %add3A_325, %gather3A_290 : vector<16xf32>
      %add3A_327 = arith.addf %add3A_326, %gather3A_294 : vector<16xf32>
      %add3A_328 = arith.addf %add3A_327, %gather3A_298 : vector<16xf32>
      %add3A_329 = arith.addf %add3A_328, %gather3A_302 : vector<16xf32>
      %add3A_330 = arith.addf %add3A_329, %gather3A_306 : vector<16xf32>
      %add3A_331 = arith.addf %add3A_330, %gather3A_310 : vector<16xf32>
      %add3A_332 = arith.addf %add3A_331, %gather3A_314 : vector<16xf32>
      %add3A_333 = arith.addf %add3A_332, %gather3A_318 : vector<16xf32>
      %div3A = arith.constant 1.000000e+00 : f32
      %div3A_334 = vector.broadcast %div3A : f32 to vector<16xf32>
      %div3A_335 = arith.divf %div3A_334, %add3A_333 : vector<16xf32>
      %mul3A_336 = arith.mulf %gather3A_258, %div3A_335 : vector<16xf32>
      %mul3A_337 = arith.mulf %min3A_29, %mul3A_336 : vector<16xf32>
      %mul3A_338 = arith.mulf %gather3A_262, %div3A_335 : vector<16xf32>
      %mul3A_339 = arith.mulf %min3A_44, %mul3A_338 : vector<16xf32>
      %gt3A = arith.cmpf ogt, %mul3A_339, %mul3A_337 : vector<16xf32>
      %select_n3A = arith.select %gt3A, %mul3A_339, %mul3A_337 : vector<16xi1>, vector<16xf32>
      %broadcast_in_dim3A = arith.constant 1 : i32
      %broadcast_in_dim3A_340 = vector.broadcast %broadcast_in_dim3A : i32 to vector<16xi32>
      %select_n3A_341 = arith.select %gt3A, %broadcast_in_dim3A_340, %get3A_7 : vector<16xi1>, vector<16xi32>
      %mul3A_342 = arith.mulf %gather3A_266, %div3A_335 : vector<16xf32>
      %mul3A_343 = arith.mulf %min3A_59, %mul3A_342 : vector<16xf32>
      %gt3A_344 = arith.cmpf ogt, %mul3A_343, %select_n3A : vector<16xf32>
      %select_n3A_345 = arith.select %gt3A_344, %mul3A_343, %select_n3A : vector<16xi1>, vector<16xf32>
      %broadcast_in_dim3A_346 = arith.constant 2 : i32
      %broadcast_in_dim3A_347 = vector.broadcast %broadcast_in_dim3A_346 : i32 to vector<16xi32>
      %select_n3A_348 = arith.select %gt3A_344, %broadcast_in_dim3A_347, %select_n3A_341 : vector<16xi1>, vector<16xi32>
      %mul3A_349 = arith.mulf %gather3A_270, %div3A_335 : vector<16xf32>
      %mul3A_350 = arith.mulf %min3A_74, %mul3A_349 : vector<16xf32>
      %gt3A_351 = arith.cmpf ogt, %mul3A_350, %select_n3A_345 : vector<16xf32>
      %select_n3A_352 = arith.select %gt3A_351, %mul3A_350, %select_n3A_345 : vector<16xi1>, vector<16xf32>
      %broadcast_in_dim3A_353 = arith.constant 3 : i32
      %broadcast_in_dim3A_354 = vector.broadcast %broadcast_in_dim3A_353 : i32 to vector<16xi32>
      %select_n3A_355 = arith.select %gt3A_351, %broadcast_in_dim3A_354, %select_n3A_348 : vector<16xi1>, vector<16xi32>
      %mul3A_356 = arith.mulf %gather3A_274, %div3A_335 : vector<16xf32>
      %mul3A_357 = arith.mulf %min3A_89, %mul3A_356 : vector<16xf32>
      %gt3A_358 = arith.cmpf ogt, %mul3A_357, %select_n3A_352 : vector<16xf32>
      %select_n3A_359 = arith.select %gt3A_358, %mul3A_357, %select_n3A_352 : vector<16xi1>, vector<16xf32>
      %broadcast_in_dim3A_360 = arith.constant 4 : i32
      %broadcast_in_dim3A_361 = vector.broadcast %broadcast_in_dim3A_360 : i32 to vector<16xi32>
      %select_n3A_362 = arith.select %gt3A_358, %broadcast_in_dim3A_361, %select_n3A_355 : vector<16xi1>, vector<16xi32>
      %mul3A_363 = arith.mulf %gather3A_278, %div3A_335 : vector<16xf32>
      %mul3A_364 = arith.mulf %min3A_104, %mul3A_363 : vector<16xf32>
      %gt3A_365 = arith.cmpf ogt, %mul3A_364, %select_n3A_359 : vector<16xf32>
      %select_n3A_366 = arith.select %gt3A_365, %mul3A_364, %select_n3A_359 : vector<16xi1>, vector<16xf32>
      %broadcast_in_dim3A_367 = arith.constant 5 : i32
      %broadcast_in_dim3A_368 = vector.broadcast %broadcast_in_dim3A_367 : i32 to vector<16xi32>
      %select_n3A_369 = arith.select %gt3A_365, %broadcast_in_dim3A_368, %select_n3A_362 : vector<16xi1>, vector<16xi32>
      %mul3A_370 = arith.mulf %gather3A_282, %div3A_335 : vector<16xf32>
      %mul3A_371 = arith.mulf %min3A_119, %mul3A_370 : vector<16xf32>
      %gt3A_372 = arith.cmpf ogt, %mul3A_371, %select_n3A_366 : vector<16xf32>
      %select_n3A_373 = arith.select %gt3A_372, %mul3A_371, %select_n3A_366 : vector<16xi1>, vector<16xf32>
      %broadcast_in_dim3A_374 = arith.constant 6 : i32
      %broadcast_in_dim3A_375 = vector.broadcast %broadcast_in_dim3A_374 : i32 to vector<16xi32>
      %select_n3A_376 = arith.select %gt3A_372, %broadcast_in_dim3A_375, %select_n3A_369 : vector<16xi1>, vector<16xi32>
      %mul3A_377 = arith.mulf %gather3A_286, %div3A_335 : vector<16xf32>
      %mul3A_378 = arith.mulf %min3A_134, %mul3A_377 : vector<16xf32>
      %gt3A_379 = arith.cmpf ogt, %mul3A_378, %select_n3A_373 : vector<16xf32>
      %select_n3A_380 = arith.select %gt3A_379, %mul3A_378, %select_n3A_373 : vector<16xi1>, vector<16xf32>
      %broadcast_in_dim3A_381 = arith.constant 7 : i32
      %broadcast_in_dim3A_382 = vector.broadcast %broadcast_in_dim3A_381 : i32 to vector<16xi32>
      %select_n3A_383 = arith.select %gt3A_379, %broadcast_in_dim3A_382, %select_n3A_376 : vector<16xi1>, vector<16xi32>
      %mul3A_384 = arith.mulf %gather3A_290, %div3A_335 : vector<16xf32>
      %mul3A_385 = arith.mulf %min3A_149, %mul3A_384 : vector<16xf32>
      %gt3A_386 = arith.cmpf ogt, %mul3A_385, %select_n3A_380 : vector<16xf32>
      %select_n3A_387 = arith.select %gt3A_386, %mul3A_385, %select_n3A_380 : vector<16xi1>, vector<16xf32>
      %broadcast_in_dim3A_388 = arith.constant 8 : i32
      %broadcast_in_dim3A_389 = vector.broadcast %broadcast_in_dim3A_388 : i32 to vector<16xi32>
      %select_n3A_390 = arith.select %gt3A_386, %broadcast_in_dim3A_389, %select_n3A_383 : vector<16xi1>, vector<16xi32>
      %mul3A_391 = arith.mulf %gather3A_294, %div3A_335 : vector<16xf32>
      %mul3A_392 = arith.mulf %min3A_164, %mul3A_391 : vector<16xf32>
      %gt3A_393 = arith.cmpf ogt, %mul3A_392, %select_n3A_387 : vector<16xf32>
      %select_n3A_394 = arith.select %gt3A_393, %mul3A_392, %select_n3A_387 : vector<16xi1>, vector<16xf32>
      %broadcast_in_dim3A_395 = arith.constant 9 : i32
      %broadcast_in_dim3A_396 = vector.broadcast %broadcast_in_dim3A_395 : i32 to vector<16xi32>
      %select_n3A_397 = arith.select %gt3A_393, %broadcast_in_dim3A_396, %select_n3A_390 : vector<16xi1>, vector<16xi32>
      %mul3A_398 = arith.mulf %gather3A_298, %div3A_335 : vector<16xf32>
      %mul3A_399 = arith.mulf %min3A_179, %mul3A_398 : vector<16xf32>
      %gt3A_400 = arith.cmpf ogt, %mul3A_399, %select_n3A_394 : vector<16xf32>
      %select_n3A_401 = arith.select %gt3A_400, %mul3A_399, %select_n3A_394 : vector<16xi1>, vector<16xf32>
      %broadcast_in_dim3A_402 = arith.constant 10 : i32
      %broadcast_in_dim3A_403 = vector.broadcast %broadcast_in_dim3A_402 : i32 to vector<16xi32>
      %select_n3A_404 = arith.select %gt3A_400, %broadcast_in_dim3A_403, %select_n3A_397 : vector<16xi1>, vector<16xi32>
      %mul3A_405 = arith.mulf %gather3A_302, %div3A_335 : vector<16xf32>
      %mul3A_406 = arith.mulf %min3A_194, %mul3A_405 : vector<16xf32>
      %gt3A_407 = arith.cmpf ogt, %mul3A_406, %select_n3A_401 : vector<16xf32>
      %select_n3A_408 = arith.select %gt3A_407, %mul3A_406, %select_n3A_401 : vector<16xi1>, vector<16xf32>
      %broadcast_in_dim3A_409 = arith.constant 11 : i32
      %broadcast_in_dim3A_410 = vector.broadcast %broadcast_in_dim3A_409 : i32 to vector<16xi32>
      %select_n3A_411 = arith.select %gt3A_407, %broadcast_in_dim3A_410, %select_n3A_404 : vector<16xi1>, vector<16xi32>
      %mul3A_412 = arith.mulf %gather3A_306, %div3A_335 : vector<16xf32>
      %mul3A_413 = arith.mulf %min3A_209, %mul3A_412 : vector<16xf32>
      %gt3A_414 = arith.cmpf ogt, %mul3A_413, %select_n3A_408 : vector<16xf32>
      %select_n3A_415 = arith.select %gt3A_414, %mul3A_413, %select_n3A_408 : vector<16xi1>, vector<16xf32>
      %broadcast_in_dim3A_416 = arith.constant 12 : i32
      %broadcast_in_dim3A_417 = vector.broadcast %broadcast_in_dim3A_416 : i32 to vector<16xi32>
      %select_n3A_418 = arith.select %gt3A_414, %broadcast_in_dim3A_417, %select_n3A_411 : vector<16xi1>, vector<16xi32>
      %mul3A_419 = arith.mulf %gather3A_310, %div3A_335 : vector<16xf32>
      %mul3A_420 = arith.mulf %min3A_224, %mul3A_419 : vector<16xf32>
      %gt3A_421 = arith.cmpf ogt, %mul3A_420, %select_n3A_415 : vector<16xf32>
      %select_n3A_422 = arith.select %gt3A_421, %mul3A_420, %select_n3A_415 : vector<16xi1>, vector<16xf32>
      %broadcast_in_dim3A_423 = arith.constant 13 : i32
      %broadcast_in_dim3A_424 = vector.broadcast %broadcast_in_dim3A_423 : i32 to vector<16xi32>
      %select_n3A_425 = arith.select %gt3A_421, %broadcast_in_dim3A_424, %select_n3A_418 : vector<16xi1>, vector<16xi32>
      %mul3A_426 = arith.mulf %gather3A_314, %div3A_335 : vector<16xf32>
      %mul3A_427 = arith.mulf %min3A_239, %mul3A_426 : vector<16xf32>
      %gt3A_428 = arith.cmpf ogt, %mul3A_427, %select_n3A_422 : vector<16xf32>
      %select_n3A_429 = arith.select %gt3A_428, %mul3A_427, %select_n3A_422 : vector<16xi1>, vector<16xf32>
      %broadcast_in_dim3A_430 = arith.constant 14 : i32
      %broadcast_in_dim3A_431 = vector.broadcast %broadcast_in_dim3A_430 : i32 to vector<16xi32>
      %select_n3A_432 = arith.select %gt3A_428, %broadcast_in_dim3A_431, %select_n3A_425 : vector<16xi1>, vector<16xi32>
      %mul3A_433 = arith.mulf %gather3A_318, %div3A_335 : vector<16xf32>
      %mul3A_434 = arith.mulf %min3A_254, %mul3A_433 : vector<16xf32>
      %gt3A_435 = arith.cmpf ogt, %mul3A_434, %select_n3A_429 : vector<16xf32>
      %select_n3A_436 = arith.select %gt3A_435, %mul3A_434, %select_n3A_429 : vector<16xi1>, vector<16xf32>
      %broadcast_in_dim3A_437 = arith.constant 15 : i32
      %broadcast_in_dim3A_438 = vector.broadcast %broadcast_in_dim3A_437 : i32 to vector<16xi32>
      %select_n3A_439 = arith.select %gt3A_435, %broadcast_in_dim3A_438, %select_n3A_432 : vector<16xi1>, vector<16xi32>
      %add3A_440 = arith.constant 1 : i32
      %add3A_441 = vector.broadcast %add3A_440 : i32 to vector<16xi32>
      %add3A_442 = arith.addi %add3A_441, %select_n3A_439 : vector<16xi32>
      %add3A_443 = arith.constant 0 : i32
      %add3A_444 = vector.broadcast %add3A_443 : i32 to vector<16xi32>
      %add3A_445 = arith.addi %add3A_444, %add3A_442 : vector<16xi32>
      %gather3A_446 = tpu.vector_load_idx %arg9[%add3A_445] : memref<4368xf32, #tpu.memory_space<vmem>>[vector<16xi32>], vector<16xf32>,
      %add3A_447 = arith.constant 273 : i32
      %add3A_448 = vector.broadcast %add3A_447 : i32 to vector<16xi32>
      %add3A_449 = arith.addi %add3A_448, %add3A_442 : vector<16xi32>
      %gather3A_450 = tpu.vector_load_idx %arg9[%add3A_449] : memref<4368xf32, #tpu.memory_space<vmem>>[vector<16xi32>], vector<16xf32>,
      %add3A_451 = arith.constant 546 : i32
      %add3A_452 = vector.broadcast %add3A_451 : i32 to vector<16xi32>
      %add3A_453 = arith.addi %add3A_452, %add3A_442 : vector<16xi32>
      %gather3A_454 = tpu.vector_load_idx %arg9[%add3A_453] : memref<4368xf32, #tpu.memory_space<vmem>>[vector<16xi32>], vector<16xf32>,
      %add3A_455 = arith.constant 819 : i32
      %add3A_456 = vector.broadcast %add3A_455 : i32 to vector<16xi32>
      %add3A_457 = arith.addi %add3A_456, %add3A_442 : vector<16xi32>
      %gather3A_458 = tpu.vector_load_idx %arg9[%add3A_457] : memref<4368xf32, #tpu.memory_space<vmem>>[vector<16xi32>], vector<16xf32>,
      %add3A_459 = arith.constant 1092 : i32
      %add3A_460 = vector.broadcast %add3A_459 : i32 to vector<16xi32>
      %add3A_461 = arith.addi %add3A_460, %add3A_442 : vector<16xi32>
      %gather3A_462 = tpu.vector_load_idx %arg9[%add3A_461] : memref<4368xf32, #tpu.memory_space<vmem>>[vector<16xi32>], vector<16xf32>,
      %add3A_463 = arith.constant 1365 : i32
      %add3A_464 = vector.broadcast %add3A_463 : i32 to vector<16xi32>
      %add3A_465 = arith.addi %add3A_464, %add3A_442 : vector<16xi32>
      %gather3A_466 = tpu.vector_load_idx %arg9[%add3A_465] : memref<4368xf32, #tpu.memory_space<vmem>>[vector<16xi32>], vector<16xf32>,
      %add3A_467 = arith.constant 1638 : i32
      %add3A_468 = vector.broadcast %add3A_467 : i32 to vector<16xi32>
      %add3A_469 = arith.addi %add3A_468, %add3A_442 : vector<16xi32>
      %gather3A_470 = tpu.vector_load_idx %arg9[%add3A_469] : memref<4368xf32, #tpu.memory_space<vmem>>[vector<16xi32>], vector<16xf32>,
      %add3A_471 = arith.constant 1911 : i32
      %add3A_472 = vector.broadcast %add3A_471 : i32 to vector<16xi32>
      %add3A_473 = arith.addi %add3A_472, %add3A_442 : vector<16xi32>
      %gather3A_474 = tpu.vector_load_idx %arg9[%add3A_473] : memref<4368xf32, #tpu.memory_space<vmem>>[vector<16xi32>], vector<16xf32>,
      %add3A_475 = arith.constant 2184 : i32
      %add3A_476 = vector.broadcast %add3A_475 : i32 to vector<16xi32>
      %add3A_477 = arith.addi %add3A_476, %add3A_442 : vector<16xi32>
      %gather3A_478 = tpu.vector_load_idx %arg9[%add3A_477] : memref<4368xf32, #tpu.memory_space<vmem>>[vector<16xi32>], vector<16xf32>,
      %add3A_479 = arith.constant 2457 : i32
      %add3A_480 = vector.broadcast %add3A_479 : i32 to vector<16xi32>
      %add3A_481 = arith.addi %add3A_480, %add3A_442 : vector<16xi32>
      %gather3A_482 = tpu.vector_load_idx %arg9[%add3A_481] : memref<4368xf32, #tpu.memory_space<vmem>>[vector<16xi32>], vector<16xf32>,
      %add3A_483 = arith.constant 2730 : i32
      %add3A_484 = vector.broadcast %add3A_483 : i32 to vector<16xi32>
      %add3A_485 = arith.addi %add3A_484, %add3A_442 : vector<16xi32>
      %gather3A_486 = tpu.vector_load_idx %arg9[%add3A_485] : memref<4368xf32, #tpu.memory_space<vmem>>[vector<16xi32>], vector<16xf32>,
      %add3A_487 = arith.constant 3003 : i32
      %add3A_488 = vector.broadcast %add3A_487 : i32 to vector<16xi32>
      %add3A_489 = arith.addi %add3A_488, %add3A_442 : vector<16xi32>
      %gather3A_490 = tpu.vector_load_idx %arg9[%add3A_489] : memref<4368xf32, #tpu.memory_space<vmem>>[vector<16xi32>], vector<16xf32>,
      %add3A_491 = arith.constant 3276 : i32
      %add3A_492 = vector.broadcast %add3A_491 : i32 to vector<16xi32>
      %add3A_493 = arith.addi %add3A_492, %add3A_442 : vector<16xi32>
      %gather3A_494 = tpu.vector_load_idx %arg9[%add3A_493] : memref<4368xf32, #tpu.memory_space<vmem>>[vector<16xi32>], vector<16xf32>,
      %add3A_495 = arith.constant 3549 : i32
      %add3A_496 = vector.broadcast %add3A_495 : i32 to vector<16xi32>
      %add3A_497 = arith.addi %add3A_496, %add3A_442 : vector<16xi32>
      %gather3A_498 = tpu.vector_load_idx %arg9[%add3A_497] : memref<4368xf32, #tpu.memory_space<vmem>>[vector<16xi32>], vector<16xf32>,
      %add3A_499 = arith.constant 3822 : i32
      %add3A_500 = vector.broadcast %add3A_499 : i32 to vector<16xi32>
      %add3A_501 = arith.addi %add3A_500, %add3A_442 : vector<16xi32>
      %gather3A_502 = tpu.vector_load_idx %arg9[%add3A_501] : memref<4368xf32, #tpu.memory_space<vmem>>[vector<16xi32>], vector<16xf32>,
      %add3A_503 = arith.constant 4095 : i32
      %add3A_504 = vector.broadcast %add3A_503 : i32 to vector<16xi32>
      %add3A_505 = arith.addi %add3A_504, %add3A_442 : vector<16xi32>
      %gather3A_506 = tpu.vector_load_idx %arg9[%add3A_505] : memref<4368xf32, #tpu.memory_space<vmem>>[vector<16xi32>], vector<16xf32>,
      %add3A_507 = arith.addf %gather3A_446, %gather3A_450 : vector<16xf32>
      %add3A_508 = arith.addf %add3A_507, %gather3A_454 : vector<16xf32>
      %add3A_509 = arith.addf %add3A_508, %gather3A_458 : vector<16xf32>
      %add3A_510 = arith.addf %add3A_509, %gather3A_462 : vector<16xf32>
      %add3A_511 = arith.addf %add3A_510, %gather3A_466 : vector<16xf32>
      %add3A_512 = arith.addf %add3A_511, %gather3A_470 : vector<16xf32>
      %add3A_513 = arith.addf %add3A_512, %gather3A_474 : vector<16xf32>
      %add3A_514 = arith.addf %add3A_513, %gather3A_478 : vector<16xf32>
      %add3A_515 = arith.addf %add3A_514, %gather3A_482 : vector<16xf32>
      %add3A_516 = arith.addf %add3A_515, %gather3A_486 : vector<16xf32>
      %add3A_517 = arith.addf %add3A_516, %gather3A_490 : vector<16xf32>
      %add3A_518 = arith.addf %add3A_517, %gather3A_494 : vector<16xf32>
      %add3A_519 = arith.addf %add3A_518, %gather3A_498 : vector<16xf32>
      %add3A_520 = arith.addf %add3A_519, %gather3A_502 : vector<16xf32>
      %add3A_521 = arith.addf %add3A_520, %gather3A_506 : vector<16xf32>
      %div3A_522 = arith.constant 1.000000e+00 : f32
      %div3A_523 = vector.broadcast %div3A_522 : f32 to vector<16xf32>
      %div3A_524 = arith.divf %div3A_523, %add3A_521 : vector<16xf32>
      %mul3A_525 = arith.mulf %gather3A_446, %div3A_524 : vector<16xf32>
      %mul3A_526 = arith.mulf %min3A_29, %mul3A_525 : vector<16xf32>
      %mul3A_527 = arith.mulf %gather3A_450, %div3A_524 : vector<16xf32>
      %mul3A_528 = arith.mulf %min3A_44, %mul3A_527 : vector<16xf32>
      %gt3A_529 = arith.cmpf ogt, %mul3A_528, %mul3A_526 : vector<16xf32>
      %select_n3A_530 = arith.select %gt3A_529, %mul3A_528, %mul3A_526 : vector<16xi1>, vector<16xf32>
      %broadcast_in_dim3A_531 = arith.constant 1 : i32
      %broadcast_in_dim3A_532 = vector.broadcast %broadcast_in_dim3A_531 : i32 to vector<16xi32>
      %select_n3A_533 = arith.select %gt3A_529, %broadcast_in_dim3A_532, %get3A_7 : vector<16xi1>, vector<16xi32>
      %mul3A_534 = arith.mulf %gather3A_454, %div3A_524 : vector<16xf32>
      %mul3A_535 = arith.mulf %min3A_59, %mul3A_534 : vector<16xf32>
      %gt3A_536 = arith.cmpf ogt, %mul3A_535, %select_n3A_530 : vector<16xf32>
      %select_n3A_537 = arith.select %gt3A_536, %mul3A_535, %select_n3A_530 : vector<16xi1>, vector<16xf32>
      %broadcast_in_dim3A_538 = arith.constant 2 : i32
      %broadcast_in_dim3A_539 = vector.broadcast %broadcast_in_dim3A_538 : i32 to vector<16xi32>
      %select_n3A_540 = arith.select %gt3A_536, %broadcast_in_dim3A_539, %select_n3A_533 : vector<16xi1>, vector<16xi32>
      %mul3A_541 = arith.mulf %gather3A_458, %div3A_524 : vector<16xf32>
      %mul3A_542 = arith.mulf %min3A_74, %mul3A_541 : vector<16xf32>
      %gt3A_543 = arith.cmpf ogt, %mul3A_542, %select_n3A_537 : vector<16xf32>
      %select_n3A_544 = arith.select %gt3A_543, %mul3A_542, %select_n3A_537 : vector<16xi1>, vector<16xf32>
      %broadcast_in_dim3A_545 = arith.constant 3 : i32
      %broadcast_in_dim3A_546 = vector.broadcast %broadcast_in_dim3A_545 : i32 to vector<16xi32>
      %select_n3A_547 = arith.select %gt3A_543, %broadcast_in_dim3A_546, %select_n3A_540 : vector<16xi1>, vector<16xi32>
      %mul3A_548 = arith.mulf %gather3A_462, %div3A_524 : vector<16xf32>
      %mul3A_549 = arith.mulf %min3A_89, %mul3A_548 : vector<16xf32>
      %gt3A_550 = arith.cmpf ogt, %mul3A_549, %select_n3A_544 : vector<16xf32>
      %select_n3A_551 = arith.select %gt3A_550, %mul3A_549, %select_n3A_544 : vector<16xi1>, vector<16xf32>
      %broadcast_in_dim3A_552 = arith.constant 4 : i32
      %broadcast_in_dim3A_553 = vector.broadcast %broadcast_in_dim3A_552 : i32 to vector<16xi32>
      %select_n3A_554 = arith.select %gt3A_550, %broadcast_in_dim3A_553, %select_n3A_547 : vector<16xi1>, vector<16xi32>
      %mul3A_555 = arith.mulf %gather3A_466, %div3A_524 : vector<16xf32>
      %mul3A_556 = arith.mulf %min3A_104, %mul3A_555 : vector<16xf32>
      %gt3A_557 = arith.cmpf ogt, %mul3A_556, %select_n3A_551 : vector<16xf32>
      %select_n3A_558 = arith.select %gt3A_557, %mul3A_556, %select_n3A_551 : vector<16xi1>, vector<16xf32>
      %broadcast_in_dim3A_559 = arith.constant 5 : i32
      %broadcast_in_dim3A_560 = vector.broadcast %broadcast_in_dim3A_559 : i32 to vector<16xi32>
      %select_n3A_561 = arith.select %gt3A_557, %broadcast_in_dim3A_560, %select_n3A_554 : vector<16xi1>, vector<16xi32>
      %mul3A_562 = arith.mulf %gather3A_470, %div3A_524 : vector<16xf32>
      %mul3A_563 = arith.mulf %min3A_119, %mul3A_562 : vector<16xf32>
      %gt3A_564 = arith.cmpf ogt, %mul3A_563, %select_n3A_558 : vector<16xf32>
      %select_n3A_565 = arith.select %gt3A_564, %mul3A_563, %select_n3A_558 : vector<16xi1>, vector<16xf32>
      %broadcast_in_dim3A_566 = arith.constant 6 : i32
      %broadcast_in_dim3A_567 = vector.broadcast %broadcast_in_dim3A_566 : i32 to vector<16xi32>
      %select_n3A_568 = arith.select %gt3A_564, %broadcast_in_dim3A_567, %select_n3A_561 : vector<16xi1>, vector<16xi32>
      %mul3A_569 = arith.mulf %gather3A_474, %div3A_524 : vector<16xf32>
      %mul3A_570 = arith.mulf %min3A_134, %mul3A_569 : vector<16xf32>
      %gt3A_571 = arith.cmpf ogt, %mul3A_570, %select_n3A_565 : vector<16xf32>
      %select_n3A_572 = arith.select %gt3A_571, %mul3A_570, %select_n3A_565 : vector<16xi1>, vector<16xf32>
      %broadcast_in_dim3A_573 = arith.constant 7 : i32
      %broadcast_in_dim3A_574 = vector.broadcast %broadcast_in_dim3A_573 : i32 to vector<16xi32>
      %select_n3A_575 = arith.select %gt3A_571, %broadcast_in_dim3A_574, %select_n3A_568 : vector<16xi1>, vector<16xi32>
      %mul3A_576 = arith.mulf %gather3A_478, %div3A_524 : vector<16xf32>
      %mul3A_577 = arith.mulf %min3A_149, %mul3A_576 : vector<16xf32>
      %gt3A_578 = arith.cmpf ogt, %mul3A_577, %select_n3A_572 : vector<16xf32>
      %select_n3A_579 = arith.select %gt3A_578, %mul3A_577, %select_n3A_572 : vector<16xi1>, vector<16xf32>
      %broadcast_in_dim3A_580 = arith.constant 8 : i32
      %broadcast_in_dim3A_581 = vector.broadcast %broadcast_in_dim3A_580 : i32 to vector<16xi32>
      %select_n3A_582 = arith.select %gt3A_578, %broadcast_in_dim3A_581, %select_n3A_575 : vector<16xi1>, vector<16xi32>
      %mul3A_583 = arith.mulf %gather3A_482, %div3A_524 : vector<16xf32>
      %mul3A_584 = arith.mulf %min3A_164, %mul3A_583 : vector<16xf32>
      %gt3A_585 = arith.cmpf ogt, %mul3A_584, %select_n3A_579 : vector<16xf32>
      %select_n3A_586 = arith.select %gt3A_585, %mul3A_584, %select_n3A_579 : vector<16xi1>, vector<16xf32>
      %broadcast_in_dim3A_587 = arith.constant 9 : i32
      %broadcast_in_dim3A_588 = vector.broadcast %broadcast_in_dim3A_587 : i32 to vector<16xi32>
      %select_n3A_589 = arith.select %gt3A_585, %broadcast_in_dim3A_588, %select_n3A_582 : vector<16xi1>, vector<16xi32>
      %mul3A_590 = arith.mulf %gather3A_486, %div3A_524 : vector<16xf32>
      %mul3A_591 = arith.mulf %min3A_179, %mul3A_590 : vector<16xf32>
      %gt3A_592 = arith.cmpf ogt, %mul3A_591, %select_n3A_586 : vector<16xf32>
      %select_n3A_593 = arith.select %gt3A_592, %mul3A_591, %select_n3A_586 : vector<16xi1>, vector<16xf32>
      %broadcast_in_dim3A_594 = arith.constant 10 : i32
      %broadcast_in_dim3A_595 = vector.broadcast %broadcast_in_dim3A_594 : i32 to vector<16xi32>
      %select_n3A_596 = arith.select %gt3A_592, %broadcast_in_dim3A_595, %select_n3A_589 : vector<16xi1>, vector<16xi32>
      %mul3A_597 = arith.mulf %gather3A_490, %div3A_524 : vector<16xf32>
      %mul3A_598 = arith.mulf %min3A_194, %mul3A_597 : vector<16xf32>
      %gt3A_599 = arith.cmpf ogt, %mul3A_598, %select_n3A_593 : vector<16xf32>
      %select_n3A_600 = arith.select %gt3A_599, %mul3A_598, %select_n3A_593 : vector<16xi1>, vector<16xf32>
      %broadcast_in_dim3A_601 = arith.constant 11 : i32
      %broadcast_in_dim3A_602 = vector.broadcast %broadcast_in_dim3A_601 : i32 to vector<16xi32>
      %select_n3A_603 = arith.select %gt3A_599, %broadcast_in_dim3A_602, %select_n3A_596 : vector<16xi1>, vector<16xi32>
      %mul3A_604 = arith.mulf %gather3A_494, %div3A_524 : vector<16xf32>
      %mul3A_605 = arith.mulf %min3A_209, %mul3A_604 : vector<16xf32>
      %gt3A_606 = arith.cmpf ogt, %mul3A_605, %select_n3A_600 : vector<16xf32>
      %select_n3A_607 = arith.select %gt3A_606, %mul3A_605, %select_n3A_600 : vector<16xi1>, vector<16xf32>
      %broadcast_in_dim3A_608 = arith.constant 12 : i32
      %broadcast_in_dim3A_609 = vector.broadcast %broadcast_in_dim3A_608 : i32 to vector<16xi32>
      %select_n3A_610 = arith.select %gt3A_606, %broadcast_in_dim3A_609, %select_n3A_603 : vector<16xi1>, vector<16xi32>
      %mul3A_611 = arith.mulf %gather3A_498, %div3A_524 : vector<16xf32>
      %mul3A_612 = arith.mulf %min3A_224, %mul3A_611 : vector<16xf32>
      %gt3A_613 = arith.cmpf ogt, %mul3A_612, %select_n3A_607 : vector<16xf32>
      %select_n3A_614 = arith.select %gt3A_613, %mul3A_612, %select_n3A_607 : vector<16xi1>, vector<16xf32>
      %broadcast_in_dim3A_615 = arith.constant 13 : i32
      %broadcast_in_dim3A_616 = vector.broadcast %broadcast_in_dim3A_615 : i32 to vector<16xi32>
      %select_n3A_617 = arith.select %gt3A_613, %broadcast_in_dim3A_616, %select_n3A_610 : vector<16xi1>, vector<16xi32>
      %mul3A_618 = arith.mulf %gather3A_502, %div3A_524 : vector<16xf32>
      %mul3A_619 = arith.mulf %min3A_239, %mul3A_618 : vector<16xf32>
      %gt3A_620 = arith.cmpf ogt, %mul3A_619, %select_n3A_614 : vector<16xf32>
      %select_n3A_621 = arith.select %gt3A_620, %mul3A_619, %select_n3A_614 : vector<16xi1>, vector<16xf32>
      %broadcast_in_dim3A_622 = arith.constant 14 : i32
      %broadcast_in_dim3A_623 = vector.broadcast %broadcast_in_dim3A_622 : i32 to vector<16xi32>
      %select_n3A_624 = arith.select %gt3A_620, %broadcast_in_dim3A_623, %select_n3A_617 : vector<16xi1>, vector<16xi32>
      %mul3A_625 = arith.mulf %gather3A_506, %div3A_524 : vector<16xf32>
      %mul3A_626 = arith.mulf %min3A_254, %mul3A_625 : vector<16xf32>
      %gt3A_627 = arith.cmpf ogt, %mul3A_626, %select_n3A_621 : vector<16xf32>
      %select_n3A_628 = arith.select %gt3A_627, %mul3A_626, %select_n3A_621 : vector<16xi1>, vector<16xf32>
      %broadcast_in_dim3A_629 = arith.constant 15 : i32
      %broadcast_in_dim3A_630 = vector.broadcast %broadcast_in_dim3A_629 : i32 to vector<16xi32>
      %select_n3A_631 = arith.select %gt3A_627, %broadcast_in_dim3A_630, %select_n3A_624 : vector<16xi1>, vector<16xi32>
      %mul3A_632 = arith.constant 16 : i32
      %mul3A_633 = vector.broadcast %mul3A_632 : i32 to vector<16xi32>
      %mul3A_634 = arith.muli %mul3A_633, %select_n3A_439 : vector<16xi32>
      %add3A_635 = arith.constant 17 : i32
      %add3A_636 = vector.broadcast %add3A_635 : i32 to vector<16xi32>
      %add3A_637 = arith.addi %add3A_636, %mul3A_634 : vector<16xi32>
      %add3A_638 = arith.addi %add3A_637, %select_n3A_631 : vector<16xi32>
      %add3A_639 = arith.constant 0 : i32
      %add3A_640 = vector.broadcast %add3A_639 : i32 to vector<16xi32>
      %add3A_641 = arith.addi %add3A_640, %add3A_638 : vector<16xi32>
      %gather3A_642 = tpu.vector_load_idx %arg9[%add3A_641] : memref<4368xf32, #tpu.memory_space<vmem>>[vector<16xi32>], vector<16xf32>,
      %add3A_643 = arith.constant 273 : i32
      %add3A_644 = vector.broadcast %add3A_643 : i32 to vector<16xi32>
      %add3A_645 = arith.addi %add3A_644, %add3A_638 : vector<16xi32>
      %gather3A_646 = tpu.vector_load_idx %arg9[%add3A_645] : memref<4368xf32, #tpu.memory_space<vmem>>[vector<16xi32>], vector<16xf32>,
      %add3A_647 = arith.constant 546 : i32
      %add3A_648 = vector.broadcast %add3A_647 : i32 to vector<16xi32>
      %add3A_649 = arith.addi %add3A_648, %add3A_638 : vector<16xi32>
      %gather3A_650 = tpu.vector_load_idx %arg9[%add3A_649] : memref<4368xf32, #tpu.memory_space<vmem>>[vector<16xi32>], vector<16xf32>,
      %add3A_651 = arith.constant 819 : i32
      %add3A_652 = vector.broadcast %add3A_651 : i32 to vector<16xi32>
      %add3A_653 = arith.addi %add3A_652, %add3A_638 : vector<16xi32>
      %gather3A_654 = tpu.vector_load_idx %arg9[%add3A_653] : memref<4368xf32, #tpu.memory_space<vmem>>[vector<16xi32>], vector<16xf32>,
      %add3A_655 = arith.constant 1092 : i32
      %add3A_656 = vector.broadcast %add3A_655 : i32 to vector<16xi32>
      %add3A_657 = arith.addi %add3A_656, %add3A_638 : vector<16xi32>
      %gather3A_658 = tpu.vector_load_idx %arg9[%add3A_657] : memref<4368xf32, #tpu.memory_space<vmem>>[vector<16xi32>], vector<16xf32>,
      %add3A_659 = arith.constant 1365 : i32
      %add3A_660 = vector.broadcast %add3A_659 : i32 to vector<16xi32>
      %add3A_661 = arith.addi %add3A_660, %add3A_638 : vector<16xi32>
      %gather3A_662 = tpu.vector_load_idx %arg9[%add3A_661] : memref<4368xf32, #tpu.memory_space<vmem>>[vector<16xi32>], vector<16xf32>,
      %add3A_663 = arith.constant 1638 : i32
      %add3A_664 = vector.broadcast %add3A_663 : i32 to vector<16xi32>
      %add3A_665 = arith.addi %add3A_664, %add3A_638 : vector<16xi32>
      %gather3A_666 = tpu.vector_load_idx %arg9[%add3A_665] : memref<4368xf32, #tpu.memory_space<vmem>>[vector<16xi32>], vector<16xf32>,
      %add3A_667 = arith.constant 1911 : i32
      %add3A_668 = vector.broadcast %add3A_667 : i32 to vector<16xi32>
      %add3A_669 = arith.addi %add3A_668, %add3A_638 : vector<16xi32>
      %gather3A_670 = tpu.vector_load_idx %arg9[%add3A_669] : memref<4368xf32, #tpu.memory_space<vmem>>[vector<16xi32>], vector<16xf32>,
      %add3A_671 = arith.constant 2184 : i32
      %add3A_672 = vector.broadcast %add3A_671 : i32 to vector<16xi32>
      %add3A_673 = arith.addi %add3A_672, %add3A_638 : vector<16xi32>
      %gather3A_674 = tpu.vector_load_idx %arg9[%add3A_673] : memref<4368xf32, #tpu.memory_space<vmem>>[vector<16xi32>], vector<16xf32>,
      %add3A_675 = arith.constant 2457 : i32
      %add3A_676 = vector.broadcast %add3A_675 : i32 to vector<16xi32>
      %add3A_677 = arith.addi %add3A_676, %add3A_638 : vector<16xi32>
      %gather3A_678 = tpu.vector_load_idx %arg9[%add3A_677] : memref<4368xf32, #tpu.memory_space<vmem>>[vector<16xi32>], vector<16xf32>,
      %add3A_679 = arith.constant 2730 : i32
      %add3A_680 = vector.broadcast %add3A_679 : i32 to vector<16xi32>
      %add3A_681 = arith.addi %add3A_680, %add3A_638 : vector<16xi32>
      %gather3A_682 = tpu.vector_load_idx %arg9[%add3A_681] : memref<4368xf32, #tpu.memory_space<vmem>>[vector<16xi32>], vector<16xf32>,
      %add3A_683 = arith.constant 3003 : i32
      %add3A_684 = vector.broadcast %add3A_683 : i32 to vector<16xi32>
      %add3A_685 = arith.addi %add3A_684, %add3A_638 : vector<16xi32>
      %gather3A_686 = tpu.vector_load_idx %arg9[%add3A_685] : memref<4368xf32, #tpu.memory_space<vmem>>[vector<16xi32>], vector<16xf32>,
      %add3A_687 = arith.constant 3276 : i32
      %add3A_688 = vector.broadcast %add3A_687 : i32 to vector<16xi32>
      %add3A_689 = arith.addi %add3A_688, %add3A_638 : vector<16xi32>
      %gather3A_690 = tpu.vector_load_idx %arg9[%add3A_689] : memref<4368xf32, #tpu.memory_space<vmem>>[vector<16xi32>], vector<16xf32>,
      %add3A_691 = arith.constant 3549 : i32
      %add3A_692 = vector.broadcast %add3A_691 : i32 to vector<16xi32>
      %add3A_693 = arith.addi %add3A_692, %add3A_638 : vector<16xi32>
      %gather3A_694 = tpu.vector_load_idx %arg9[%add3A_693] : memref<4368xf32, #tpu.memory_space<vmem>>[vector<16xi32>], vector<16xf32>,
      %add3A_695 = arith.constant 3822 : i32
      %add3A_696 = vector.broadcast %add3A_695 : i32 to vector<16xi32>
      %add3A_697 = arith.addi %add3A_696, %add3A_638 : vector<16xi32>
      %gather3A_698 = tpu.vector_load_idx %arg9[%add3A_697] : memref<4368xf32, #tpu.memory_space<vmem>>[vector<16xi32>], vector<16xf32>,
      %add3A_699 = arith.constant 4095 : i32
      %add3A_700 = vector.broadcast %add3A_699 : i32 to vector<16xi32>
      %add3A_701 = arith.addi %add3A_700, %add3A_638 : vector<16xi32>
      %gather3A_702 = tpu.vector_load_idx %arg9[%add3A_701] : memref<4368xf32, #tpu.memory_space<vmem>>[vector<16xi32>], vector<16xf32>,
      %add3A_703 = arith.addf %gather3A_642, %gather3A_646 : vector<16xf32>
      %add3A_704 = arith.addf %add3A_703, %gather3A_650 : vector<16xf32>
      %add3A_705 = arith.addf %add3A_704, %gather3A_654 : vector<16xf32>
      %add3A_706 = arith.addf %add3A_705, %gather3A_658 : vector<16xf32>
      %add3A_707 = arith.addf %add3A_706, %gather3A_662 : vector<16xf32>
      %add3A_708 = arith.addf %add3A_707, %gather3A_666 : vector<16xf32>
      %add3A_709 = arith.addf %add3A_708, %gather3A_670 : vector<16xf32>
      %add3A_710 = arith.addf %add3A_709, %gather3A_674 : vector<16xf32>
      %add3A_711 = arith.addf %add3A_710, %gather3A_678 : vector<16xf32>
      %add3A_712 = arith.addf %add3A_711, %gather3A_682 : vector<16xf32>
      %add3A_713 = arith.addf %add3A_712, %gather3A_686 : vector<16xf32>
      %add3A_714 = arith.addf %add3A_713, %gather3A_690 : vector<16xf32>
      %add3A_715 = arith.addf %add3A_714, %gather3A_694 : vector<16xf32>
      %add3A_716 = arith.addf %add3A_715, %gather3A_698 : vector<16xf32>
      %add3A_717 = arith.addf %add3A_716, %gather3A_702 : vector<16xf32>
      %div3A_718 = arith.constant 1.000000e+00 : f32
      %div3A_719 = vector.broadcast %div3A_718 : f32 to vector<16xf32>
      %div3A_720 = arith.divf %div3A_719, %add3A_717 : vector<16xf32>
      %mul3A_721 = arith.mulf %gather3A_642, %div3A_720 : vector<16xf32>
      %mul3A_722 = arith.mulf %min3A_29, %mul3A_721 : vector<16xf32>
      %mul3A_723 = arith.constant 16 : i32
      %mul3A_724 = vector.broadcast %mul3A_723 : i32 to vector<16xi32>
      %mul3A_725 = arith.muli %iota3A, %mul3A_724 : vector<16xi32>
      %add3A_726 = vector.broadcast %mul3A_17 : i32 to vector<16xi32>
      %add3A_727 = arith.addi %add3A_726, %mul3A_725 : vector<16xi32>
      tpu.vector_store_idx %arg12[%add3A_727], %mul3A_722 : memref<1024xf32, #tpu.memory_space<vmem>>[vector<16xi32>], vector<16xf32>,
      %mul3A_728 = arith.mulf %gather3A_646, %div3A_720 : vector<16xf32>
      %mul3A_729 = arith.mulf %min3A_44, %mul3A_728 : vector<16xf32>
      %gt3A_730 = arith.cmpf ogt, %mul3A_729, %mul3A_722 : vector<16xf32>
      %select_n3A_731 = arith.select %gt3A_730, %mul3A_729, %mul3A_722 : vector<16xi1>, vector<16xf32>
      %broadcast_in_dim3A_732 = arith.constant 1 : i32
      %broadcast_in_dim3A_733 = vector.broadcast %broadcast_in_dim3A_732 : i32 to vector<16xi32>
      %select_n3A_734 = arith.select %gt3A_730, %broadcast_in_dim3A_733, %get3A_7 : vector<16xi1>, vector<16xi32>
      %mul3A_735 = arith.constant 16 : i32
      %mul3A_736 = vector.broadcast %mul3A_735 : i32 to vector<16xi32>
      %mul3A_737 = arith.muli %iota3A, %mul3A_736 : vector<16xi32>
      %add3A_738 = vector.broadcast %mul3A_17 : i32 to vector<16xi32>
      %add3A_739 = arith.addi %add3A_738, %mul3A_737 : vector<16xi32>
      %add3A_740 = arith.constant 1 : i32
      %add3A_741 = vector.broadcast %add3A_740 : i32 to vector<16xi32>
      %add3A_742 = arith.addi %add3A_739, %add3A_741 : vector<16xi32>
      tpu.vector_store_idx %arg12[%add3A_742], %mul3A_729 : memref<1024xf32, #tpu.memory_space<vmem>>[vector<16xi32>], vector<16xf32>,
      %mul3A_743 = arith.mulf %gather3A_650, %div3A_720 : vector<16xf32>
      %mul3A_744 = arith.mulf %min3A_59, %mul3A_743 : vector<16xf32>
      %gt3A_745 = arith.cmpf ogt, %mul3A_744, %select_n3A_731 : vector<16xf32>
      %select_n3A_746 = arith.select %gt3A_745, %mul3A_744, %select_n3A_731 : vector<16xi1>, vector<16xf32>
      %broadcast_in_dim3A_747 = arith.constant 2 : i32
      %broadcast_in_dim3A_748 = vector.broadcast %broadcast_in_dim3A_747 : i32 to vector<16xi32>
      %select_n3A_749 = arith.select %gt3A_745, %broadcast_in_dim3A_748, %select_n3A_734 : vector<16xi1>, vector<16xi32>
      %mul3A_750 = arith.constant 16 : i32
      %mul3A_751 = vector.broadcast %mul3A_750 : i32 to vector<16xi32>
      %mul3A_752 = arith.muli %iota3A, %mul3A_751 : vector<16xi32>
      %add3A_753 = vector.broadcast %mul3A_17 : i32 to vector<16xi32>
      %add3A_754 = arith.addi %add3A_753, %mul3A_752 : vector<16xi32>
      %add3A_755 = arith.constant 2 : i32
      %add3A_756 = vector.broadcast %add3A_755 : i32 to vector<16xi32>
      %add3A_757 = arith.addi %add3A_754, %add3A_756 : vector<16xi32>
      tpu.vector_store_idx %arg12[%add3A_757], %mul3A_744 : memref<1024xf32, #tpu.memory_space<vmem>>[vector<16xi32>], vector<16xf32>,
      %mul3A_758 = arith.mulf %gather3A_654, %div3A_720 : vector<16xf32>
      %mul3A_759 = arith.mulf %min3A_74, %mul3A_758 : vector<16xf32>
      %gt3A_760 = arith.cmpf ogt, %mul3A_759, %select_n3A_746 : vector<16xf32>
      %select_n3A_761 = arith.select %gt3A_760, %mul3A_759, %select_n3A_746 : vector<16xi1>, vector<16xf32>
      %broadcast_in_dim3A_762 = arith.constant 3 : i32
      %broadcast_in_dim3A_763 = vector.broadcast %broadcast_in_dim3A_762 : i32 to vector<16xi32>
      %select_n3A_764 = arith.select %gt3A_760, %broadcast_in_dim3A_763, %select_n3A_749 : vector<16xi1>, vector<16xi32>
      %mul3A_765 = arith.constant 16 : i32
      %mul3A_766 = vector.broadcast %mul3A_765 : i32 to vector<16xi32>
      %mul3A_767 = arith.muli %iota3A, %mul3A_766 : vector<16xi32>
      %add3A_768 = vector.broadcast %mul3A_17 : i32 to vector<16xi32>
      %add3A_769 = arith.addi %add3A_768, %mul3A_767 : vector<16xi32>
      %add3A_770 = arith.constant 3 : i32
      %add3A_771 = vector.broadcast %add3A_770 : i32 to vector<16xi32>
      %add3A_772 = arith.addi %add3A_769, %add3A_771 : vector<16xi32>
      tpu.vector_store_idx %arg12[%add3A_772], %mul3A_759 : memref<1024xf32, #tpu.memory_space<vmem>>[vector<16xi32>], vector<16xf32>,
      %mul3A_773 = arith.mulf %gather3A_658, %div3A_720 : vector<16xf32>
      %mul3A_774 = arith.mulf %min3A_89, %mul3A_773 : vector<16xf32>
      %gt3A_775 = arith.cmpf ogt, %mul3A_774, %select_n3A_761 : vector<16xf32>
      %select_n3A_776 = arith.select %gt3A_775, %mul3A_774, %select_n3A_761 : vector<16xi1>, vector<16xf32>
      %broadcast_in_dim3A_777 = arith.constant 4 : i32
      %broadcast_in_dim3A_778 = vector.broadcast %broadcast_in_dim3A_777 : i32 to vector<16xi32>
      %select_n3A_779 = arith.select %gt3A_775, %broadcast_in_dim3A_778, %select_n3A_764 : vector<16xi1>, vector<16xi32>
      %mul3A_780 = arith.constant 16 : i32
      %mul3A_781 = vector.broadcast %mul3A_780 : i32 to vector<16xi32>
      %mul3A_782 = arith.muli %iota3A, %mul3A_781 : vector<16xi32>
      %add3A_783 = vector.broadcast %mul3A_17 : i32 to vector<16xi32>
      %add3A_784 = arith.addi %add3A_783, %mul3A_782 : vector<16xi32>
      %add3A_785 = arith.constant 4 : i32
      %add3A_786 = vector.broadcast %add3A_785 : i32 to vector<16xi32>
      %add3A_787 = arith.addi %add3A_784, %add3A_786 : vector<16xi32>
      tpu.vector_store_idx %arg12[%add3A_787], %mul3A_774 : memref<1024xf32, #tpu.memory_space<vmem>>[vector<16xi32>], vector<16xf32>,
      %mul3A_788 = arith.mulf %gather3A_662, %div3A_720 : vector<16xf32>
      %mul3A_789 = arith.mulf %min3A_104, %mul3A_788 : vector<16xf32>
      %gt3A_790 = arith.cmpf ogt, %mul3A_789, %select_n3A_776 : vector<16xf32>
      %select_n3A_791 = arith.select %gt3A_790, %mul3A_789, %select_n3A_776 : vector<16xi1>, vector<16xf32>
      %broadcast_in_dim3A_792 = arith.constant 5 : i32
      %broadcast_in_dim3A_793 = vector.broadcast %broadcast_in_dim3A_792 : i32 to vector<16xi32>
      %select_n3A_794 = arith.select %gt3A_790, %broadcast_in_dim3A_793, %select_n3A_779 : vector<16xi1>, vector<16xi32>
      %mul3A_795 = arith.constant 16 : i32
      %mul3A_796 = vector.broadcast %mul3A_795 : i32 to vector<16xi32>
      %mul3A_797 = arith.muli %iota3A, %mul3A_796 : vector<16xi32>
      %add3A_798 = vector.broadcast %mul3A_17 : i32 to vector<16xi32>
      %add3A_799 = arith.addi %add3A_798, %mul3A_797 : vector<16xi32>
      %add3A_800 = arith.constant 5 : i32
      %add3A_801 = vector.broadcast %add3A_800 : i32 to vector<16xi32>
      %add3A_802 = arith.addi %add3A_799, %add3A_801 : vector<16xi32>
      tpu.vector_store_idx %arg12[%add3A_802], %mul3A_789 : memref<1024xf32, #tpu.memory_space<vmem>>[vector<16xi32>], vector<16xf32>,
      %mul3A_803 = arith.mulf %gather3A_666, %div3A_720 : vector<16xf32>
      %mul3A_804 = arith.mulf %min3A_119, %mul3A_803 : vector<16xf32>
      %gt3A_805 = arith.cmpf ogt, %mul3A_804, %select_n3A_791 : vector<16xf32>
      %select_n3A_806 = arith.select %gt3A_805, %mul3A_804, %select_n3A_791 : vector<16xi1>, vector<16xf32>
      %broadcast_in_dim3A_807 = arith.constant 6 : i32
      %broadcast_in_dim3A_808 = vector.broadcast %broadcast_in_dim3A_807 : i32 to vector<16xi32>
      %select_n3A_809 = arith.select %gt3A_805, %broadcast_in_dim3A_808, %select_n3A_794 : vector<16xi1>, vector<16xi32>
      %mul3A_810 = arith.constant 16 : i32
      %mul3A_811 = vector.broadcast %mul3A_810 : i32 to vector<16xi32>
      %mul3A_812 = arith.muli %iota3A, %mul3A_811 : vector<16xi32>
      %add3A_813 = vector.broadcast %mul3A_17 : i32 to vector<16xi32>
      %add3A_814 = arith.addi %add3A_813, %mul3A_812 : vector<16xi32>
      %add3A_815 = arith.constant 6 : i32
      %add3A_816 = vector.broadcast %add3A_815 : i32 to vector<16xi32>
      %add3A_817 = arith.addi %add3A_814, %add3A_816 : vector<16xi32>
      tpu.vector_store_idx %arg12[%add3A_817], %mul3A_804 : memref<1024xf32, #tpu.memory_space<vmem>>[vector<16xi32>], vector<16xf32>,
      %mul3A_818 = arith.mulf %gather3A_670, %div3A_720 : vector<16xf32>
      %mul3A_819 = arith.mulf %min3A_134, %mul3A_818 : vector<16xf32>
      %gt3A_820 = arith.cmpf ogt, %mul3A_819, %select_n3A_806 : vector<16xf32>
      %select_n3A_821 = arith.select %gt3A_820, %mul3A_819, %select_n3A_806 : vector<16xi1>, vector<16xf32>
      %broadcast_in_dim3A_822 = arith.constant 7 : i32
      %broadcast_in_dim3A_823 = vector.broadcast %broadcast_in_dim3A_822 : i32 to vector<16xi32>
      %select_n3A_824 = arith.select %gt3A_820, %broadcast_in_dim3A_823, %select_n3A_809 : vector<16xi1>, vector<16xi32>
      %mul3A_825 = arith.constant 16 : i32
      %mul3A_826 = vector.broadcast %mul3A_825 : i32 to vector<16xi32>
      %mul3A_827 = arith.muli %iota3A, %mul3A_826 : vector<16xi32>
      %add3A_828 = vector.broadcast %mul3A_17 : i32 to vector<16xi32>
      %add3A_829 = arith.addi %add3A_828, %mul3A_827 : vector<16xi32>
      %add3A_830 = arith.constant 7 : i32
      %add3A_831 = vector.broadcast %add3A_830 : i32 to vector<16xi32>
      %add3A_832 = arith.addi %add3A_829, %add3A_831 : vector<16xi32>
      tpu.vector_store_idx %arg12[%add3A_832], %mul3A_819 : memref<1024xf32, #tpu.memory_space<vmem>>[vector<16xi32>], vector<16xf32>,
      %mul3A_833 = arith.mulf %gather3A_674, %div3A_720 : vector<16xf32>
      %mul3A_834 = arith.mulf %min3A_149, %mul3A_833 : vector<16xf32>
      %gt3A_835 = arith.cmpf ogt, %mul3A_834, %select_n3A_821 : vector<16xf32>
      %select_n3A_836 = arith.select %gt3A_835, %mul3A_834, %select_n3A_821 : vector<16xi1>, vector<16xf32>
      %broadcast_in_dim3A_837 = arith.constant 8 : i32
      %broadcast_in_dim3A_838 = vector.broadcast %broadcast_in_dim3A_837 : i32 to vector<16xi32>
      %select_n3A_839 = arith.select %gt3A_835, %broadcast_in_dim3A_838, %select_n3A_824 : vector<16xi1>, vector<16xi32>
      %mul3A_840 = arith.constant 16 : i32
      %mul3A_841 = vector.broadcast %mul3A_840 : i32 to vector<16xi32>
      %mul3A_842 = arith.muli %iota3A, %mul3A_841 : vector<16xi32>
      %add3A_843 = vector.broadcast %mul3A_17 : i32 to vector<16xi32>
      %add3A_844 = arith.addi %add3A_843, %mul3A_842 : vector<16xi32>
      %add3A_845 = arith.constant 8 : i32
      %add3A_846 = vector.broadcast %add3A_845 : i32 to vector<16xi32>
      %add3A_847 = arith.addi %add3A_844, %add3A_846 : vector<16xi32>
      tpu.vector_store_idx %arg12[%add3A_847], %mul3A_834 : memref<1024xf32, #tpu.memory_space<vmem>>[vector<16xi32>], vector<16xf32>,
      %mul3A_848 = arith.mulf %gather3A_678, %div3A_720 : vector<16xf32>
      %mul3A_849 = arith.mulf %min3A_164, %mul3A_848 : vector<16xf32>
      %gt3A_850 = arith.cmpf ogt, %mul3A_849, %select_n3A_836 : vector<16xf32>
      %select_n3A_851 = arith.select %gt3A_850, %mul3A_849, %select_n3A_836 : vector<16xi1>, vector<16xf32>
      %broadcast_in_dim3A_852 = arith.constant 9 : i32
      %broadcast_in_dim3A_853 = vector.broadcast %broadcast_in_dim3A_852 : i32 to vector<16xi32>
      %select_n3A_854 = arith.select %gt3A_850, %broadcast_in_dim3A_853, %select_n3A_839 : vector<16xi1>, vector<16xi32>
      %mul3A_855 = arith.constant 16 : i32
      %mul3A_856 = vector.broadcast %mul3A_855 : i32 to vector<16xi32>
      %mul3A_857 = arith.muli %iota3A, %mul3A_856 : vector<16xi32>
      %add3A_858 = vector.broadcast %mul3A_17 : i32 to vector<16xi32>
      %add3A_859 = arith.addi %add3A_858, %mul3A_857 : vector<16xi32>
      %add3A_860 = arith.constant 9 : i32
      %add3A_861 = vector.broadcast %add3A_860 : i32 to vector<16xi32>
      %add3A_862 = arith.addi %add3A_859, %add3A_861 : vector<16xi32>
      tpu.vector_store_idx %arg12[%add3A_862], %mul3A_849 : memref<1024xf32, #tpu.memory_space<vmem>>[vector<16xi32>], vector<16xf32>,
      %mul3A_863 = arith.mulf %gather3A_682, %div3A_720 : vector<16xf32>
      %mul3A_864 = arith.mulf %min3A_179, %mul3A_863 : vector<16xf32>
      %gt3A_865 = arith.cmpf ogt, %mul3A_864, %select_n3A_851 : vector<16xf32>
      %select_n3A_866 = arith.select %gt3A_865, %mul3A_864, %select_n3A_851 : vector<16xi1>, vector<16xf32>
      %broadcast_in_dim3A_867 = arith.constant 10 : i32
      %broadcast_in_dim3A_868 = vector.broadcast %broadcast_in_dim3A_867 : i32 to vector<16xi32>
      %select_n3A_869 = arith.select %gt3A_865, %broadcast_in_dim3A_868, %select_n3A_854 : vector<16xi1>, vector<16xi32>
      %mul3A_870 = arith.constant 16 : i32
      %mul3A_871 = vector.broadcast %mul3A_870 : i32 to vector<16xi32>
      %mul3A_872 = arith.muli %iota3A, %mul3A_871 : vector<16xi32>
      %add3A_873 = vector.broadcast %mul3A_17 : i32 to vector<16xi32>
      %add3A_874 = arith.addi %add3A_873, %mul3A_872 : vector<16xi32>
      %add3A_875 = arith.constant 10 : i32
      %add3A_876 = vector.broadcast %add3A_875 : i32 to vector<16xi32>
      %add3A_877 = arith.addi %add3A_874, %add3A_876 : vector<16xi32>
      tpu.vector_store_idx %arg12[%add3A_877], %mul3A_864 : memref<1024xf32, #tpu.memory_space<vmem>>[vector<16xi32>], vector<16xf32>,
      %mul3A_878 = arith.mulf %gather3A_686, %div3A_720 : vector<16xf32>
      %mul3A_879 = arith.mulf %min3A_194, %mul3A_878 : vector<16xf32>
      %gt3A_880 = arith.cmpf ogt, %mul3A_879, %select_n3A_866 : vector<16xf32>
      %select_n3A_881 = arith.select %gt3A_880, %mul3A_879, %select_n3A_866 : vector<16xi1>, vector<16xf32>
      %broadcast_in_dim3A_882 = arith.constant 11 : i32
      %broadcast_in_dim3A_883 = vector.broadcast %broadcast_in_dim3A_882 : i32 to vector<16xi32>
      %select_n3A_884 = arith.select %gt3A_880, %broadcast_in_dim3A_883, %select_n3A_869 : vector<16xi1>, vector<16xi32>
      %mul3A_885 = arith.constant 16 : i32
      %mul3A_886 = vector.broadcast %mul3A_885 : i32 to vector<16xi32>
      %mul3A_887 = arith.muli %iota3A, %mul3A_886 : vector<16xi32>
      %add3A_888 = vector.broadcast %mul3A_17 : i32 to vector<16xi32>
      %add3A_889 = arith.addi %add3A_888, %mul3A_887 : vector<16xi32>
      %add3A_890 = arith.constant 11 : i32
      %add3A_891 = vector.broadcast %add3A_890 : i32 to vector<16xi32>
      %add3A_892 = arith.addi %add3A_889, %add3A_891 : vector<16xi32>
      tpu.vector_store_idx %arg12[%add3A_892], %mul3A_879 : memref<1024xf32, #tpu.memory_space<vmem>>[vector<16xi32>], vector<16xf32>,
      %mul3A_893 = arith.mulf %gather3A_690, %div3A_720 : vector<16xf32>
      %mul3A_894 = arith.mulf %min3A_209, %mul3A_893 : vector<16xf32>
      %gt3A_895 = arith.cmpf ogt, %mul3A_894, %select_n3A_881 : vector<16xf32>
      %select_n3A_896 = arith.select %gt3A_895, %mul3A_894, %select_n3A_881 : vector<16xi1>, vector<16xf32>
      %broadcast_in_dim3A_897 = arith.constant 12 : i32
      %broadcast_in_dim3A_898 = vector.broadcast %broadcast_in_dim3A_897 : i32 to vector<16xi32>
      %select_n3A_899 = arith.select %gt3A_895, %broadcast_in_dim3A_898, %select_n3A_884 : vector<16xi1>, vector<16xi32>
      %mul3A_900 = arith.constant 16 : i32
      %mul3A_901 = vector.broadcast %mul3A_900 : i32 to vector<16xi32>
      %mul3A_902 = arith.muli %iota3A, %mul3A_901 : vector<16xi32>
      %add3A_903 = vector.broadcast %mul3A_17 : i32 to vector<16xi32>
      %add3A_904 = arith.addi %add3A_903, %mul3A_902 : vector<16xi32>
      %add3A_905 = arith.constant 12 : i32
      %add3A_906 = vector.broadcast %add3A_905 : i32 to vector<16xi32>
      %add3A_907 = arith.addi %add3A_904, %add3A_906 : vector<16xi32>
      tpu.vector_store_idx %arg12[%add3A_907], %mul3A_894 : memref<1024xf32, #tpu.memory_space<vmem>>[vector<16xi32>], vector<16xf32>,
      %mul3A_908 = arith.mulf %gather3A_694, %div3A_720 : vector<16xf32>
      %mul3A_909 = arith.mulf %min3A_224, %mul3A_908 : vector<16xf32>
      %gt3A_910 = arith.cmpf ogt, %mul3A_909, %select_n3A_896 : vector<16xf32>
      %select_n3A_911 = arith.select %gt3A_910, %mul3A_909, %select_n3A_896 : vector<16xi1>, vector<16xf32>
      %broadcast_in_dim3A_912 = arith.constant 13 : i32
      %broadcast_in_dim3A_913 = vector.broadcast %broadcast_in_dim3A_912 : i32 to vector<16xi32>
      %select_n3A_914 = arith.select %gt3A_910, %broadcast_in_dim3A_913, %select_n3A_899 : vector<16xi1>, vector<16xi32>
      %mul3A_915 = arith.constant 16 : i32
      %mul3A_916 = vector.broadcast %mul3A_915 : i32 to vector<16xi32>
      %mul3A_917 = arith.muli %iota3A, %mul3A_916 : vector<16xi32>
      %add3A_918 = vector.broadcast %mul3A_17 : i32 to vector<16xi32>
      %add3A_919 = arith.addi %add3A_918, %mul3A_917 : vector<16xi32>
      %add3A_920 = arith.constant 13 : i32
      %add3A_921 = vector.broadcast %add3A_920 : i32 to vector<16xi32>
      %add3A_922 = arith.addi %add3A_919, %add3A_921 : vector<16xi32>
      tpu.vector_store_idx %arg12[%add3A_922], %mul3A_909 : memref<1024xf32, #tpu.memory_space<vmem>>[vector<16xi32>], vector<16xf32>,
      %mul3A_923 = arith.mulf %gather3A_698, %div3A_720 : vector<16xf32>
      %mul3A_924 = arith.mulf %min3A_239, %mul3A_923 : vector<16xf32>
      %gt3A_925 = arith.cmpf ogt, %mul3A_924, %select_n3A_911 : vector<16xf32>
      %select_n3A_926 = arith.select %gt3A_925, %mul3A_924, %select_n3A_911 : vector<16xi1>, vector<16xf32>
      %broadcast_in_dim3A_927 = arith.constant 14 : i32
      %broadcast_in_dim3A_928 = vector.broadcast %broadcast_in_dim3A_927 : i32 to vector<16xi32>
      %select_n3A_929 = arith.select %gt3A_925, %broadcast_in_dim3A_928, %select_n3A_914 : vector<16xi1>, vector<16xi32>
      %mul3A_930 = arith.constant 16 : i32
      %mul3A_931 = vector.broadcast %mul3A_930 : i32 to vector<16xi32>
      %mul3A_932 = arith.muli %iota3A, %mul3A_931 : vector<16xi32>
      %add3A_933 = vector.broadcast %mul3A_17 : i32 to vector<16xi32>
      %add3A_934 = arith.addi %add3A_933, %mul3A_932 : vector<16xi32>
      %add3A_935 = arith.constant 14 : i32
      %add3A_936 = vector.broadcast %add3A_935 : i32 to vector<16xi32>
      %add3A_937 = arith.addi %add3A_934, %add3A_936 : vector<16xi32>
      tpu.vector_store_idx %arg12[%add3A_937], %mul3A_924 : memref<1024xf32, #tpu.memory_space<vmem>>[vector<16xi32>], vector<16xf32>,
      %mul3A_938 = arith.mulf %gather3A_702, %div3A_720 : vector<16xf32>
      %mul3A_939 = arith.mulf %min3A_254, %mul3A_938 : vector<16xf32>
      %gt3A_940 = arith.cmpf ogt, %mul3A_939, %select_n3A_926 : vector<16xf32>
      %select_n3A_941 = arith.select %gt3A_940, %mul3A_939, %select_n3A_926 : vector<16xi1>, vector<16xf32>
      %broadcast_in_dim3A_942 = arith.constant 15 : i32
      %broadcast_in_dim3A_943 = vector.broadcast %broadcast_in_dim3A_942 : i32 to vector<16xi32>
      %select_n3A_944 = arith.select %gt3A_940, %broadcast_in_dim3A_943, %select_n3A_929 : vector<16xi1>, vector<16xi32>
      %mul3A_945 = arith.constant 16 : i32
      %mul3A_946 = vector.broadcast %mul3A_945 : i32 to vector<16xi32>
      %mul3A_947 = arith.muli %iota3A, %mul3A_946 : vector<16xi32>
      %add3A_948 = vector.broadcast %mul3A_17 : i32 to vector<16xi32>
      %add3A_949 = arith.addi %add3A_948, %mul3A_947 : vector<16xi32>
      %add3A_950 = arith.constant 15 : i32
      %add3A_951 = vector.broadcast %add3A_950 : i32 to vector<16xi32>
      %add3A_952 = arith.addi %add3A_949, %add3A_951 : vector<16xi32>
      tpu.vector_store_idx %arg12[%add3A_952], %mul3A_939 : memref<1024xf32, #tpu.memory_space<vmem>>[vector<16xi32>], vector<16xf32>,
      %mul3A_953 = arith.constant 256 : i32
      %mul3A_954 = vector.broadcast %mul3A_953 : i32 to vector<16xi32>
      %mul3A_955 = arith.muli %select_n3A_439, %mul3A_954 : vector<16xi32>
      %mul3A_956 = arith.constant 16 : i32
      %mul3A_957 = vector.broadcast %mul3A_956 : i32 to vector<16xi32>
      %mul3A_958 = arith.muli %select_n3A_631, %mul3A_957 : vector<16xi32>
      %add3A_959 = arith.addi %mul3A_955, %mul3A_958 : vector<16xi32>
      %add3A_960 = arith.addi %add3A_959, %select_n3A_944 : vector<16xi32>
      %gather3A_961 = tpu.vector_load_idx %arg10[%add3A_960] : memref<4096xi32, #tpu.memory_space<vmem>>[vector<16xi32>], vector<16xi32>,
      %mul3A_962 = arith.constant 16 : i32
      %mul3A_963 = arith.muli %scan3A_15, %mul3A_962 : i32
      %add3A_964 = vector.broadcast %mul3A_963 : i32 to vector<16xi32>
      %add3A_965 = arith.addi %add3A_964, %iota3A : vector<16xi32>
      tpu.vector_store_idx %arg13[%add3A_965], %gather3A_961 : memref<64xi32, #tpu.memory_space<vmem>>[vector<16xi32>], vector<16xi32>,
    }
    %scan3A_12 = arith.constant 4 : i32
    %mul3A_13 = arith.constant 16 : i32
    %mul3A_14 = arith.muli %mul3A_2, %mul3A_13 : i32
    "tpu.region"() ({
      %run_scoped3A = tpu.sem_alloc : memref<!tpu.dma_semaphore, #tpu.memory_space<semaphore_mem>>
      %dma_start3A_15 = tpu.memref_slice %arg6[%mul3A_14] : memref<32768xf32, #tpu.memory_space<hbm>> -> memref<1024xf32, #tpu.memory_space<hbm>>
      %dma_start3A_16 = tpu.memref_slice %arg6[%mul3A_14] : memref<32768xf32, #tpu.memory_space<hbm>> -> memref<1024xf32, #tpu.memory_space<hbm>>
      tpu.enqueue_dma source(%arg12 : memref<1024xf32, #tpu.memory_space<vmem>>) target(%dma_start3A_16 : memref<1024xf32, #tpu.memory_space<hbm>>) target_semaphore(%run_scoped3A : memref<!tpu.dma_semaphore, #tpu.memory_space<semaphore_mem>>)
      %dma_wait3A_17 = tpu.memref_slice %arg6[%mul3A_14] : memref<32768xf32, #tpu.memory_space<hbm>> -> memref<1024xf32, #tpu.memory_space<hbm>>
      %dma_wait3A_18 = tpu.memref_slice %arg6[%mul3A_14] : memref<32768xf32, #tpu.memory_space<hbm>> -> memref<1024xf32, #tpu.memory_space<hbm>>
      tpu.wait_dma2 semaphore(%run_scoped3A : memref<!tpu.dma_semaphore, #tpu.memory_space<semaphore_mem>>) src(%arg12 : memref<1024xf32, #tpu.memory_space<vmem>>) dst(%dma_wait3A_18 : memref<1024xf32, #tpu.memory_space<hbm>>)
      tpu.yield
    }) : () -> ()
    "tpu.region"() ({
      %run_scoped3A = tpu.sem_alloc : memref<!tpu.dma_semaphore, #tpu.memory_space<semaphore_mem>>
      %dma_start3A_15 = tpu.memref_slice %arg7[%mul3A_2] : memref<2048xi32, #tpu.memory_space<hbm>> -> memref<64xi32, #tpu.memory_space<hbm>>
      %dma_start3A_16 = tpu.memref_slice %arg7[%mul3A_2] : memref<2048xi32, #tpu.memory_space<hbm>> -> memref<64xi32, #tpu.memory_space<hbm>>
      tpu.enqueue_dma source(%arg13 : memref<64xi32, #tpu.memory_space<vmem>>) target(%dma_start3A_16 : memref<64xi32, #tpu.memory_space<hbm>>) target_semaphore(%run_scoped3A : memref<!tpu.dma_semaphore, #tpu.memory_space<semaphore_mem>>)
      %dma_wait3A_17 = tpu.memref_slice %arg7[%mul3A_2] : memref<2048xi32, #tpu.memory_space<hbm>> -> memref<64xi32, #tpu.memory_space<hbm>>
      %dma_wait3A_18 = tpu.memref_slice %arg7[%mul3A_2] : memref<2048xi32, #tpu.memory_space<hbm>> -> memref<64xi32, #tpu.memory_space<hbm>>
      tpu.wait_dma2 semaphore(%run_scoped3A : memref<!tpu.dma_semaphore, #tpu.memory_space<semaphore_mem>>) src(%arg13 : memref<64xi32, #tpu.memory_space<vmem>>) dst(%dma_wait3A_18 : memref<64xi32, #tpu.memory_space<hbm>>)
      tpu.yield
    }) : () -> ()
    return
  }
}

#map = affine_map<(d0, d1) -> (0)>
module attributes {stable_mosaic.version = 14 : i64} {
  func.func @_route_body(%arg0: i32, %arg1: i32, %arg2: memref<32768xf32, #tpu.memory_space<hbm>>, %arg3: memref<4368xf32, #tpu.memory_space<hbm>>, %arg4: memref<4096xi32, #tpu.memory_space<hbm>>, %arg5: memref<16xi32, #tpu.memory_space<hbm>>, %arg6: memref<32768xf32, #tpu.memory_space<hbm>>, %arg7: memref<2048xi32, #tpu.memory_space<hbm>>, %arg8: memref<1024xf32, #tpu.memory_space<vmem>>, %arg9: memref<4368xf32, #tpu.memory_space<vmem>>, %arg10: memref<4096xi32, #tpu.memory_space<vmem>>, %arg11: memref<16xi32, #tpu.memory_space<vmem>>, %arg12: memref<1024xf32, #tpu.memory_space<vmem>>, %arg13: memref<64xi32, #tpu.memory_space<vmem>>, %arg14: memref<!tpu.dma_semaphore, #tpu.memory_space<semaphore_mem>>) attributes {dimension_semantics = [#tpu.dimension_semantics<core_parallel>, #tpu.dimension_semantics<subcore_parallel>], iteration_bounds = array<i64: 2, 16>, scalar_prefetch = 0 : i64, scratch_operands = 7 : i64, tpu.core_type = #tpu.core_type<sc_vector_subcore>, window_params = [{transform_indices = #map}, {transform_indices = #map}, {transform_indices = #map}, {transform_indices = #map}, {transform_indices = #map}, {transform_indices = #map}]} {
    %mul3A = arith.constant 2 : i32
    %mul3A_0 = arith.muli %arg1, %mul3A : i32
    %add3A = arith.addi %mul3A_0, %arg0 : i32
    %mul3A_1 = arith.constant 64 : i32
    %mul3A_2 = arith.muli %add3A, %mul3A_1 : i32
    %mul3A_3 = arith.constant 16 : i32
    %mul3A_4 = arith.muli %mul3A_2, %mul3A_3 : i32
    %dma_start3A = tpu.memref_slice %arg2[%mul3A_4] : memref<32768xf32, #tpu.memory_space<hbm>> -> memref<1024xf32, #tpu.memory_space<hbm>>
    %dma_start3A_5 = tpu.memref_slice %arg2[%mul3A_4] : memref<32768xf32, #tpu.memory_space<hbm>> -> memref<1024xf32, #tpu.memory_space<hbm>>
    tpu.enqueue_dma source(%dma_start3A_5 : memref<1024xf32, #tpu.memory_space<hbm>>) target(%arg8 : memref<1024xf32, #tpu.memory_space<vmem>>) target_semaphore(%arg14 : memref<!tpu.dma_semaphore, #tpu.memory_space<semaphore_mem>>)
    tpu.enqueue_dma source(%arg3 : memref<4368xf32, #tpu.memory_space<hbm>>) target(%arg9 : memref<4368xf32, #tpu.memory_space<vmem>>) target_semaphore(%arg14 : memref<!tpu.dma_semaphore, #tpu.memory_space<semaphore_mem>>)
    tpu.enqueue_dma source(%arg4 : memref<4096xi32, #tpu.memory_space<hbm>>) target(%arg10 : memref<4096xi32, #tpu.memory_space<vmem>>) target_semaphore(%arg14 : memref<!tpu.dma_semaphore, #tpu.memory_space<semaphore_mem>>)
    tpu.enqueue_dma source(%arg5 : memref<16xi32, #tpu.memory_space<hbm>>) target(%arg11 : memref<16xi32, #tpu.memory_space<vmem>>) target_semaphore(%arg14 : memref<!tpu.dma_semaphore, #tpu.memory_space<semaphore_mem>>)
    %dma_wait3A = tpu.memref_slice %arg2[%mul3A_4] : memref<32768xf32, #tpu.memory_space<hbm>> -> memref<1024xf32, #tpu.memory_space<hbm>>
    %dma_wait3A_6 = tpu.memref_slice %arg2[%mul3A_4] : memref<32768xf32, #tpu.memory_space<hbm>> -> memref<1024xf32, #tpu.memory_space<hbm>>
    tpu.wait_dma2 semaphore(%arg14 : memref<!tpu.dma_semaphore, #tpu.memory_space<semaphore_mem>>) src(%dma_wait3A_6 : memref<1024xf32, #tpu.memory_space<hbm>>) dst(%arg8 : memref<1024xf32, #tpu.memory_space<vmem>>)
    tpu.wait_dma2 semaphore(%arg14 : memref<!tpu.dma_semaphore, #tpu.memory_space<semaphore_mem>>) src(%arg3 : memref<4368xf32, #tpu.memory_space<hbm>>) dst(%arg9 : memref<4368xf32, #tpu.memory_space<vmem>>)
    tpu.wait_dma2 semaphore(%arg14 : memref<!tpu.dma_semaphore, #tpu.memory_space<semaphore_mem>>) src(%arg4 : memref<4096xi32, #tpu.memory_space<hbm>>) dst(%arg10 : memref<4096xi32, #tpu.memory_space<vmem>>)
    tpu.wait_dma2 semaphore(%arg14 : memref<!tpu.dma_semaphore, #tpu.memory_space<semaphore_mem>>) src(%arg5 : memref<16xi32, #tpu.memory_space<hbm>>) dst(%arg11 : memref<16xi32, #tpu.memory_space<vmem>>)
    %iota3A = tpu.iota {dimensions = array<i32: 0>} : vector<16xi32>
    %get3A = arith.constant 0 : index
    %get3A_7 = tpu.vector_load %arg11[%get3A] {strides = array<i32>} : memref<16xi32, #tpu.memory_space<vmem>>, vector<16xi32>,
    %scan3A = arith.constant 0 : i32
    %scan3A_8 = arith.constant 0 : i32
    %scan3A_9 = arith.constant 4 : i32
    %scan3A_10 = arith.addi %scan3A_8, %scan3A_9 : i32
    %scan3A_11 = arith.constant 1 : i32
    scf.for %scan3A_15 = %scan3A_8 to %scan3A_10 step %scan3A_11  : i32 {
      %mul3A_16 = arith.constant 256 : i32
      %mul3A_17 = arith.muli %scan3A_15, %mul3A_16 : i32
      %mul3A_18 = arith.constant 16 : i32
      %mul3A_19 = vector.broadcast %mul3A_18 : i32 to vector<16xi32>
      %mul3A_20 = arith.muli %iota3A, %mul3A_19 : vector<16xi32>
      %add3A_21 = vector.broadcast %mul3A_17 : i32 to vector<16xi32>
      %add3A_22 = arith.addi %add3A_21, %mul3A_20 : vector<16xi32>
      %add3A_23 = arith.constant 0 : i32
      %add3A_24 = vector.broadcast %add3A_23 : i32 to vector<16xi32>
      %add3A_25 = arith.addi %add3A_22, %add3A_24 : vector<16xi32>
      %gather3A = tpu.vector_load_idx %arg8[%add3A_25] : memref<1024xf32, #tpu.memory_space<vmem>>[vector<16xi32>], vector<16xf32>,
      %max3A = arith.constant 1.000000e-30 : f32
      %max3A_26 = vector.broadcast %max3A : f32 to vector<16xf32>
      %max3A_27 = arith.maximumf %gather3A, %max3A_26 : vector<16xf32>
      %min3A = arith.constant 1.000000e+00 : f32
      %min3A_28 = vector.broadcast %min3A : f32 to vector<16xf32>
      %min3A_29 = arith.minimumf %max3A_27, %min3A_28 : vector<16xf32>
      %mul3A_30 = arith.constant 16 : i32
      %mul3A_31 = vector.broadcast %mul3A_30 : i32 to vector<16xi32>
      %mul3A_32 = arith.muli %iota3A, %mul3A_31 : vector<16xi32>
      %add3A_33 = vector.broadcast %mul3A_17 : i32 to vector<16xi32>
      %add3A_34 = arith.addi %add3A_33, %mul3A_32 : vector<16xi32>
      %add3A_35 = arith.constant 1 : i32
      %add3A_36 = vector.broadcast %add3A_35 : i32 to vector<16xi32>
      %add3A_37 = arith.addi %add3A_34, %add3A_36 : vector<16xi32>
      %gather3A_38 = tpu.vector_load_idx %arg8[%add3A_37] : memref<1024xf32, #tpu.memory_space<vmem>>[vector<16xi32>], vector<16xf32>,
      %max3A_39 = arith.constant 1.000000e-30 : f32
      %max3A_40 = vector.broadcast %max3A_39 : f32 to vector<16xf32>
      %max3A_41 = arith.maximumf %gather3A_38, %max3A_40 : vector<16xf32>
      %min3A_42 = arith.constant 1.000000e+00 : f32
      %min3A_43 = vector.broadcast %min3A_42 : f32 to vector<16xf32>
      %min3A_44 = arith.minimumf %max3A_41, %min3A_43 : vector<16xf32>
      %mul3A_45 = arith.constant 16 : i32
      %mul3A_46 = vector.broadcast %mul3A_45 : i32 to vector<16xi32>
      %mul3A_47 = arith.muli %iota3A, %mul3A_46 : vector<16xi32>
      %add3A_48 = vector.broadcast %mul3A_17 : i32 to vector<16xi32>
      %add3A_49 = arith.addi %add3A_48, %mul3A_47 : vector<16xi32>
      %add3A_50 = arith.constant 2 : i32
      %add3A_51 = vector.broadcast %add3A_50 : i32 to vector<16xi32>
      %add3A_52 = arith.addi %add3A_49, %add3A_51 : vector<16xi32>
      %gather3A_53 = tpu.vector_load_idx %arg8[%add3A_52] : memref<1024xf32, #tpu.memory_space<vmem>>[vector<16xi32>], vector<16xf32>,
      %max3A_54 = arith.constant 1.000000e-30 : f32
      %max3A_55 = vector.broadcast %max3A_54 : f32 to vector<16xf32>
      %max3A_56 = arith.maximumf %gather3A_53, %max3A_55 : vector<16xf32>
      %min3A_57 = arith.constant 1.000000e+00 : f32
      %min3A_58 = vector.broadcast %min3A_57 : f32 to vector<16xf32>
      %min3A_59 = arith.minimumf %max3A_56, %min3A_58 : vector<16xf32>
      %mul3A_60 = arith.constant 16 : i32
      %mul3A_61 = vector.broadcast %mul3A_60 : i32 to vector<16xi32>
      %mul3A_62 = arith.muli %iota3A, %mul3A_61 : vector<16xi32>
      %add3A_63 = vector.broadcast %mul3A_17 : i32 to vector<16xi32>
      %add3A_64 = arith.addi %add3A_63, %mul3A_62 : vector<16xi32>
      %add3A_65 = arith.constant 3 : i32
      %add3A_66 = vector.broadcast %add3A_65 : i32 to vector<16xi32>
      %add3A_67 = arith.addi %add3A_64, %add3A_66 : vector<16xi32>
      %gather3A_68 = tpu.vector_load_idx %arg8[%add3A_67] : memref<1024xf32, #tpu.memory_space<vmem>>[vector<16xi32>], vector<16xf32>,
      %max3A_69 = arith.constant 1.000000e-30 : f32
      %max3A_70 = vector.broadcast %max3A_69 : f32 to vector<16xf32>
      %max3A_71 = arith.maximumf %gather3A_68, %max3A_70 : vector<16xf32>
      %min3A_72 = arith.constant 1.000000e+00 : f32
      %min3A_73 = vector.broadcast %min3A_72 : f32 to vector<16xf32>
      %min3A_74 = arith.minimumf %max3A_71, %min3A_73 : vector<16xf32>
      %mul3A_75 = arith.constant 16 : i32
      %mul3A_76 = vector.broadcast %mul3A_75 : i32 to vector<16xi32>
      %mul3A_77 = arith.muli %iota3A, %mul3A_76 : vector<16xi32>
      %add3A_78 = vector.broadcast %mul3A_17 : i32 to vector<16xi32>
      %add3A_79 = arith.addi %add3A_78, %mul3A_77 : vector<16xi32>
      %add3A_80 = arith.constant 4 : i32
      %add3A_81 = vector.broadcast %add3A_80 : i32 to vector<16xi32>
      %add3A_82 = arith.addi %add3A_79, %add3A_81 : vector<16xi32>
      %gather3A_83 = tpu.vector_load_idx %arg8[%add3A_82] : memref<1024xf32, #tpu.memory_space<vmem>>[vector<16xi32>], vector<16xf32>,
      %max3A_84 = arith.constant 1.000000e-30 : f32
      %max3A_85 = vector.broadcast %max3A_84 : f32 to vector<16xf32>
      %max3A_86 = arith.maximumf %gather3A_83, %max3A_85 : vector<16xf32>
      %min3A_87 = arith.constant 1.000000e+00 : f32
      %min3A_88 = vector.broadcast %min3A_87 : f32 to vector<16xf32>
      %min3A_89 = arith.minimumf %max3A_86, %min3A_88 : vector<16xf32>
      %mul3A_90 = arith.constant 16 : i32
      %mul3A_91 = vector.broadcast %mul3A_90 : i32 to vector<16xi32>
      %mul3A_92 = arith.muli %iota3A, %mul3A_91 : vector<16xi32>
      %add3A_93 = vector.broadcast %mul3A_17 : i32 to vector<16xi32>
      %add3A_94 = arith.addi %add3A_93, %mul3A_92 : vector<16xi32>
      %add3A_95 = arith.constant 5 : i32
      %add3A_96 = vector.broadcast %add3A_95 : i32 to vector<16xi32>
      %add3A_97 = arith.addi %add3A_94, %add3A_96 : vector<16xi32>
      %gather3A_98 = tpu.vector_load_idx %arg8[%add3A_97] : memref<1024xf32, #tpu.memory_space<vmem>>[vector<16xi32>], vector<16xf32>,
      %max3A_99 = arith.constant 1.000000e-30 : f32
      %max3A_100 = vector.broadcast %max3A_99 : f32 to vector<16xf32>
      %max3A_101 = arith.maximumf %gather3A_98, %max3A_100 : vector<16xf32>
      %min3A_102 = arith.constant 1.000000e+00 : f32
      %min3A_103 = vector.broadcast %min3A_102 : f32 to vector<16xf32>
      %min3A_104 = arith.minimumf %max3A_101, %min3A_103 : vector<16xf32>
      %mul3A_105 = arith.constant 16 : i32
      %mul3A_106 = vector.broadcast %mul3A_105 : i32 to vector<16xi32>
      %mul3A_107 = arith.muli %iota3A, %mul3A_106 : vector<16xi32>
      %add3A_108 = vector.broadcast %mul3A_17 : i32 to vector<16xi32>
      %add3A_109 = arith.addi %add3A_108, %mul3A_107 : vector<16xi32>
      %add3A_110 = arith.constant 6 : i32
      %add3A_111 = vector.broadcast %add3A_110 : i32 to vector<16xi32>
      %add3A_112 = arith.addi %add3A_109, %add3A_111 : vector<16xi32>
      %gather3A_113 = tpu.vector_load_idx %arg8[%add3A_112] : memref<1024xf32, #tpu.memory_space<vmem>>[vector<16xi32>], vector<16xf32>,
      %max3A_114 = arith.constant 1.000000e-30 : f32
      %max3A_115 = vector.broadcast %max3A_114 : f32 to vector<16xf32>
      %max3A_116 = arith.maximumf %gather3A_113, %max3A_115 : vector<16xf32>
      %min3A_117 = arith.constant 1.000000e+00 : f32
      %min3A_118 = vector.broadcast %min3A_117 : f32 to vector<16xf32>
      %min3A_119 = arith.minimumf %max3A_116, %min3A_118 : vector<16xf32>
      %mul3A_120 = arith.constant 16 : i32
      %mul3A_121 = vector.broadcast %mul3A_120 : i32 to vector<16xi32>
      %mul3A_122 = arith.muli %iota3A, %mul3A_121 : vector<16xi32>
      %add3A_123 = vector.broadcast %mul3A_17 : i32 to vector<16xi32>
      %add3A_124 = arith.addi %add3A_123, %mul3A_122 : vector<16xi32>
      %add3A_125 = arith.constant 7 : i32
      %add3A_126 = vector.broadcast %add3A_125 : i32 to vector<16xi32>
      %add3A_127 = arith.addi %add3A_124, %add3A_126 : vector<16xi32>
      %gather3A_128 = tpu.vector_load_idx %arg8[%add3A_127] : memref<1024xf32, #tpu.memory_space<vmem>>[vector<16xi32>], vector<16xf32>,
      %max3A_129 = arith.constant 1.000000e-30 : f32
      %max3A_130 = vector.broadcast %max3A_129 : f32 to vector<16xf32>
      %max3A_131 = arith.maximumf %gather3A_128, %max3A_130 : vector<16xf32>
      %min3A_132 = arith.constant 1.000000e+00 : f32
      %min3A_133 = vector.broadcast %min3A_132 : f32 to vector<16xf32>
      %min3A_134 = arith.minimumf %max3A_131, %min3A_133 : vector<16xf32>
      %mul3A_135 = arith.constant 16 : i32
      %mul3A_136 = vector.broadcast %mul3A_135 : i32 to vector<16xi32>
      %mul3A_137 = arith.muli %iota3A, %mul3A_136 : vector<16xi32>
      %add3A_138 = vector.broadcast %mul3A_17 : i32 to vector<16xi32>
      %add3A_139 = arith.addi %add3A_138, %mul3A_137 : vector<16xi32>
      %add3A_140 = arith.constant 8 : i32
      %add3A_141 = vector.broadcast %add3A_140 : i32 to vector<16xi32>
      %add3A_142 = arith.addi %add3A_139, %add3A_141 : vector<16xi32>
      %gather3A_143 = tpu.vector_load_idx %arg8[%add3A_142] : memref<1024xf32, #tpu.memory_space<vmem>>[vector<16xi32>], vector<16xf32>,
      %max3A_144 = arith.constant 1.000000e-30 : f32
      %max3A_145 = vector.broadcast %max3A_144 : f32 to vector<16xf32>
      %max3A_146 = arith.maximumf %gather3A_143, %max3A_145 : vector<16xf32>
      %min3A_147 = arith.constant 1.000000e+00 : f32
      %min3A_148 = vector.broadcast %min3A_147 : f32 to vector<16xf32>
      %min3A_149 = arith.minimumf %max3A_146, %min3A_148 : vector<16xf32>
      %mul3A_150 = arith.constant 16 : i32
      %mul3A_151 = vector.broadcast %mul3A_150 : i32 to vector<16xi32>
      %mul3A_152 = arith.muli %iota3A, %mul3A_151 : vector<16xi32>
      %add3A_153 = vector.broadcast %mul3A_17 : i32 to vector<16xi32>
      %add3A_154 = arith.addi %add3A_153, %mul3A_152 : vector<16xi32>
      %add3A_155 = arith.constant 9 : i32
      %add3A_156 = vector.broadcast %add3A_155 : i32 to vector<16xi32>
      %add3A_157 = arith.addi %add3A_154, %add3A_156 : vector<16xi32>
      %gather3A_158 = tpu.vector_load_idx %arg8[%add3A_157] : memref<1024xf32, #tpu.memory_space<vmem>>[vector<16xi32>], vector<16xf32>,
      %max3A_159 = arith.constant 1.000000e-30 : f32
      %max3A_160 = vector.broadcast %max3A_159 : f32 to vector<16xf32>
      %max3A_161 = arith.maximumf %gather3A_158, %max3A_160 : vector<16xf32>
      %min3A_162 = arith.constant 1.000000e+00 : f32
      %min3A_163 = vector.broadcast %min3A_162 : f32 to vector<16xf32>
      %min3A_164 = arith.minimumf %max3A_161, %min3A_163 : vector<16xf32>
      %mul3A_165 = arith.constant 16 : i32
      %mul3A_166 = vector.broadcast %mul3A_165 : i32 to vector<16xi32>
      %mul3A_167 = arith.muli %iota3A, %mul3A_166 : vector<16xi32>
      %add3A_168 = vector.broadcast %mul3A_17 : i32 to vector<16xi32>
      %add3A_169 = arith.addi %add3A_168, %mul3A_167 : vector<16xi32>
      %add3A_170 = arith.constant 10 : i32
      %add3A_171 = vector.broadcast %add3A_170 : i32 to vector<16xi32>
      %add3A_172 = arith.addi %add3A_169, %add3A_171 : vector<16xi32>
      %gather3A_173 = tpu.vector_load_idx %arg8[%add3A_172] : memref<1024xf32, #tpu.memory_space<vmem>>[vector<16xi32>], vector<16xf32>,
      %max3A_174 = arith.constant 1.000000e-30 : f32
      %max3A_175 = vector.broadcast %max3A_174 : f32 to vector<16xf32>
      %max3A_176 = arith.maximumf %gather3A_173, %max3A_175 : vector<16xf32>
      %min3A_177 = arith.constant 1.000000e+00 : f32
      %min3A_178 = vector.broadcast %min3A_177 : f32 to vector<16xf32>
      %min3A_179 = arith.minimumf %max3A_176, %min3A_178 : vector<16xf32>
      %mul3A_180 = arith.constant 16 : i32
      %mul3A_181 = vector.broadcast %mul3A_180 : i32 to vector<16xi32>
      %mul3A_182 = arith.muli %iota3A, %mul3A_181 : vector<16xi32>
      %add3A_183 = vector.broadcast %mul3A_17 : i32 to vector<16xi32>
      %add3A_184 = arith.addi %add3A_183, %mul3A_182 : vector<16xi32>
      %add3A_185 = arith.constant 11 : i32
      %add3A_186 = vector.broadcast %add3A_185 : i32 to vector<16xi32>
      %add3A_187 = arith.addi %add3A_184, %add3A_186 : vector<16xi32>
      %gather3A_188 = tpu.vector_load_idx %arg8[%add3A_187] : memref<1024xf32, #tpu.memory_space<vmem>>[vector<16xi32>], vector<16xf32>,
      %max3A_189 = arith.constant 1.000000e-30 : f32
      %max3A_190 = vector.broadcast %max3A_189 : f32 to vector<16xf32>
      %max3A_191 = arith.maximumf %gather3A_188, %max3A_190 : vector<16xf32>
      %min3A_192 = arith.constant 1.000000e+00 : f32
      %min3A_193 = vector.broadcast %min3A_192 : f32 to vector<16xf32>
      %min3A_194 = arith.minimumf %max3A_191, %min3A_193 : vector<16xf32>
      %mul3A_195 = arith.constant 16 : i32
      %mul3A_196 = vector.broadcast %mul3A_195 : i32 to vector<16xi32>
      %mul3A_197 = arith.muli %iota3A, %mul3A_196 : vector<16xi32>
      %add3A_198 = vector.broadcast %mul3A_17 : i32 to vector<16xi32>
      %add3A_199 = arith.addi %add3A_198, %mul3A_197 : vector<16xi32>
      %add3A_200 = arith.constant 12 : i32
      %add3A_201 = vector.broadcast %add3A_200 : i32 to vector<16xi32>
      %add3A_202 = arith.addi %add3A_199, %add3A_201 : vector<16xi32>
      %gather3A_203 = tpu.vector_load_idx %arg8[%add3A_202] : memref<1024xf32, #tpu.memory_space<vmem>>[vector<16xi32>], vector<16xf32>,
      %max3A_204 = arith.constant 1.000000e-30 : f32
      %max3A_205 = vector.broadcast %max3A_204 : f32 to vector<16xf32>
      %max3A_206 = arith.maximumf %gather3A_203, %max3A_205 : vector<16xf32>
      %min3A_207 = arith.constant 1.000000e+00 : f32
      %min3A_208 = vector.broadcast %min3A_207 : f32 to vector<16xf32>
      %min3A_209 = arith.minimumf %max3A_206, %min3A_208 : vector<16xf32>
      %mul3A_210 = arith.constant 16 : i32
      %mul3A_211 = vector.broadcast %mul3A_210 : i32 to vector<16xi32>
      %mul3A_212 = arith.muli %iota3A, %mul3A_211 : vector<16xi32>
      %add3A_213 = vector.broadcast %mul3A_17 : i32 to vector<16xi32>
      %add3A_214 = arith.addi %add3A_213, %mul3A_212 : vector<16xi32>
      %add3A_215 = arith.constant 13 : i32
      %add3A_216 = vector.broadcast %add3A_215 : i32 to vector<16xi32>
      %add3A_217 = arith.addi %add3A_214, %add3A_216 : vector<16xi32>
      %gather3A_218 = tpu.vector_load_idx %arg8[%add3A_217] : memref<1024xf32, #tpu.memory_space<vmem>>[vector<16xi32>], vector<16xf32>,
      %max3A_219 = arith.constant 1.000000e-30 : f32
      %max3A_220 = vector.broadcast %max3A_219 : f32 to vector<16xf32>
      %max3A_221 = arith.maximumf %gather3A_218, %max3A_220 : vector<16xf32>
      %min3A_222 = arith.constant 1.000000e+00 : f32
      %min3A_223 = vector.broadcast %min3A_222 : f32 to vector<16xf32>
      %min3A_224 = arith.minimumf %max3A_221, %min3A_223 : vector<16xf32>
      %mul3A_225 = arith.constant 16 : i32
      %mul3A_226 = vector.broadcast %mul3A_225 : i32 to vector<16xi32>
      %mul3A_227 = arith.muli %iota3A, %mul3A_226 : vector<16xi32>
      %add3A_228 = vector.broadcast %mul3A_17 : i32 to vector<16xi32>
      %add3A_229 = arith.addi %add3A_228, %mul3A_227 : vector<16xi32>
      %add3A_230 = arith.constant 14 : i32
      %add3A_231 = vector.broadcast %add3A_230 : i32 to vector<16xi32>
      %add3A_232 = arith.addi %add3A_229, %add3A_231 : vector<16xi32>
      %gather3A_233 = tpu.vector_load_idx %arg8[%add3A_232] : memref<1024xf32, #tpu.memory_space<vmem>>[vector<16xi32>], vector<16xf32>,
      %max3A_234 = arith.constant 1.000000e-30 : f32
      %max3A_235 = vector.broadcast %max3A_234 : f32 to vector<16xf32>
      %max3A_236 = arith.maximumf %gather3A_233, %max3A_235 : vector<16xf32>
      %min3A_237 = arith.constant 1.000000e+00 : f32
      %min3A_238 = vector.broadcast %min3A_237 : f32 to vector<16xf32>
      %min3A_239 = arith.minimumf %max3A_236, %min3A_238 : vector<16xf32>
      %mul3A_240 = arith.constant 16 : i32
      %mul3A_241 = vector.broadcast %mul3A_240 : i32 to vector<16xi32>
      %mul3A_242 = arith.muli %iota3A, %mul3A_241 : vector<16xi32>
      %add3A_243 = vector.broadcast %mul3A_17 : i32 to vector<16xi32>
      %add3A_244 = arith.addi %add3A_243, %mul3A_242 : vector<16xi32>
      %add3A_245 = arith.constant 15 : i32
      %add3A_246 = vector.broadcast %add3A_245 : i32 to vector<16xi32>
      %add3A_247 = arith.addi %add3A_244, %add3A_246 : vector<16xi32>
      %gather3A_248 = tpu.vector_load_idx %arg8[%add3A_247] : memref<1024xf32, #tpu.memory_space<vmem>>[vector<16xi32>], vector<16xf32>,
      %max3A_249 = arith.constant 1.000000e-30 : f32
      %max3A_250 = vector.broadcast %max3A_249 : f32 to vector<16xf32>
      %max3A_251 = arith.maximumf %gather3A_248, %max3A_250 : vector<16xf32>
      %min3A_252 = arith.constant 1.000000e+00 : f32
      %min3A_253 = vector.broadcast %min3A_252 : f32 to vector<16xf32>
      %min3A_254 = arith.minimumf %max3A_251, %min3A_253 : vector<16xf32>
      %add3A_255 = arith.constant 0 : i32
      %add3A_256 = vector.broadcast %add3A_255 : i32 to vector<16xi32>
      %add3A_257 = arith.addi %add3A_256, %get3A_7 : vector<16xi32>
      %gather3A_258 = tpu.vector_load_idx %arg9[%add3A_257] : memref<4368xf32, #tpu.memory_space<vmem>>[vector<16xi32>], vector<16xf32>,
      %add3A_259 = arith.constant 273 : i32
      %add3A_260 = vector.broadcast %add3A_259 : i32 to vector<16xi32>
      %add3A_261 = arith.addi %add3A_260, %get3A_7 : vector<16xi32>
      %gather3A_262 = tpu.vector_load_idx %arg9[%add3A_261] : memref<4368xf32, #tpu.memory_space<vmem>>[vector<16xi32>], vector<16xf32>,
      %add3A_263 = arith.constant 546 : i32
      %add3A_264 = vector.broadcast %add3A_263 : i32 to vector<16xi32>
      %add3A_265 = arith.addi %add3A_264, %get3A_7 : vector<16xi32>
      %gather3A_266 = tpu.vector_load_idx %arg9[%add3A_265] : memref<4368xf32, #tpu.memory_space<vmem>>[vector<16xi32>], vector<16xf32>,
      %add3A_267 = arith.constant 819 : i32
      %add3A_268 = vector.broadcast %add3A_267 : i32 to vector<16xi32>
      %add3A_269 = arith.addi %add3A_268, %get3A_7 : vector<16xi32>
      %gather3A_270 = tpu.vector_load_idx %arg9[%add3A_269] : memref<4368xf32, #tpu.memory_space<vmem>>[vector<16xi32>], vector<16xf32>,
      %add3A_271 = arith.constant 1092 : i32
      %add3A_272 = vector.broadcast %add3A_271 : i32 to vector<16xi32>
      %add3A_273 = arith.addi %add3A_272, %get3A_7 : vector<16xi32>
      %gather3A_274 = tpu.vector_load_idx %arg9[%add3A_273] : memref<4368xf32, #tpu.memory_space<vmem>>[vector<16xi32>], vector<16xf32>,
      %add3A_275 = arith.constant 1365 : i32
      %add3A_276 = vector.broadcast %add3A_275 : i32 to vector<16xi32>
      %add3A_277 = arith.addi %add3A_276, %get3A_7 : vector<16xi32>
      %gather3A_278 = tpu.vector_load_idx %arg9[%add3A_277] : memref<4368xf32, #tpu.memory_space<vmem>>[vector<16xi32>], vector<16xf32>,
      %add3A_279 = arith.constant 1638 : i32
      %add3A_280 = vector.broadcast %add3A_279 : i32 to vector<16xi32>
      %add3A_281 = arith.addi %add3A_280, %get3A_7 : vector<16xi32>
      %gather3A_282 = tpu.vector_load_idx %arg9[%add3A_281] : memref<4368xf32, #tpu.memory_space<vmem>>[vector<16xi32>], vector<16xf32>,
      %add3A_283 = arith.constant 1911 : i32
      %add3A_284 = vector.broadcast %add3A_283 : i32 to vector<16xi32>
      %add3A_285 = arith.addi %add3A_284, %get3A_7 : vector<16xi32>
      %gather3A_286 = tpu.vector_load_idx %arg9[%add3A_285] : memref<4368xf32, #tpu.memory_space<vmem>>[vector<16xi32>], vector<16xf32>,
      %add3A_287 = arith.constant 2184 : i32
      %add3A_288 = vector.broadcast %add3A_287 : i32 to vector<16xi32>
      %add3A_289 = arith.addi %add3A_288, %get3A_7 : vector<16xi32>
      %gather3A_290 = tpu.vector_load_idx %arg9[%add3A_289] : memref<4368xf32, #tpu.memory_space<vmem>>[vector<16xi32>], vector<16xf32>,
      %add3A_291 = arith.constant 2457 : i32
      %add3A_292 = vector.broadcast %add3A_291 : i32 to vector<16xi32>
      %add3A_293 = arith.addi %add3A_292, %get3A_7 : vector<16xi32>
      %gather3A_294 = tpu.vector_load_idx %arg9[%add3A_293] : memref<4368xf32, #tpu.memory_space<vmem>>[vector<16xi32>], vector<16xf32>,
      %add3A_295 = arith.constant 2730 : i32
      %add3A_296 = vector.broadcast %add3A_295 : i32 to vector<16xi32>
      %add3A_297 = arith.addi %add3A_296, %get3A_7 : vector<16xi32>
      %gather3A_298 = tpu.vector_load_idx %arg9[%add3A_297] : memref<4368xf32, #tpu.memory_space<vmem>>[vector<16xi32>], vector<16xf32>,
      %add3A_299 = arith.constant 3003 : i32
      %add3A_300 = vector.broadcast %add3A_299 : i32 to vector<16xi32>
      %add3A_301 = arith.addi %add3A_300, %get3A_7 : vector<16xi32>
      %gather3A_302 = tpu.vector_load_idx %arg9[%add3A_301] : memref<4368xf32, #tpu.memory_space<vmem>>[vector<16xi32>], vector<16xf32>,
      %add3A_303 = arith.constant 3276 : i32
      %add3A_304 = vector.broadcast %add3A_303 : i32 to vector<16xi32>
      %add3A_305 = arith.addi %add3A_304, %get3A_7 : vector<16xi32>
      %gather3A_306 = tpu.vector_load_idx %arg9[%add3A_305] : memref<4368xf32, #tpu.memory_space<vmem>>[vector<16xi32>], vector<16xf32>,
      %add3A_307 = arith.constant 3549 : i32
      %add3A_308 = vector.broadcast %add3A_307 : i32 to vector<16xi32>
      %add3A_309 = arith.addi %add3A_308, %get3A_7 : vector<16xi32>
      %gather3A_310 = tpu.vector_load_idx %arg9[%add3A_309] : memref<4368xf32, #tpu.memory_space<vmem>>[vector<16xi32>], vector<16xf32>,
      %add3A_311 = arith.constant 3822 : i32
      %add3A_312 = vector.broadcast %add3A_311 : i32 to vector<16xi32>
      %add3A_313 = arith.addi %add3A_312, %get3A_7 : vector<16xi32>
      %gather3A_314 = tpu.vector_load_idx %arg9[%add3A_313] : memref<4368xf32, #tpu.memory_space<vmem>>[vector<16xi32>], vector<16xf32>,
      %add3A_315 = arith.constant 4095 : i32
      %add3A_316 = vector.broadcast %add3A_315 : i32 to vector<16xi32>
      %add3A_317 = arith.addi %add3A_316, %get3A_7 : vector<16xi32>
      %gather3A_318 = tpu.vector_load_idx %arg9[%add3A_317] : memref<4368xf32, #tpu.memory_space<vmem>>[vector<16xi32>], vector<16xf32>,
      %add3A_319 = arith.addf %gather3A_258, %gather3A_262 : vector<16xf32>
      %add3A_320 = arith.addf %add3A_319, %gather3A_266 : vector<16xf32>
      %add3A_321 = arith.addf %add3A_320, %gather3A_270 : vector<16xf32>
      %add3A_322 = arith.addf %add3A_321, %gather3A_274 : vector<16xf32>
      %add3A_323 = arith.addf %add3A_322, %gather3A_278 : vector<16xf32>
      %add3A_324 = arith.addf %add3A_323, %gather3A_282 : vector<16xf32>
      %add3A_325 = arith.addf %add3A_324, %gather3A_286 : vector<16xf32>
      %add3A_326 = arith.addf %add3A_325, %gather3A_290 : vector<16xf32>
      %add3A_327 = arith.addf %add3A_326, %gather3A_294 : vector<16xf32>
      %add3A_328 = arith.addf %add3A_327, %gather3A_298 : vector<16xf32>
      %add3A_329 = arith.addf %add3A_328, %gather3A_302 : vector<16xf32>
      %add3A_330 = arith.addf %add3A_329, %gather3A_306 : vector<16xf32>
      %add3A_331 = arith.addf %add3A_330, %gather3A_310 : vector<16xf32>
      %add3A_332 = arith.addf %add3A_331, %gather3A_314 : vector<16xf32>
      %add3A_333 = arith.addf %add3A_332, %gather3A_318 : vector<16xf32>
      %div3A = arith.constant 1.000000e+00 : f32
      %div3A_334 = vector.broadcast %div3A : f32 to vector<16xf32>
      %div3A_335 = arith.divf %div3A_334, %add3A_333 : vector<16xf32>
      %mul3A_336 = arith.mulf %gather3A_258, %div3A_335 : vector<16xf32>
      %mul3A_337 = arith.mulf %min3A_29, %mul3A_336 : vector<16xf32>
      %mul3A_338 = arith.mulf %gather3A_262, %div3A_335 : vector<16xf32>
      %mul3A_339 = arith.mulf %min3A_44, %mul3A_338 : vector<16xf32>
      %gt3A = arith.cmpf ogt, %mul3A_339, %mul3A_337 : vector<16xf32>
      %select_n3A = arith.select %gt3A, %mul3A_339, %mul3A_337 : vector<16xi1>, vector<16xf32>
      %broadcast_in_dim3A = arith.constant 1 : i32
      %broadcast_in_dim3A_340 = vector.broadcast %broadcast_in_dim3A : i32 to vector<16xi32>
      %select_n3A_341 = arith.select %gt3A, %broadcast_in_dim3A_340, %get3A_7 : vector<16xi1>, vector<16xi32>
      %mul3A_342 = arith.mulf %gather3A_266, %div3A_335 : vector<16xf32>
      %mul3A_343 = arith.mulf %min3A_59, %mul3A_342 : vector<16xf32>
      %gt3A_344 = arith.cmpf ogt, %mul3A_343, %select_n3A : vector<16xf32>
      %select_n3A_345 = arith.select %gt3A_344, %mul3A_343, %select_n3A : vector<16xi1>, vector<16xf32>
      %broadcast_in_dim3A_346 = arith.constant 2 : i32
      %broadcast_in_dim3A_347 = vector.broadcast %broadcast_in_dim3A_346 : i32 to vector<16xi32>
      %select_n3A_348 = arith.select %gt3A_344, %broadcast_in_dim3A_347, %select_n3A_341 : vector<16xi1>, vector<16xi32>
      %mul3A_349 = arith.mulf %gather3A_270, %div3A_335 : vector<16xf32>
      %mul3A_350 = arith.mulf %min3A_74, %mul3A_349 : vector<16xf32>
      %gt3A_351 = arith.cmpf ogt, %mul3A_350, %select_n3A_345 : vector<16xf32>
      %select_n3A_352 = arith.select %gt3A_351, %mul3A_350, %select_n3A_345 : vector<16xi1>, vector<16xf32>
      %broadcast_in_dim3A_353 = arith.constant 3 : i32
      %broadcast_in_dim3A_354 = vector.broadcast %broadcast_in_dim3A_353 : i32 to vector<16xi32>
      %select_n3A_355 = arith.select %gt3A_351, %broadcast_in_dim3A_354, %select_n3A_348 : vector<16xi1>, vector<16xi32>
      %mul3A_356 = arith.mulf %gather3A_274, %div3A_335 : vector<16xf32>
      %mul3A_357 = arith.mulf %min3A_89, %mul3A_356 : vector<16xf32>
      %gt3A_358 = arith.cmpf ogt, %mul3A_357, %select_n3A_352 : vector<16xf32>
      %select_n3A_359 = arith.select %gt3A_358, %mul3A_357, %select_n3A_352 : vector<16xi1>, vector<16xf32>
      %broadcast_in_dim3A_360 = arith.constant 4 : i32
      %broadcast_in_dim3A_361 = vector.broadcast %broadcast_in_dim3A_360 : i32 to vector<16xi32>
      %select_n3A_362 = arith.select %gt3A_358, %broadcast_in_dim3A_361, %select_n3A_355 : vector<16xi1>, vector<16xi32>
      %mul3A_363 = arith.mulf %gather3A_278, %div3A_335 : vector<16xf32>
      %mul3A_364 = arith.mulf %min3A_104, %mul3A_363 : vector<16xf32>
      %gt3A_365 = arith.cmpf ogt, %mul3A_364, %select_n3A_359 : vector<16xf32>
      %select_n3A_366 = arith.select %gt3A_365, %mul3A_364, %select_n3A_359 : vector<16xi1>, vector<16xf32>
      %broadcast_in_dim3A_367 = arith.constant 5 : i32
      %broadcast_in_dim3A_368 = vector.broadcast %broadcast_in_dim3A_367 : i32 to vector<16xi32>
      %select_n3A_369 = arith.select %gt3A_365, %broadcast_in_dim3A_368, %select_n3A_362 : vector<16xi1>, vector<16xi32>
      %mul3A_370 = arith.mulf %gather3A_282, %div3A_335 : vector<16xf32>
      %mul3A_371 = arith.mulf %min3A_119, %mul3A_370 : vector<16xf32>
      %gt3A_372 = arith.cmpf ogt, %mul3A_371, %select_n3A_366 : vector<16xf32>
      %select_n3A_373 = arith.select %gt3A_372, %mul3A_371, %select_n3A_366 : vector<16xi1>, vector<16xf32>
      %broadcast_in_dim3A_374 = arith.constant 6 : i32
      %broadcast_in_dim3A_375 = vector.broadcast %broadcast_in_dim3A_374 : i32 to vector<16xi32>
      %select_n3A_376 = arith.select %gt3A_372, %broadcast_in_dim3A_375, %select_n3A_369 : vector<16xi1>, vector<16xi32>
      %mul3A_377 = arith.mulf %gather3A_286, %div3A_335 : vector<16xf32>
      %mul3A_378 = arith.mulf %min3A_134, %mul3A_377 : vector<16xf32>
      %gt3A_379 = arith.cmpf ogt, %mul3A_378, %select_n3A_373 : vector<16xf32>
      %select_n3A_380 = arith.select %gt3A_379, %mul3A_378, %select_n3A_373 : vector<16xi1>, vector<16xf32>
      %broadcast_in_dim3A_381 = arith.constant 7 : i32
      %broadcast_in_dim3A_382 = vector.broadcast %broadcast_in_dim3A_381 : i32 to vector<16xi32>
      %select_n3A_383 = arith.select %gt3A_379, %broadcast_in_dim3A_382, %select_n3A_376 : vector<16xi1>, vector<16xi32>
      %mul3A_384 = arith.mulf %gather3A_290, %div3A_335 : vector<16xf32>
      %mul3A_385 = arith.mulf %min3A_149, %mul3A_384 : vector<16xf32>
      %gt3A_386 = arith.cmpf ogt, %mul3A_385, %select_n3A_380 : vector<16xf32>
      %select_n3A_387 = arith.select %gt3A_386, %mul3A_385, %select_n3A_380 : vector<16xi1>, vector<16xf32>
      %broadcast_in_dim3A_388 = arith.constant 8 : i32
      %broadcast_in_dim3A_389 = vector.broadcast %broadcast_in_dim3A_388 : i32 to vector<16xi32>
      %select_n3A_390 = arith.select %gt3A_386, %broadcast_in_dim3A_389, %select_n3A_383 : vector<16xi1>, vector<16xi32>
      %mul3A_391 = arith.mulf %gather3A_294, %div3A_335 : vector<16xf32>
      %mul3A_392 = arith.mulf %min3A_164, %mul3A_391 : vector<16xf32>
      %gt3A_393 = arith.cmpf ogt, %mul3A_392, %select_n3A_387 : vector<16xf32>
      %select_n3A_394 = arith.select %gt3A_393, %mul3A_392, %select_n3A_387 : vector<16xi1>, vector<16xf32>
      %broadcast_in_dim3A_395 = arith.constant 9 : i32
      %broadcast_in_dim3A_396 = vector.broadcast %broadcast_in_dim3A_395 : i32 to vector<16xi32>
      %select_n3A_397 = arith.select %gt3A_393, %broadcast_in_dim3A_396, %select_n3A_390 : vector<16xi1>, vector<16xi32>
      %mul3A_398 = arith.mulf %gather3A_298, %div3A_335 : vector<16xf32>
      %mul3A_399 = arith.mulf %min3A_179, %mul3A_398 : vector<16xf32>
      %gt3A_400 = arith.cmpf ogt, %mul3A_399, %select_n3A_394 : vector<16xf32>
      %select_n3A_401 = arith.select %gt3A_400, %mul3A_399, %select_n3A_394 : vector<16xi1>, vector<16xf32>
      %broadcast_in_dim3A_402 = arith.constant 10 : i32
      %broadcast_in_dim3A_403 = vector.broadcast %broadcast_in_dim3A_402 : i32 to vector<16xi32>
      %select_n3A_404 = arith.select %gt3A_400, %broadcast_in_dim3A_403, %select_n3A_397 : vector<16xi1>, vector<16xi32>
      %mul3A_405 = arith.mulf %gather3A_302, %div3A_335 : vector<16xf32>
      %mul3A_406 = arith.mulf %min3A_194, %mul3A_405 : vector<16xf32>
      %gt3A_407 = arith.cmpf ogt, %mul3A_406, %select_n3A_401 : vector<16xf32>
      %select_n3A_408 = arith.select %gt3A_407, %mul3A_406, %select_n3A_401 : vector<16xi1>, vector<16xf32>
      %broadcast_in_dim3A_409 = arith.constant 11 : i32
      %broadcast_in_dim3A_410 = vector.broadcast %broadcast_in_dim3A_409 : i32 to vector<16xi32>
      %select_n3A_411 = arith.select %gt3A_407, %broadcast_in_dim3A_410, %select_n3A_404 : vector<16xi1>, vector<16xi32>
      %mul3A_412 = arith.mulf %gather3A_306, %div3A_335 : vector<16xf32>
      %mul3A_413 = arith.mulf %min3A_209, %mul3A_412 : vector<16xf32>
      %gt3A_414 = arith.cmpf ogt, %mul3A_413, %select_n3A_408 : vector<16xf32>
      %select_n3A_415 = arith.select %gt3A_414, %mul3A_413, %select_n3A_408 : vector<16xi1>, vector<16xf32>
      %broadcast_in_dim3A_416 = arith.constant 12 : i32
      %broadcast_in_dim3A_417 = vector.broadcast %broadcast_in_dim3A_416 : i32 to vector<16xi32>
      %select_n3A_418 = arith.select %gt3A_414, %broadcast_in_dim3A_417, %select_n3A_411 : vector<16xi1>, vector<16xi32>
      %mul3A_419 = arith.mulf %gather3A_310, %div3A_335 : vector<16xf32>
      %mul3A_420 = arith.mulf %min3A_224, %mul3A_419 : vector<16xf32>
      %gt3A_421 = arith.cmpf ogt, %mul3A_420, %select_n3A_415 : vector<16xf32>
      %select_n3A_422 = arith.select %gt3A_421, %mul3A_420, %select_n3A_415 : vector<16xi1>, vector<16xf32>
      %broadcast_in_dim3A_423 = arith.constant 13 : i32
      %broadcast_in_dim3A_424 = vector.broadcast %broadcast_in_dim3A_423 : i32 to vector<16xi32>
      %select_n3A_425 = arith.select %gt3A_421, %broadcast_in_dim3A_424, %select_n3A_418 : vector<16xi1>, vector<16xi32>
      %mul3A_426 = arith.mulf %gather3A_314, %div3A_335 : vector<16xf32>
      %mul3A_427 = arith.mulf %min3A_239, %mul3A_426 : vector<16xf32>
      %gt3A_428 = arith.cmpf ogt, %mul3A_427, %select_n3A_422 : vector<16xf32>
      %select_n3A_429 = arith.select %gt3A_428, %mul3A_427, %select_n3A_422 : vector<16xi1>, vector<16xf32>
      %broadcast_in_dim3A_430 = arith.constant 14 : i32
      %broadcast_in_dim3A_431 = vector.broadcast %broadcast_in_dim3A_430 : i32 to vector<16xi32>
      %select_n3A_432 = arith.select %gt3A_428, %broadcast_in_dim3A_431, %select_n3A_425 : vector<16xi1>, vector<16xi32>
      %mul3A_433 = arith.mulf %gather3A_318, %div3A_335 : vector<16xf32>
      %mul3A_434 = arith.mulf %min3A_254, %mul3A_433 : vector<16xf32>
      %gt3A_435 = arith.cmpf ogt, %mul3A_434, %select_n3A_429 : vector<16xf32>
      %select_n3A_436 = arith.select %gt3A_435, %mul3A_434, %select_n3A_429 : vector<16xi1>, vector<16xf32>
      %broadcast_in_dim3A_437 = arith.constant 15 : i32
      %broadcast_in_dim3A_438 = vector.broadcast %broadcast_in_dim3A_437 : i32 to vector<16xi32>
      %select_n3A_439 = arith.select %gt3A_435, %broadcast_in_dim3A_438, %select_n3A_432 : vector<16xi1>, vector<16xi32>
      %add3A_440 = arith.constant 1 : i32
      %add3A_441 = vector.broadcast %add3A_440 : i32 to vector<16xi32>
      %add3A_442 = arith.addi %add3A_441, %select_n3A_439 : vector<16xi32>
      %add3A_443 = arith.constant 0 : i32
      %add3A_444 = vector.broadcast %add3A_443 : i32 to vector<16xi32>
      %add3A_445 = arith.addi %add3A_444, %add3A_442 : vector<16xi32>
      %gather3A_446 = tpu.vector_load_idx %arg9[%add3A_445] : memref<4368xf32, #tpu.memory_space<vmem>>[vector<16xi32>], vector<16xf32>,
      %add3A_447 = arith.constant 273 : i32
      %add3A_448 = vector.broadcast %add3A_447 : i32 to vector<16xi32>
      %add3A_449 = arith.addi %add3A_448, %add3A_442 : vector<16xi32>
      %gather3A_450 = tpu.vector_load_idx %arg9[%add3A_449] : memref<4368xf32, #tpu.memory_space<vmem>>[vector<16xi32>], vector<16xf32>,
      %add3A_451 = arith.constant 546 : i32
      %add3A_452 = vector.broadcast %add3A_451 : i32 to vector<16xi32>
      %add3A_453 = arith.addi %add3A_452, %add3A_442 : vector<16xi32>
      %gather3A_454 = tpu.vector_load_idx %arg9[%add3A_453] : memref<4368xf32, #tpu.memory_space<vmem>>[vector<16xi32>], vector<16xf32>,
      %add3A_455 = arith.constant 819 : i32
      %add3A_456 = vector.broadcast %add3A_455 : i32 to vector<16xi32>
      %add3A_457 = arith.addi %add3A_456, %add3A_442 : vector<16xi32>
      %gather3A_458 = tpu.vector_load_idx %arg9[%add3A_457] : memref<4368xf32, #tpu.memory_space<vmem>>[vector<16xi32>], vector<16xf32>,
      %add3A_459 = arith.constant 1092 : i32
      %add3A_460 = vector.broadcast %add3A_459 : i32 to vector<16xi32>
      %add3A_461 = arith.addi %add3A_460, %add3A_442 : vector<16xi32>
      %gather3A_462 = tpu.vector_load_idx %arg9[%add3A_461] : memref<4368xf32, #tpu.memory_space<vmem>>[vector<16xi32>], vector<16xf32>,
      %add3A_463 = arith.constant 1365 : i32
      %add3A_464 = vector.broadcast %add3A_463 : i32 to vector<16xi32>
      %add3A_465 = arith.addi %add3A_464, %add3A_442 : vector<16xi32>
      %gather3A_466 = tpu.vector_load_idx %arg9[%add3A_465] : memref<4368xf32, #tpu.memory_space<vmem>>[vector<16xi32>], vector<16xf32>,
      %add3A_467 = arith.constant 1638 : i32
      %add3A_468 = vector.broadcast %add3A_467 : i32 to vector<16xi32>
      %add3A_469 = arith.addi %add3A_468, %add3A_442 : vector<16xi32>
      %gather3A_470 = tpu.vector_load_idx %arg9[%add3A_469] : memref<4368xf32, #tpu.memory_space<vmem>>[vector<16xi32>], vector<16xf32>,
      %add3A_471 = arith.constant 1911 : i32
      %add3A_472 = vector.broadcast %add3A_471 : i32 to vector<16xi32>
      %add3A_473 = arith.addi %add3A_472, %add3A_442 : vector<16xi32>
      %gather3A_474 = tpu.vector_load_idx %arg9[%add3A_473] : memref<4368xf32, #tpu.memory_space<vmem>>[vector<16xi32>], vector<16xf32>,
      %add3A_475 = arith.constant 2184 : i32
      %add3A_476 = vector.broadcast %add3A_475 : i32 to vector<16xi32>
      %add3A_477 = arith.addi %add3A_476, %add3A_442 : vector<16xi32>
      %gather3A_478 = tpu.vector_load_idx %arg9[%add3A_477] : memref<4368xf32, #tpu.memory_space<vmem>>[vector<16xi32>], vector<16xf32>,
      %add3A_479 = arith.constant 2457 : i32
      %add3A_480 = vector.broadcast %add3A_479 : i32 to vector<16xi32>
      %add3A_481 = arith.addi %add3A_480, %add3A_442 : vector<16xi32>
      %gather3A_482 = tpu.vector_load_idx %arg9[%add3A_481] : memref<4368xf32, #tpu.memory_space<vmem>>[vector<16xi32>], vector<16xf32>,
      %add3A_483 = arith.constant 2730 : i32
      %add3A_484 = vector.broadcast %add3A_483 : i32 to vector<16xi32>
      %add3A_485 = arith.addi %add3A_484, %add3A_442 : vector<16xi32>
      %gather3A_486 = tpu.vector_load_idx %arg9[%add3A_485] : memref<4368xf32, #tpu.memory_space<vmem>>[vector<16xi32>], vector<16xf32>,
      %add3A_487 = arith.constant 3003 : i32
      %add3A_488 = vector.broadcast %add3A_487 : i32 to vector<16xi32>
      %add3A_489 = arith.addi %add3A_488, %add3A_442 : vector<16xi32>
      %gather3A_490 = tpu.vector_load_idx %arg9[%add3A_489] : memref<4368xf32, #tpu.memory_space<vmem>>[vector<16xi32>], vector<16xf32>,
      %add3A_491 = arith.constant 3276 : i32
      %add3A_492 = vector.broadcast %add3A_491 : i32 to vector<16xi32>
      %add3A_493 = arith.addi %add3A_492, %add3A_442 : vector<16xi32>
      %gather3A_494 = tpu.vector_load_idx %arg9[%add3A_493] : memref<4368xf32, #tpu.memory_space<vmem>>[vector<16xi32>], vector<16xf32>,
      %add3A_495 = arith.constant 3549 : i32
      %add3A_496 = vector.broadcast %add3A_495 : i32 to vector<16xi32>
      %add3A_497 = arith.addi %add3A_496, %add3A_442 : vector<16xi32>
      %gather3A_498 = tpu.vector_load_idx %arg9[%add3A_497] : memref<4368xf32, #tpu.memory_space<vmem>>[vector<16xi32>], vector<16xf32>,
      %add3A_499 = arith.constant 3822 : i32
      %add3A_500 = vector.broadcast %add3A_499 : i32 to vector<16xi32>
      %add3A_501 = arith.addi %add3A_500, %add3A_442 : vector<16xi32>
      %gather3A_502 = tpu.vector_load_idx %arg9[%add3A_501] : memref<4368xf32, #tpu.memory_space<vmem>>[vector<16xi32>], vector<16xf32>,
      %add3A_503 = arith.constant 4095 : i32
      %add3A_504 = vector.broadcast %add3A_503 : i32 to vector<16xi32>
      %add3A_505 = arith.addi %add3A_504, %add3A_442 : vector<16xi32>
      %gather3A_506 = tpu.vector_load_idx %arg9[%add3A_505] : memref<4368xf32, #tpu.memory_space<vmem>>[vector<16xi32>], vector<16xf32>,
      %add3A_507 = arith.addf %gather3A_446, %gather3A_450 : vector<16xf32>
      %add3A_508 = arith.addf %add3A_507, %gather3A_454 : vector<16xf32>
      %add3A_509 = arith.addf %add3A_508, %gather3A_458 : vector<16xf32>
      %add3A_510 = arith.addf %add3A_509, %gather3A_462 : vector<16xf32>
      %add3A_511 = arith.addf %add3A_510, %gather3A_466 : vector<16xf32>
      %add3A_512 = arith.addf %add3A_511, %gather3A_470 : vector<16xf32>
      %add3A_513 = arith.addf %add3A_512, %gather3A_474 : vector<16xf32>
      %add3A_514 = arith.addf %add3A_513, %gather3A_478 : vector<16xf32>
      %add3A_515 = arith.addf %add3A_514, %gather3A_482 : vector<16xf32>
      %add3A_516 = arith.addf %add3A_515, %gather3A_486 : vector<16xf32>
      %add3A_517 = arith.addf %add3A_516, %gather3A_490 : vector<16xf32>
      %add3A_518 = arith.addf %add3A_517, %gather3A_494 : vector<16xf32>
      %add3A_519 = arith.addf %add3A_518, %gather3A_498 : vector<16xf32>
      %add3A_520 = arith.addf %add3A_519, %gather3A_502 : vector<16xf32>
      %add3A_521 = arith.addf %add3A_520, %gather3A_506 : vector<16xf32>
      %div3A_522 = arith.constant 1.000000e+00 : f32
      %div3A_523 = vector.broadcast %div3A_522 : f32 to vector<16xf32>
      %div3A_524 = arith.divf %div3A_523, %add3A_521 : vector<16xf32>
      %mul3A_525 = arith.mulf %gather3A_446, %div3A_524 : vector<16xf32>
      %mul3A_526 = arith.mulf %min3A_29, %mul3A_525 : vector<16xf32>
      %mul3A_527 = arith.mulf %gather3A_450, %div3A_524 : vector<16xf32>
      %mul3A_528 = arith.mulf %min3A_44, %mul3A_527 : vector<16xf32>
      %gt3A_529 = arith.cmpf ogt, %mul3A_528, %mul3A_526 : vector<16xf32>
      %select_n3A_530 = arith.select %gt3A_529, %mul3A_528, %mul3A_526 : vector<16xi1>, vector<16xf32>
      %broadcast_in_dim3A_531 = arith.constant 1 : i32
      %broadcast_in_dim3A_532 = vector.broadcast %broadcast_in_dim3A_531 : i32 to vector<16xi32>
      %select_n3A_533 = arith.select %gt3A_529, %broadcast_in_dim3A_532, %get3A_7 : vector<16xi1>, vector<16xi32>
      %mul3A_534 = arith.mulf %gather3A_454, %div3A_524 : vector<16xf32>
      %mul3A_535 = arith.mulf %min3A_59, %mul3A_534 : vector<16xf32>
      %gt3A_536 = arith.cmpf ogt, %mul3A_535, %select_n3A_530 : vector<16xf32>
      %select_n3A_537 = arith.select %gt3A_536, %mul3A_535, %select_n3A_530 : vector<16xi1>, vector<16xf32>
      %broadcast_in_dim3A_538 = arith.constant 2 : i32
      %broadcast_in_dim3A_539 = vector.broadcast %broadcast_in_dim3A_538 : i32 to vector<16xi32>
      %select_n3A_540 = arith.select %gt3A_536, %broadcast_in_dim3A_539, %select_n3A_533 : vector<16xi1>, vector<16xi32>
      %mul3A_541 = arith.mulf %gather3A_458, %div3A_524 : vector<16xf32>
      %mul3A_542 = arith.mulf %min3A_74, %mul3A_541 : vector<16xf32>
      %gt3A_543 = arith.cmpf ogt, %mul3A_542, %select_n3A_537 : vector<16xf32>
      %select_n3A_544 = arith.select %gt3A_543, %mul3A_542, %select_n3A_537 : vector<16xi1>, vector<16xf32>
      %broadcast_in_dim3A_545 = arith.constant 3 : i32
      %broadcast_in_dim3A_546 = vector.broadcast %broadcast_in_dim3A_545 : i32 to vector<16xi32>
      %select_n3A_547 = arith.select %gt3A_543, %broadcast_in_dim3A_546, %select_n3A_540 : vector<16xi1>, vector<16xi32>
      %mul3A_548 = arith.mulf %gather3A_462, %div3A_524 : vector<16xf32>
      %mul3A_549 = arith.mulf %min3A_89, %mul3A_548 : vector<16xf32>
      %gt3A_550 = arith.cmpf ogt, %mul3A_549, %select_n3A_544 : vector<16xf32>
      %select_n3A_551 = arith.select %gt3A_550, %mul3A_549, %select_n3A_544 : vector<16xi1>, vector<16xf32>
      %broadcast_in_dim3A_552 = arith.constant 4 : i32
      %broadcast_in_dim3A_553 = vector.broadcast %broadcast_in_dim3A_552 : i32 to vector<16xi32>
      %select_n3A_554 = arith.select %gt3A_550, %broadcast_in_dim3A_553, %select_n3A_547 : vector<16xi1>, vector<16xi32>
      %mul3A_555 = arith.mulf %gather3A_466, %div3A_524 : vector<16xf32>
      %mul3A_556 = arith.mulf %min3A_104, %mul3A_555 : vector<16xf32>
      %gt3A_557 = arith.cmpf ogt, %mul3A_556, %select_n3A_551 : vector<16xf32>
      %select_n3A_558 = arith.select %gt3A_557, %mul3A_556, %select_n3A_551 : vector<16xi1>, vector<16xf32>
      %broadcast_in_dim3A_559 = arith.constant 5 : i32
      %broadcast_in_dim3A_560 = vector.broadcast %broadcast_in_dim3A_559 : i32 to vector<16xi32>
      %select_n3A_561 = arith.select %gt3A_557, %broadcast_in_dim3A_560, %select_n3A_554 : vector<16xi1>, vector<16xi32>
      %mul3A_562 = arith.mulf %gather3A_470, %div3A_524 : vector<16xf32>
      %mul3A_563 = arith.mulf %min3A_119, %mul3A_562 : vector<16xf32>
      %gt3A_564 = arith.cmpf ogt, %mul3A_563, %select_n3A_558 : vector<16xf32>
      %select_n3A_565 = arith.select %gt3A_564, %mul3A_563, %select_n3A_558 : vector<16xi1>, vector<16xf32>
      %broadcast_in_dim3A_566 = arith.constant 6 : i32
      %broadcast_in_dim3A_567 = vector.broadcast %broadcast_in_dim3A_566 : i32 to vector<16xi32>
      %select_n3A_568 = arith.select %gt3A_564, %broadcast_in_dim3A_567, %select_n3A_561 : vector<16xi1>, vector<16xi32>
      %mul3A_569 = arith.mulf %gather3A_474, %div3A_524 : vector<16xf32>
      %mul3A_570 = arith.mulf %min3A_134, %mul3A_569 : vector<16xf32>
      %gt3A_571 = arith.cmpf ogt, %mul3A_570, %select_n3A_565 : vector<16xf32>
      %select_n3A_572 = arith.select %gt3A_571, %mul3A_570, %select_n3A_565 : vector<16xi1>, vector<16xf32>
      %broadcast_in_dim3A_573 = arith.constant 7 : i32
      %broadcast_in_dim3A_574 = vector.broadcast %broadcast_in_dim3A_573 : i32 to vector<16xi32>
      %select_n3A_575 = arith.select %gt3A_571, %broadcast_in_dim3A_574, %select_n3A_568 : vector<16xi1>, vector<16xi32>
      %mul3A_576 = arith.mulf %gather3A_478, %div3A_524 : vector<16xf32>
      %mul3A_577 = arith.mulf %min3A_149, %mul3A_576 : vector<16xf32>
      %gt3A_578 = arith.cmpf ogt, %mul3A_577, %select_n3A_572 : vector<16xf32>
      %select_n3A_579 = arith.select %gt3A_578, %mul3A_577, %select_n3A_572 : vector<16xi1>, vector<16xf32>
      %broadcast_in_dim3A_580 = arith.constant 8 : i32
      %broadcast_in_dim3A_581 = vector.broadcast %broadcast_in_dim3A_580 : i32 to vector<16xi32>
      %select_n3A_582 = arith.select %gt3A_578, %broadcast_in_dim3A_581, %select_n3A_575 : vector<16xi1>, vector<16xi32>
      %mul3A_583 = arith.mulf %gather3A_482, %div3A_524 : vector<16xf32>
      %mul3A_584 = arith.mulf %min3A_164, %mul3A_583 : vector<16xf32>
      %gt3A_585 = arith.cmpf ogt, %mul3A_584, %select_n3A_579 : vector<16xf32>
      %select_n3A_586 = arith.select %gt3A_585, %mul3A_584, %select_n3A_579 : vector<16xi1>, vector<16xf32>
      %broadcast_in_dim3A_587 = arith.constant 9 : i32
      %broadcast_in_dim3A_588 = vector.broadcast %broadcast_in_dim3A_587 : i32 to vector<16xi32>
      %select_n3A_589 = arith.select %gt3A_585, %broadcast_in_dim3A_588, %select_n3A_582 : vector<16xi1>, vector<16xi32>
      %mul3A_590 = arith.mulf %gather3A_486, %div3A_524 : vector<16xf32>
      %mul3A_591 = arith.mulf %min3A_179, %mul3A_590 : vector<16xf32>
      %gt3A_592 = arith.cmpf ogt, %mul3A_591, %select_n3A_586 : vector<16xf32>
      %select_n3A_593 = arith.select %gt3A_592, %mul3A_591, %select_n3A_586 : vector<16xi1>, vector<16xf32>
      %broadcast_in_dim3A_594 = arith.constant 10 : i32
      %broadcast_in_dim3A_595 = vector.broadcast %broadcast_in_dim3A_594 : i32 to vector<16xi32>
      %select_n3A_596 = arith.select %gt3A_592, %broadcast_in_dim3A_595, %select_n3A_589 : vector<16xi1>, vector<16xi32>
      %mul3A_597 = arith.mulf %gather3A_490, %div3A_524 : vector<16xf32>
      %mul3A_598 = arith.mulf %min3A_194, %mul3A_597 : vector<16xf32>
      %gt3A_599 = arith.cmpf ogt, %mul3A_598, %select_n3A_593 : vector<16xf32>
      %select_n3A_600 = arith.select %gt3A_599, %mul3A_598, %select_n3A_593 : vector<16xi1>, vector<16xf32>
      %broadcast_in_dim3A_601 = arith.constant 11 : i32
      %broadcast_in_dim3A_602 = vector.broadcast %broadcast_in_dim3A_601 : i32 to vector<16xi32>
      %select_n3A_603 = arith.select %gt3A_599, %broadcast_in_dim3A_602, %select_n3A_596 : vector<16xi1>, vector<16xi32>
      %mul3A_604 = arith.mulf %gather3A_494, %div3A_524 : vector<16xf32>
      %mul3A_605 = arith.mulf %min3A_209, %mul3A_604 : vector<16xf32>
      %gt3A_606 = arith.cmpf ogt, %mul3A_605, %select_n3A_600 : vector<16xf32>
      %select_n3A_607 = arith.select %gt3A_606, %mul3A_605, %select_n3A_600 : vector<16xi1>, vector<16xf32>
      %broadcast_in_dim3A_608 = arith.constant 12 : i32
      %broadcast_in_dim3A_609 = vector.broadcast %broadcast_in_dim3A_608 : i32 to vector<16xi32>
      %select_n3A_610 = arith.select %gt3A_606, %broadcast_in_dim3A_609, %select_n3A_603 : vector<16xi1>, vector<16xi32>
      %mul3A_611 = arith.mulf %gather3A_498, %div3A_524 : vector<16xf32>
      %mul3A_612 = arith.mulf %min3A_224, %mul3A_611 : vector<16xf32>
      %gt3A_613 = arith.cmpf ogt, %mul3A_612, %select_n3A_607 : vector<16xf32>
      %select_n3A_614 = arith.select %gt3A_613, %mul3A_612, %select_n3A_607 : vector<16xi1>, vector<16xf32>
      %broadcast_in_dim3A_615 = arith.constant 13 : i32
      %broadcast_in_dim3A_616 = vector.broadcast %broadcast_in_dim3A_615 : i32 to vector<16xi32>
      %select_n3A_617 = arith.select %gt3A_613, %broadcast_in_dim3A_616, %select_n3A_610 : vector<16xi1>, vector<16xi32>
      %mul3A_618 = arith.mulf %gather3A_502, %div3A_524 : vector<16xf32>
      %mul3A_619 = arith.mulf %min3A_239, %mul3A_618 : vector<16xf32>
      %gt3A_620 = arith.cmpf ogt, %mul3A_619, %select_n3A_614 : vector<16xf32>
      %select_n3A_621 = arith.select %gt3A_620, %mul3A_619, %select_n3A_614 : vector<16xi1>, vector<16xf32>
      %broadcast_in_dim3A_622 = arith.constant 14 : i32
      %broadcast_in_dim3A_623 = vector.broadcast %broadcast_in_dim3A_622 : i32 to vector<16xi32>
      %select_n3A_624 = arith.select %gt3A_620, %broadcast_in_dim3A_623, %select_n3A_617 : vector<16xi1>, vector<16xi32>
      %mul3A_625 = arith.mulf %gather3A_506, %div3A_524 : vector<16xf32>
      %mul3A_626 = arith.mulf %min3A_254, %mul3A_625 : vector<16xf32>
      %gt3A_627 = arith.cmpf ogt, %mul3A_626, %select_n3A_621 : vector<16xf32>
      %select_n3A_628 = arith.select %gt3A_627, %mul3A_626, %select_n3A_621 : vector<16xi1>, vector<16xf32>
      %broadcast_in_dim3A_629 = arith.constant 15 : i32
      %broadcast_in_dim3A_630 = vector.broadcast %broadcast_in_dim3A_629 : i32 to vector<16xi32>
      %select_n3A_631 = arith.select %gt3A_627, %broadcast_in_dim3A_630, %select_n3A_624 : vector<16xi1>, vector<16xi32>
      %mul3A_632 = arith.constant 16 : i32
      %mul3A_633 = vector.broadcast %mul3A_632 : i32 to vector<16xi32>
      %mul3A_634 = arith.muli %mul3A_633, %select_n3A_439 : vector<16xi32>
      %add3A_635 = arith.constant 17 : i32
      %add3A_636 = vector.broadcast %add3A_635 : i32 to vector<16xi32>
      %add3A_637 = arith.addi %add3A_636, %mul3A_634 : vector<16xi32>
      %add3A_638 = arith.addi %add3A_637, %select_n3A_631 : vector<16xi32>
      %add3A_639 = arith.constant 0 : i32
      %add3A_640 = vector.broadcast %add3A_639 : i32 to vector<16xi32>
      %add3A_641 = arith.addi %add3A_640, %add3A_638 : vector<16xi32>
      %gather3A_642 = tpu.vector_load_idx %arg9[%add3A_641] : memref<4368xf32, #tpu.memory_space<vmem>>[vector<16xi32>], vector<16xf32>,
      %add3A_643 = arith.constant 273 : i32
      %add3A_644 = vector.broadcast %add3A_643 : i32 to vector<16xi32>
      %add3A_645 = arith.addi %add3A_644, %add3A_638 : vector<16xi32>
      %gather3A_646 = tpu.vector_load_idx %arg9[%add3A_645] : memref<4368xf32, #tpu.memory_space<vmem>>[vector<16xi32>], vector<16xf32>,
      %add3A_647 = arith.constant 546 : i32
      %add3A_648 = vector.broadcast %add3A_647 : i32 to vector<16xi32>
      %add3A_649 = arith.addi %add3A_648, %add3A_638 : vector<16xi32>
      %gather3A_650 = tpu.vector_load_idx %arg9[%add3A_649] : memref<4368xf32, #tpu.memory_space<vmem>>[vector<16xi32>], vector<16xf32>,
      %add3A_651 = arith.constant 819 : i32
      %add3A_652 = vector.broadcast %add3A_651 : i32 to vector<16xi32>
      %add3A_653 = arith.addi %add3A_652, %add3A_638 : vector<16xi32>
      %gather3A_654 = tpu.vector_load_idx %arg9[%add3A_653] : memref<4368xf32, #tpu.memory_space<vmem>>[vector<16xi32>], vector<16xf32>,
      %add3A_655 = arith.constant 1092 : i32
      %add3A_656 = vector.broadcast %add3A_655 : i32 to vector<16xi32>
      %add3A_657 = arith.addi %add3A_656, %add3A_638 : vector<16xi32>
      %gather3A_658 = tpu.vector_load_idx %arg9[%add3A_657] : memref<4368xf32, #tpu.memory_space<vmem>>[vector<16xi32>], vector<16xf32>,
      %add3A_659 = arith.constant 1365 : i32
      %add3A_660 = vector.broadcast %add3A_659 : i32 to vector<16xi32>
      %add3A_661 = arith.addi %add3A_660, %add3A_638 : vector<16xi32>
      %gather3A_662 = tpu.vector_load_idx %arg9[%add3A_661] : memref<4368xf32, #tpu.memory_space<vmem>>[vector<16xi32>], vector<16xf32>,
      %add3A_663 = arith.constant 1638 : i32
      %add3A_664 = vector.broadcast %add3A_663 : i32 to vector<16xi32>
      %add3A_665 = arith.addi %add3A_664, %add3A_638 : vector<16xi32>
      %gather3A_666 = tpu.vector_load_idx %arg9[%add3A_665] : memref<4368xf32, #tpu.memory_space<vmem>>[vector<16xi32>], vector<16xf32>,
      %add3A_667 = arith.constant 1911 : i32
      %add3A_668 = vector.broadcast %add3A_667 : i32 to vector<16xi32>
      %add3A_669 = arith.addi %add3A_668, %add3A_638 : vector<16xi32>
      %gather3A_670 = tpu.vector_load_idx %arg9[%add3A_669] : memref<4368xf32, #tpu.memory_space<vmem>>[vector<16xi32>], vector<16xf32>,
      %add3A_671 = arith.constant 2184 : i32
      %add3A_672 = vector.broadcast %add3A_671 : i32 to vector<16xi32>
      %add3A_673 = arith.addi %add3A_672, %add3A_638 : vector<16xi32>
      %gather3A_674 = tpu.vector_load_idx %arg9[%add3A_673] : memref<4368xf32, #tpu.memory_space<vmem>>[vector<16xi32>], vector<16xf32>,
      %add3A_675 = arith.constant 2457 : i32
      %add3A_676 = vector.broadcast %add3A_675 : i32 to vector<16xi32>
      %add3A_677 = arith.addi %add3A_676, %add3A_638 : vector<16xi32>
      %gather3A_678 = tpu.vector_load_idx %arg9[%add3A_677] : memref<4368xf32, #tpu.memory_space<vmem>>[vector<16xi32>], vector<16xf32>,
      %add3A_679 = arith.constant 2730 : i32
      %add3A_680 = vector.broadcast %add3A_679 : i32 to vector<16xi32>
      %add3A_681 = arith.addi %add3A_680, %add3A_638 : vector<16xi32>
      %gather3A_682 = tpu.vector_load_idx %arg9[%add3A_681] : memref<4368xf32, #tpu.memory_space<vmem>>[vector<16xi32>], vector<16xf32>,
      %add3A_683 = arith.constant 3003 : i32
      %add3A_684 = vector.broadcast %add3A_683 : i32 to vector<16xi32>
      %add3A_685 = arith.addi %add3A_684, %add3A_638 : vector<16xi32>
      %gather3A_686 = tpu.vector_load_idx %arg9[%add3A_685] : memref<4368xf32, #tpu.memory_space<vmem>>[vector<16xi32>], vector<16xf32>,
      %add3A_687 = arith.constant 3276 : i32
      %add3A_688 = vector.broadcast %add3A_687 : i32 to vector<16xi32>
      %add3A_689 = arith.addi %add3A_688, %add3A_638 : vector<16xi32>
      %gather3A_690 = tpu.vector_load_idx %arg9[%add3A_689] : memref<4368xf32, #tpu.memory_space<vmem>>[vector<16xi32>], vector<16xf32>,
      %add3A_691 = arith.constant 3549 : i32
      %add3A_692 = vector.broadcast %add3A_691 : i32 to vector<16xi32>
      %add3A_693 = arith.addi %add3A_692, %add3A_638 : vector<16xi32>
      %gather3A_694 = tpu.vector_load_idx %arg9[%add3A_693] : memref<4368xf32, #tpu.memory_space<vmem>>[vector<16xi32>], vector<16xf32>,
      %add3A_695 = arith.constant 3822 : i32
      %add3A_696 = vector.broadcast %add3A_695 : i32 to vector<16xi32>
      %add3A_697 = arith.addi %add3A_696, %add3A_638 : vector<16xi32>
      %gather3A_698 = tpu.vector_load_idx %arg9[%add3A_697] : memref<4368xf32, #tpu.memory_space<vmem>>[vector<16xi32>], vector<16xf32>,
      %add3A_699 = arith.constant 4095 : i32
      %add3A_700 = vector.broadcast %add3A_699 : i32 to vector<16xi32>
      %add3A_701 = arith.addi %add3A_700, %add3A_638 : vector<16xi32>
      %gather3A_702 = tpu.vector_load_idx %arg9[%add3A_701] : memref<4368xf32, #tpu.memory_space<vmem>>[vector<16xi32>], vector<16xf32>,
      %add3A_703 = arith.addf %gather3A_642, %gather3A_646 : vector<16xf32>
      %add3A_704 = arith.addf %add3A_703, %gather3A_650 : vector<16xf32>
      %add3A_705 = arith.addf %add3A_704, %gather3A_654 : vector<16xf32>
      %add3A_706 = arith.addf %add3A_705, %gather3A_658 : vector<16xf32>
      %add3A_707 = arith.addf %add3A_706, %gather3A_662 : vector<16xf32>
      %add3A_708 = arith.addf %add3A_707, %gather3A_666 : vector<16xf32>
      %add3A_709 = arith.addf %add3A_708, %gather3A_670 : vector<16xf32>
      %add3A_710 = arith.addf %add3A_709, %gather3A_674 : vector<16xf32>
      %add3A_711 = arith.addf %add3A_710, %gather3A_678 : vector<16xf32>
      %add3A_712 = arith.addf %add3A_711, %gather3A_682 : vector<16xf32>
      %add3A_713 = arith.addf %add3A_712, %gather3A_686 : vector<16xf32>
      %add3A_714 = arith.addf %add3A_713, %gather3A_690 : vector<16xf32>
      %add3A_715 = arith.addf %add3A_714, %gather3A_694 : vector<16xf32>
      %add3A_716 = arith.addf %add3A_715, %gather3A_698 : vector<16xf32>
      %add3A_717 = arith.addf %add3A_716, %gather3A_702 : vector<16xf32>
      %div3A_718 = arith.constant 1.000000e+00 : f32
      %div3A_719 = vector.broadcast %div3A_718 : f32 to vector<16xf32>
      %div3A_720 = arith.divf %div3A_719, %add3A_717 : vector<16xf32>
      %mul3A_721 = arith.mulf %gather3A_642, %div3A_720 : vector<16xf32>
      %mul3A_722 = arith.mulf %min3A_29, %mul3A_721 : vector<16xf32>
      %mul3A_723 = arith.constant 16 : i32
      %mul3A_724 = vector.broadcast %mul3A_723 : i32 to vector<16xi32>
      %mul3A_725 = arith.muli %iota3A, %mul3A_724 : vector<16xi32>
      %add3A_726 = vector.broadcast %mul3A_17 : i32 to vector<16xi32>
      %add3A_727 = arith.addi %add3A_726, %mul3A_725 : vector<16xi32>
      tpu.vector_store_idx %arg12[%add3A_727], %mul3A_722 : memref<1024xf32, #tpu.memory_space<vmem>>[vector<16xi32>], vector<16xf32>,
      %mul3A_728 = arith.mulf %gather3A_646, %div3A_720 : vector<16xf32>
      %mul3A_729 = arith.mulf %min3A_44, %mul3A_728 : vector<16xf32>
      %gt3A_730 = arith.cmpf ogt, %mul3A_729, %mul3A_722 : vector<16xf32>
      %select_n3A_731 = arith.select %gt3A_730, %mul3A_729, %mul3A_722 : vector<16xi1>, vector<16xf32>
      %broadcast_in_dim3A_732 = arith.constant 1 : i32
      %broadcast_in_dim3A_733 = vector.broadcast %broadcast_in_dim3A_732 : i32 to vector<16xi32>
      %select_n3A_734 = arith.select %gt3A_730, %broadcast_in_dim3A_733, %get3A_7 : vector<16xi1>, vector<16xi32>
      %mul3A_735 = arith.constant 16 : i32
      %mul3A_736 = vector.broadcast %mul3A_735 : i32 to vector<16xi32>
      %mul3A_737 = arith.muli %iota3A, %mul3A_736 : vector<16xi32>
      %add3A_738 = vector.broadcast %mul3A_17 : i32 to vector<16xi32>
      %add3A_739 = arith.addi %add3A_738, %mul3A_737 : vector<16xi32>
      %add3A_740 = arith.constant 1 : i32
      %add3A_741 = vector.broadcast %add3A_740 : i32 to vector<16xi32>
      %add3A_742 = arith.addi %add3A_739, %add3A_741 : vector<16xi32>
      tpu.vector_store_idx %arg12[%add3A_742], %mul3A_729 : memref<1024xf32, #tpu.memory_space<vmem>>[vector<16xi32>], vector<16xf32>,
      %mul3A_743 = arith.mulf %gather3A_650, %div3A_720 : vector<16xf32>
      %mul3A_744 = arith.mulf %min3A_59, %mul3A_743 : vector<16xf32>
      %gt3A_745 = arith.cmpf ogt, %mul3A_744, %select_n3A_731 : vector<16xf32>
      %select_n3A_746 = arith.select %gt3A_745, %mul3A_744, %select_n3A_731 : vector<16xi1>, vector<16xf32>
      %broadcast_in_dim3A_747 = arith.constant 2 : i32
      %broadcast_in_dim3A_748 = vector.broadcast %broadcast_in_dim3A_747 : i32 to vector<16xi32>
      %select_n3A_749 = arith.select %gt3A_745, %broadcast_in_dim3A_748, %select_n3A_734 : vector<16xi1>, vector<16xi32>
      %mul3A_750 = arith.constant 16 : i32
      %mul3A_751 = vector.broadcast %mul3A_750 : i32 to vector<16xi32>
      %mul3A_752 = arith.muli %iota3A, %mul3A_751 : vector<16xi32>
      %add3A_753 = vector.broadcast %mul3A_17 : i32 to vector<16xi32>
      %add3A_754 = arith.addi %add3A_753, %mul3A_752 : vector<16xi32>
      %add3A_755 = arith.constant 2 : i32
      %add3A_756 = vector.broadcast %add3A_755 : i32 to vector<16xi32>
      %add3A_757 = arith.addi %add3A_754, %add3A_756 : vector<16xi32>
      tpu.vector_store_idx %arg12[%add3A_757], %mul3A_744 : memref<1024xf32, #tpu.memory_space<vmem>>[vector<16xi32>], vector<16xf32>,
      %mul3A_758 = arith.mulf %gather3A_654, %div3A_720 : vector<16xf32>
      %mul3A_759 = arith.mulf %min3A_74, %mul3A_758 : vector<16xf32>
      %gt3A_760 = arith.cmpf ogt, %mul3A_759, %select_n3A_746 : vector<16xf32>
      %select_n3A_761 = arith.select %gt3A_760, %mul3A_759, %select_n3A_746 : vector<16xi1>, vector<16xf32>
      %broadcast_in_dim3A_762 = arith.constant 3 : i32
      %broadcast_in_dim3A_763 = vector.broadcast %broadcast_in_dim3A_762 : i32 to vector<16xi32>
      %select_n3A_764 = arith.select %gt3A_760, %broadcast_in_dim3A_763, %select_n3A_749 : vector<16xi1>, vector<16xi32>
      %mul3A_765 = arith.constant 16 : i32
      %mul3A_766 = vector.broadcast %mul3A_765 : i32 to vector<16xi32>
      %mul3A_767 = arith.muli %iota3A, %mul3A_766 : vector<16xi32>
      %add3A_768 = vector.broadcast %mul3A_17 : i32 to vector<16xi32>
      %add3A_769 = arith.addi %add3A_768, %mul3A_767 : vector<16xi32>
      %add3A_770 = arith.constant 3 : i32
      %add3A_771 = vector.broadcast %add3A_770 : i32 to vector<16xi32>
      %add3A_772 = arith.addi %add3A_769, %add3A_771 : vector<16xi32>
      tpu.vector_store_idx %arg12[%add3A_772], %mul3A_759 : memref<1024xf32, #tpu.memory_space<vmem>>[vector<16xi32>], vector<16xf32>,
      %mul3A_773 = arith.mulf %gather3A_658, %div3A_720 : vector<16xf32>
      %mul3A_774 = arith.mulf %min3A_89, %mul3A_773 : vector<16xf32>
      %gt3A_775 = arith.cmpf ogt, %mul3A_774, %select_n3A_761 : vector<16xf32>
      %select_n3A_776 = arith.select %gt3A_775, %mul3A_774, %select_n3A_761 : vector<16xi1>, vector<16xf32>
      %broadcast_in_dim3A_777 = arith.constant 4 : i32
      %broadcast_in_dim3A_778 = vector.broadcast %broadcast_in_dim3A_777 : i32 to vector<16xi32>
      %select_n3A_779 = arith.select %gt3A_775, %broadcast_in_dim3A_778, %select_n3A_764 : vector<16xi1>, vector<16xi32>
      %mul3A_780 = arith.constant 16 : i32
      %mul3A_781 = vector.broadcast %mul3A_780 : i32 to vector<16xi32>
      %mul3A_782 = arith.muli %iota3A, %mul3A_781 : vector<16xi32>
      %add3A_783 = vector.broadcast %mul3A_17 : i32 to vector<16xi32>
      %add3A_784 = arith.addi %add3A_783, %mul3A_782 : vector<16xi32>
      %add3A_785 = arith.constant 4 : i32
      %add3A_786 = vector.broadcast %add3A_785 : i32 to vector<16xi32>
      %add3A_787 = arith.addi %add3A_784, %add3A_786 : vector<16xi32>
      tpu.vector_store_idx %arg12[%add3A_787], %mul3A_774 : memref<1024xf32, #tpu.memory_space<vmem>>[vector<16xi32>], vector<16xf32>,
      %mul3A_788 = arith.mulf %gather3A_662, %div3A_720 : vector<16xf32>
      %mul3A_789 = arith.mulf %min3A_104, %mul3A_788 : vector<16xf32>
      %gt3A_790 = arith.cmpf ogt, %mul3A_789, %select_n3A_776 : vector<16xf32>
      %select_n3A_791 = arith.select %gt3A_790, %mul3A_789, %select_n3A_776 : vector<16xi1>, vector<16xf32>
      %broadcast_in_dim3A_792 = arith.constant 5 : i32
      %broadcast_in_dim3A_793 = vector.broadcast %broadcast_in_dim3A_792 : i32 to vector<16xi32>
      %select_n3A_794 = arith.select %gt3A_790, %broadcast_in_dim3A_793, %select_n3A_779 : vector<16xi1>, vector<16xi32>
      %mul3A_795 = arith.constant 16 : i32
      %mul3A_796 = vector.broadcast %mul3A_795 : i32 to vector<16xi32>
      %mul3A_797 = arith.muli %iota3A, %mul3A_796 : vector<16xi32>
      %add3A_798 = vector.broadcast %mul3A_17 : i32 to vector<16xi32>
      %add3A_799 = arith.addi %add3A_798, %mul3A_797 : vector<16xi32>
      %add3A_800 = arith.constant 5 : i32
      %add3A_801 = vector.broadcast %add3A_800 : i32 to vector<16xi32>
      %add3A_802 = arith.addi %add3A_799, %add3A_801 : vector<16xi32>
      tpu.vector_store_idx %arg12[%add3A_802], %mul3A_789 : memref<1024xf32, #tpu.memory_space<vmem>>[vector<16xi32>], vector<16xf32>,
      %mul3A_803 = arith.mulf %gather3A_666, %div3A_720 : vector<16xf32>
      %mul3A_804 = arith.mulf %min3A_119, %mul3A_803 : vector<16xf32>
      %gt3A_805 = arith.cmpf ogt, %mul3A_804, %select_n3A_791 : vector<16xf32>
      %select_n3A_806 = arith.select %gt3A_805, %mul3A_804, %select_n3A_791 : vector<16xi1>, vector<16xf32>
      %broadcast_in_dim3A_807 = arith.constant 6 : i32
      %broadcast_in_dim3A_808 = vector.broadcast %broadcast_in_dim3A_807 : i32 to vector<16xi32>
      %select_n3A_809 = arith.select %gt3A_805, %broadcast_in_dim3A_808, %select_n3A_794 : vector<16xi1>, vector<16xi32>
      %mul3A_810 = arith.constant 16 : i32
      %mul3A_811 = vector.broadcast %mul3A_810 : i32 to vector<16xi32>
      %mul3A_812 = arith.muli %iota3A, %mul3A_811 : vector<16xi32>
      %add3A_813 = vector.broadcast %mul3A_17 : i32 to vector<16xi32>
      %add3A_814 = arith.addi %add3A_813, %mul3A_812 : vector<16xi32>
      %add3A_815 = arith.constant 6 : i32
      %add3A_816 = vector.broadcast %add3A_815 : i32 to vector<16xi32>
      %add3A_817 = arith.addi %add3A_814, %add3A_816 : vector<16xi32>
      tpu.vector_store_idx %arg12[%add3A_817], %mul3A_804 : memref<1024xf32, #tpu.memory_space<vmem>>[vector<16xi32>], vector<16xf32>,
      %mul3A_818 = arith.mulf %gather3A_670, %div3A_720 : vector<16xf32>
      %mul3A_819 = arith.mulf %min3A_134, %mul3A_818 : vector<16xf32>
      %gt3A_820 = arith.cmpf ogt, %mul3A_819, %select_n3A_806 : vector<16xf32>
      %select_n3A_821 = arith.select %gt3A_820, %mul3A_819, %select_n3A_806 : vector<16xi1>, vector<16xf32>
      %broadcast_in_dim3A_822 = arith.constant 7 : i32
      %broadcast_in_dim3A_823 = vector.broadcast %broadcast_in_dim3A_822 : i32 to vector<16xi32>
      %select_n3A_824 = arith.select %gt3A_820, %broadcast_in_dim3A_823, %select_n3A_809 : vector<16xi1>, vector<16xi32>
      %mul3A_825 = arith.constant 16 : i32
      %mul3A_826 = vector.broadcast %mul3A_825 : i32 to vector<16xi32>
      %mul3A_827 = arith.muli %iota3A, %mul3A_826 : vector<16xi32>
      %add3A_828 = vector.broadcast %mul3A_17 : i32 to vector<16xi32>
      %add3A_829 = arith.addi %add3A_828, %mul3A_827 : vector<16xi32>
      %add3A_830 = arith.constant 7 : i32
      %add3A_831 = vector.broadcast %add3A_830 : i32 to vector<16xi32>
      %add3A_832 = arith.addi %add3A_829, %add3A_831 : vector<16xi32>
      tpu.vector_store_idx %arg12[%add3A_832], %mul3A_819 : memref<1024xf32, #tpu.memory_space<vmem>>[vector<16xi32>], vector<16xf32>,
      %mul3A_833 = arith.mulf %gather3A_674, %div3A_720 : vector<16xf32>
      %mul3A_834 = arith.mulf %min3A_149, %mul3A_833 : vector<16xf32>
      %gt3A_835 = arith.cmpf ogt, %mul3A_834, %select_n3A_821 : vector<16xf32>
      %select_n3A_836 = arith.select %gt3A_835, %mul3A_834, %select_n3A_821 : vector<16xi1>, vector<16xf32>
      %broadcast_in_dim3A_837 = arith.constant 8 : i32
      %broadcast_in_dim3A_838 = vector.broadcast %broadcast_in_dim3A_837 : i32 to vector<16xi32>
      %select_n3A_839 = arith.select %gt3A_835, %broadcast_in_dim3A_838, %select_n3A_824 : vector<16xi1>, vector<16xi32>
      %mul3A_840 = arith.constant 16 : i32
      %mul3A_841 = vector.broadcast %mul3A_840 : i32 to vector<16xi32>
      %mul3A_842 = arith.muli %iota3A, %mul3A_841 : vector<16xi32>
      %add3A_843 = vector.broadcast %mul3A_17 : i32 to vector<16xi32>
      %add3A_844 = arith.addi %add3A_843, %mul3A_842 : vector<16xi32>
      %add3A_845 = arith.constant 8 : i32
      %add3A_846 = vector.broadcast %add3A_845 : i32 to vector<16xi32>
      %add3A_847 = arith.addi %add3A_844, %add3A_846 : vector<16xi32>
      tpu.vector_store_idx %arg12[%add3A_847], %mul3A_834 : memref<1024xf32, #tpu.memory_space<vmem>>[vector<16xi32>], vector<16xf32>,
      %mul3A_848 = arith.mulf %gather3A_678, %div3A_720 : vector<16xf32>
      %mul3A_849 = arith.mulf %min3A_164, %mul3A_848 : vector<16xf32>
      %gt3A_850 = arith.cmpf ogt, %mul3A_849, %select_n3A_836 : vector<16xf32>
      %select_n3A_851 = arith.select %gt3A_850, %mul3A_849, %select_n3A_836 : vector<16xi1>, vector<16xf32>
      %broadcast_in_dim3A_852 = arith.constant 9 : i32
      %broadcast_in_dim3A_853 = vector.broadcast %broadcast_in_dim3A_852 : i32 to vector<16xi32>
      %select_n3A_854 = arith.select %gt3A_850, %broadcast_in_dim3A_853, %select_n3A_839 : vector<16xi1>, vector<16xi32>
      %mul3A_855 = arith.constant 16 : i32
      %mul3A_856 = vector.broadcast %mul3A_855 : i32 to vector<16xi32>
      %mul3A_857 = arith.muli %iota3A, %mul3A_856 : vector<16xi32>
      %add3A_858 = vector.broadcast %mul3A_17 : i32 to vector<16xi32>
      %add3A_859 = arith.addi %add3A_858, %mul3A_857 : vector<16xi32>
      %add3A_860 = arith.constant 9 : i32
      %add3A_861 = vector.broadcast %add3A_860 : i32 to vector<16xi32>
      %add3A_862 = arith.addi %add3A_859, %add3A_861 : vector<16xi32>
      tpu.vector_store_idx %arg12[%add3A_862], %mul3A_849 : memref<1024xf32, #tpu.memory_space<vmem>>[vector<16xi32>], vector<16xf32>,
      %mul3A_863 = arith.mulf %gather3A_682, %div3A_720 : vector<16xf32>
      %mul3A_864 = arith.mulf %min3A_179, %mul3A_863 : vector<16xf32>
      %gt3A_865 = arith.cmpf ogt, %mul3A_864, %select_n3A_851 : vector<16xf32>
      %select_n3A_866 = arith.select %gt3A_865, %mul3A_864, %select_n3A_851 : vector<16xi1>, vector<16xf32>
      %broadcast_in_dim3A_867 = arith.constant 10 : i32
      %broadcast_in_dim3A_868 = vector.broadcast %broadcast_in_dim3A_867 : i32 to vector<16xi32>
      %select_n3A_869 = arith.select %gt3A_865, %broadcast_in_dim3A_868, %select_n3A_854 : vector<16xi1>, vector<16xi32>
      %mul3A_870 = arith.constant 16 : i32
      %mul3A_871 = vector.broadcast %mul3A_870 : i32 to vector<16xi32>
      %mul3A_872 = arith.muli %iota3A, %mul3A_871 : vector<16xi32>
      %add3A_873 = vector.broadcast %mul3A_17 : i32 to vector<16xi32>
      %add3A_874 = arith.addi %add3A_873, %mul3A_872 : vector<16xi32>
      %add3A_875 = arith.constant 10 : i32
      %add3A_876 = vector.broadcast %add3A_875 : i32 to vector<16xi32>
      %add3A_877 = arith.addi %add3A_874, %add3A_876 : vector<16xi32>
      tpu.vector_store_idx %arg12[%add3A_877], %mul3A_864 : memref<1024xf32, #tpu.memory_space<vmem>>[vector<16xi32>], vector<16xf32>,
      %mul3A_878 = arith.mulf %gather3A_686, %div3A_720 : vector<16xf32>
      %mul3A_879 = arith.mulf %min3A_194, %mul3A_878 : vector<16xf32>
      %gt3A_880 = arith.cmpf ogt, %mul3A_879, %select_n3A_866 : vector<16xf32>
      %select_n3A_881 = arith.select %gt3A_880, %mul3A_879, %select_n3A_866 : vector<16xi1>, vector<16xf32>
      %broadcast_in_dim3A_882 = arith.constant 11 : i32
      %broadcast_in_dim3A_883 = vector.broadcast %broadcast_in_dim3A_882 : i32 to vector<16xi32>
      %select_n3A_884 = arith.select %gt3A_880, %broadcast_in_dim3A_883, %select_n3A_869 : vector<16xi1>, vector<16xi32>
      %mul3A_885 = arith.constant 16 : i32
      %mul3A_886 = vector.broadcast %mul3A_885 : i32 to vector<16xi32>
      %mul3A_887 = arith.muli %iota3A, %mul3A_886 : vector<16xi32>
      %add3A_888 = vector.broadcast %mul3A_17 : i32 to vector<16xi32>
      %add3A_889 = arith.addi %add3A_888, %mul3A_887 : vector<16xi32>
      %add3A_890 = arith.constant 11 : i32
      %add3A_891 = vector.broadcast %add3A_890 : i32 to vector<16xi32>
      %add3A_892 = arith.addi %add3A_889, %add3A_891 : vector<16xi32>
      tpu.vector_store_idx %arg12[%add3A_892], %mul3A_879 : memref<1024xf32, #tpu.memory_space<vmem>>[vector<16xi32>], vector<16xf32>,
      %mul3A_893 = arith.mulf %gather3A_690, %div3A_720 : vector<16xf32>
      %mul3A_894 = arith.mulf %min3A_209, %mul3A_893 : vector<16xf32>
      %gt3A_895 = arith.cmpf ogt, %mul3A_894, %select_n3A_881 : vector<16xf32>
      %select_n3A_896 = arith.select %gt3A_895, %mul3A_894, %select_n3A_881 : vector<16xi1>, vector<16xf32>
      %broadcast_in_dim3A_897 = arith.constant 12 : i32
      %broadcast_in_dim3A_898 = vector.broadcast %broadcast_in_dim3A_897 : i32 to vector<16xi32>
      %select_n3A_899 = arith.select %gt3A_895, %broadcast_in_dim3A_898, %select_n3A_884 : vector<16xi1>, vector<16xi32>
      %mul3A_900 = arith.constant 16 : i32
      %mul3A_901 = vector.broadcast %mul3A_900 : i32 to vector<16xi32>
      %mul3A_902 = arith.muli %iota3A, %mul3A_901 : vector<16xi32>
      %add3A_903 = vector.broadcast %mul3A_17 : i32 to vector<16xi32>
      %add3A_904 = arith.addi %add3A_903, %mul3A_902 : vector<16xi32>
      %add3A_905 = arith.constant 12 : i32
      %add3A_906 = vector.broadcast %add3A_905 : i32 to vector<16xi32>
      %add3A_907 = arith.addi %add3A_904, %add3A_906 : vector<16xi32>
      tpu.vector_store_idx %arg12[%add3A_907], %mul3A_894 : memref<1024xf32, #tpu.memory_space<vmem>>[vector<16xi32>], vector<16xf32>,
      %mul3A_908 = arith.mulf %gather3A_694, %div3A_720 : vector<16xf32>
      %mul3A_909 = arith.mulf %min3A_224, %mul3A_908 : vector<16xf32>
      %gt3A_910 = arith.cmpf ogt, %mul3A_909, %select_n3A_896 : vector<16xf32>
      %select_n3A_911 = arith.select %gt3A_910, %mul3A_909, %select_n3A_896 : vector<16xi1>, vector<16xf32>
      %broadcast_in_dim3A_912 = arith.constant 13 : i32
      %broadcast_in_dim3A_913 = vector.broadcast %broadcast_in_dim3A_912 : i32 to vector<16xi32>
      %select_n3A_914 = arith.select %gt3A_910, %broadcast_in_dim3A_913, %select_n3A_899 : vector<16xi1>, vector<16xi32>
      %mul3A_915 = arith.constant 16 : i32
      %mul3A_916 = vector.broadcast %mul3A_915 : i32 to vector<16xi32>
      %mul3A_917 = arith.muli %iota3A, %mul3A_916 : vector<16xi32>
      %add3A_918 = vector.broadcast %mul3A_17 : i32 to vector<16xi32>
      %add3A_919 = arith.addi %add3A_918, %mul3A_917 : vector<16xi32>
      %add3A_920 = arith.constant 13 : i32
      %add3A_921 = vector.broadcast %add3A_920 : i32 to vector<16xi32>
      %add3A_922 = arith.addi %add3A_919, %add3A_921 : vector<16xi32>
      tpu.vector_store_idx %arg12[%add3A_922], %mul3A_909 : memref<1024xf32, #tpu.memory_space<vmem>>[vector<16xi32>], vector<16xf32>,
      %mul3A_923 = arith.mulf %gather3A_698, %div3A_720 : vector<16xf32>
      %mul3A_924 = arith.mulf %min3A_239, %mul3A_923 : vector<16xf32>
      %gt3A_925 = arith.cmpf ogt, %mul3A_924, %select_n3A_911 : vector<16xf32>
      %select_n3A_926 = arith.select %gt3A_925, %mul3A_924, %select_n3A_911 : vector<16xi1>, vector<16xf32>
      %broadcast_in_dim3A_927 = arith.constant 14 : i32
      %broadcast_in_dim3A_928 = vector.broadcast %broadcast_in_dim3A_927 : i32 to vector<16xi32>
      %select_n3A_929 = arith.select %gt3A_925, %broadcast_in_dim3A_928, %select_n3A_914 : vector<16xi1>, vector<16xi32>
      %mul3A_930 = arith.constant 16 : i32
      %mul3A_931 = vector.broadcast %mul3A_930 : i32 to vector<16xi32>
      %mul3A_932 = arith.muli %iota3A, %mul3A_931 : vector<16xi32>
      %add3A_933 = vector.broadcast %mul3A_17 : i32 to vector<16xi32>
      %add3A_934 = arith.addi %add3A_933, %mul3A_932 : vector<16xi32>
      %add3A_935 = arith.constant 14 : i32
      %add3A_936 = vector.broadcast %add3A_935 : i32 to vector<16xi32>
      %add3A_937 = arith.addi %add3A_934, %add3A_936 : vector<16xi32>
      tpu.vector_store_idx %arg12[%add3A_937], %mul3A_924 : memref<1024xf32, #tpu.memory_space<vmem>>[vector<16xi32>], vector<16xf32>,
      %mul3A_938 = arith.mulf %gather3A_702, %div3A_720 : vector<16xf32>
      %mul3A_939 = arith.mulf %min3A_254, %mul3A_938 : vector<16xf32>
      %gt3A_940 = arith.cmpf ogt, %mul3A_939, %select_n3A_926 : vector<16xf32>
      %select_n3A_941 = arith.select %gt3A_940, %mul3A_939, %select_n3A_926 : vector<16xi1>, vector<16xf32>
      %broadcast_in_dim3A_942 = arith.constant 15 : i32
      %broadcast_in_dim3A_943 = vector.broadcast %broadcast_in_dim3A_942 : i32 to vector<16xi32>
      %select_n3A_944 = arith.select %gt3A_940, %broadcast_in_dim3A_943, %select_n3A_929 : vector<16xi1>, vector<16xi32>
      %mul3A_945 = arith.constant 16 : i32
      %mul3A_946 = vector.broadcast %mul3A_945 : i32 to vector<16xi32>
      %mul3A_947 = arith.muli %iota3A, %mul3A_946 : vector<16xi32>
      %add3A_948 = vector.broadcast %mul3A_17 : i32 to vector<16xi32>
      %add3A_949 = arith.addi %add3A_948, %mul3A_947 : vector<16xi32>
      %add3A_950 = arith.constant 15 : i32
      %add3A_951 = vector.broadcast %add3A_950 : i32 to vector<16xi32>
      %add3A_952 = arith.addi %add3A_949, %add3A_951 : vector<16xi32>
      tpu.vector_store_idx %arg12[%add3A_952], %mul3A_939 : memref<1024xf32, #tpu.memory_space<vmem>>[vector<16xi32>], vector<16xf32>,
      %mul3A_953 = arith.constant 256 : i32
      %mul3A_954 = vector.broadcast %mul3A_953 : i32 to vector<16xi32>
      %mul3A_955 = arith.muli %select_n3A_439, %mul3A_954 : vector<16xi32>
      %mul3A_956 = arith.constant 16 : i32
      %mul3A_957 = vector.broadcast %mul3A_956 : i32 to vector<16xi32>
      %mul3A_958 = arith.muli %select_n3A_631, %mul3A_957 : vector<16xi32>
      %add3A_959 = arith.addi %mul3A_955, %mul3A_958 : vector<16xi32>
      %add3A_960 = arith.addi %add3A_959, %select_n3A_944 : vector<16xi32>
      %gather3A_961 = tpu.vector_load_idx %arg10[%add3A_960] : memref<4096xi32, #tpu.memory_space<vmem>>[vector<16xi32>], vector<16xi32>,
      %mul3A_962 = arith.constant 16 : i32
      %mul3A_963 = arith.muli %scan3A_15, %mul3A_962 : i32
      %add3A_964 = vector.broadcast %mul3A_963 : i32 to vector<16xi32>
      %add3A_965 = arith.addi %add3A_964, %iota3A : vector<16xi32>
      tpu.vector_store_idx %arg13[%add3A_965], %gather3A_961 : memref<64xi32, #tpu.memory_space<vmem>>[vector<16xi32>], vector<16xi32>,
    }
    %scan3A_12 = arith.constant 4 : i32
    %mul3A_13 = arith.constant 16 : i32
    %mul3A_14 = arith.muli %mul3A_2, %mul3A_13 : i32
    "tpu.region"() ({
      %run_scoped3A = tpu.sem_alloc : memref<!tpu.dma_semaphore, #tpu.memory_space<semaphore_mem>>
      %dma_start3A_15 = tpu.memref_slice %arg6[%mul3A_14] : memref<32768xf32, #tpu.memory_space<hbm>> -> memref<1024xf32, #tpu.memory_space<hbm>>
      %dma_start3A_16 = tpu.memref_slice %arg6[%mul3A_14] : memref<32768xf32, #tpu.memory_space<hbm>> -> memref<1024xf32, #tpu.memory_space<hbm>>
      tpu.enqueue_dma source(%arg12 : memref<1024xf32, #tpu.memory_space<vmem>>) target(%dma_start3A_16 : memref<1024xf32, #tpu.memory_space<hbm>>) target_semaphore(%run_scoped3A : memref<!tpu.dma_semaphore, #tpu.memory_space<semaphore_mem>>)
      %dma_wait3A_17 = tpu.memref_slice %arg6[%mul3A_14] : memref<32768xf32, #tpu.memory_space<hbm>> -> memref<1024xf32, #tpu.memory_space<hbm>>
      %dma_wait3A_18 = tpu.memref_slice %arg6[%mul3A_14] : memref<32768xf32, #tpu.memory_space<hbm>> -> memref<1024xf32, #tpu.memory_space<hbm>>
      tpu.wait_dma2 semaphore(%run_scoped3A : memref<!tpu.dma_semaphore, #tpu.memory_space<semaphore_mem>>) src(%arg12 : memref<1024xf32, #tpu.memory_space<vmem>>) dst(%dma_wait3A_18 : memref<1024xf32, #tpu.memory_space<hbm>>)
      tpu.yield
    }) : () -> ()
    "tpu.region"() ({
      %run_scoped3A = tpu.sem_alloc : memref<!tpu.dma_semaphore, #tpu.memory_space<semaphore_mem>>
      %dma_start3A_15 = tpu.memref_slice %arg7[%mul3A_2] : memref<2048xi32, #tpu.memory_space<hbm>> -> memref<64xi32, #tpu.memory_space<hbm>>
      %dma_start3A_16 = tpu.memref_slice %arg7[%mul3A_2] : memref<2048xi32, #tpu.memory_space<hbm>> -> memref<64xi32, #tpu.memory_space<hbm>>
      tpu.enqueue_dma source(%arg13 : memref<64xi32, #tpu.memory_space<vmem>>) target(%dma_start3A_16 : memref<64xi32, #tpu.memory_space<hbm>>) target_semaphore(%run_scoped3A : memref<!tpu.dma_semaphore, #tpu.memory_space<semaphore_mem>>)
      %dma_wait3A_17 = tpu.memref_slice %arg7[%mul3A_2] : memref<2048xi32, #tpu.memory_space<hbm>> -> memref<64xi32, #tpu.memory_space<hbm>>
      %dma_wait3A_18 = tpu.memref_slice %arg7[%mul3A_2] : memref<2048xi32, #tpu.memory_space<hbm>> -> memref<64xi32, #tpu.memory_space<hbm>>
      tpu.wait_dma2 semaphore(%run_scoped3A : memref<!tpu.dma_semaphore, #tpu.memory_space<semaphore_mem>>) src(%arg13 : memref<64xi32, #tpu.memory_space<vmem>>) dst(%dma_wait3A_18 : memref<64xi32, #tpu.memory_space<hbm>>)
      tpu.yield
    }) : () -> ()
    return
  }
}

module attributes {stable_mosaic.version = 14 : i64} {
  func.func @_mm_body(%arg0: i32, %arg1: memref<512x2048xf32, #tpu.memory_space<vmem>>, %arg2: memref<2048x16xf32, #tpu.memory_space<vmem>>, %arg3: memref<1x16xf32, #tpu.memory_space<vmem>>, %arg4: memref<512x16xf32, #tpu.memory_space<vmem>>) attributes {dimension_semantics = [#tpu.dimension_semantics<arbitrary>], iteration_bounds = array<i64: 4>, scalar_prefetch = 0 : i64, scratch_operands = 0 : i64, tpu.core_type = #tpu.core_type<tc>, window_params = [{transform_indices = @transform_0, window_bounds = array<i64: 512, 2048>}, {pipeline_mode = #tpu.pipeline_mode<synchronous>, transform_indices = @transform_1, window_bounds = array<i64: 2048, 16>}, {pipeline_mode = #tpu.pipeline_mode<synchronous>, transform_indices = @transform_2, window_bounds = array<i64: 1, 16>}, {transform_indices = @transform_3, window_bounds = array<i64: 512, 16>}]} {
    %get3A = arith.constant 0 : index
    %get3A_0 = arith.constant 0 : index
    %get3A_1 = vector.load %arg1[%get3A, %get3A_0] : memref<512x2048xf32, #tpu.memory_space<vmem>>, vector<512x2048xf32>
    %get3A_2 = arith.constant 0 : index
    %get3A_3 = arith.constant 0 : index
    %get3A_4 = vector.load %arg2[%get3A_2, %get3A_3] : memref<2048x16xf32, #tpu.memory_space<vmem>>, vector<2048x16xf32>
    %dot_general3A = arith.constant dense<0.000000e+00> : vector<512x16xf32>
    %dot_general3A_5 = tpu.matmul %get3A_1, %get3A_4, %dot_general3A {dimension_numbers = #tpu.dot_dimension_numbers<[1], [0], [0], [1], [0, 0, 1, 1], [], []>, transpose_lhs_hint = false} : vector<512x2048xf32>, vector<2048x16xf32>, vector<512x16xf32> -> vector<512x16xf32>
    %get3A_6 = arith.constant 0 : index
    %get3A_7 = arith.constant 0 : index
    %get3A_8 = vector.load %arg3[%get3A_6, %get3A_7] : memref<1x16xf32, #tpu.memory_space<vmem>>, vector<1x16xf32>
    %add3A = vector.broadcast %get3A_8 : vector<1x16xf32> to vector<512x16xf32>
    %add3A_9 = arith.addf %dot_general3A_5, %add3A : vector<512x16xf32>
    %max3A = arith.constant 0.000000e+00 : f32
    %max3A_10 = vector.broadcast %max3A : f32 to vector<512x16xf32>
    %max3A_11 = arith.maximumf %add3A_9, %max3A_10 : vector<512x16xf32>
    %swap3A = arith.constant 0 : index
    %swap3A_12 = arith.constant 0 : index
    %swap3A_13 = vector.load %arg4[%swap3A, %swap3A_12] : memref<512x16xf32, #tpu.memory_space<vmem>>, vector<512x16xf32>
    tpu.vector_store %arg4[%swap3A, %swap3A_12], %max3A_11 {strides = array<i32>} : memref<512x16xf32, #tpu.memory_space<vmem>>, vector<512x16xf32>,
    return
  }
  func.func @transform_0(%arg0: i32) -> (i32, i32) {
    %add3A = arith.constant 0 : i32
    %add3A_0 = arith.addi %add3A, %arg0 : i32
    %c0_i32 = arith.constant 0 : i32
    %c0_i32_1 = arith.constant 0 : i32
    return %add3A_0, %c0_i32 : i32, i32
  }
  func.func @transform_1(%arg0: i32) -> (i32, i32) {
    %c0_i32 = arith.constant 0 : i32
    %c0_i32_0 = arith.constant 0 : i32
    %c0_i32_1 = arith.constant 0 : i32
    return %c0_i32, %c0_i32_0 : i32, i32
  }
  func.func @transform_2(%arg0: i32) -> (i32, i32) {
    %c0_i32 = arith.constant 0 : i32
    %c0_i32_0 = arith.constant 0 : i32
    %c0_i32_1 = arith.constant 0 : i32
    return %c0_i32, %c0_i32_0 : i32, i32
  }
  func.func @transform_3(%arg0: i32) -> (i32, i32) {
    %c0_i32 = arith.constant 0 : i32
    %c0_i32_0 = arith.constant 0 : i32
    return %arg0, %c0_i32 : i32, i32
  }
}

module attributes {stable_mosaic.version = 14 : i64} {
  func.func @_mm_body(%arg0: i32, %arg1: memref<512x2048xf32, #tpu.memory_space<vmem>>, %arg2: memref<2048x16xf32, #tpu.memory_space<vmem>>, %arg3: memref<1x16xf32, #tpu.memory_space<vmem>>, %arg4: memref<512x16xf32, #tpu.memory_space<vmem>>) attributes {dimension_semantics = [#tpu.dimension_semantics<arbitrary>], iteration_bounds = array<i64: 4>, scalar_prefetch = 0 : i64, scratch_operands = 0 : i64, tpu.core_type = #tpu.core_type<tc>, window_params = [{transform_indices = @transform_0, window_bounds = array<i64: 512, 2048>}, {pipeline_mode = #tpu.pipeline_mode<synchronous>, transform_indices = @transform_1, window_bounds = array<i64: 2048, 16>}, {pipeline_mode = #tpu.pipeline_mode<synchronous>, transform_indices = @transform_2, window_bounds = array<i64: 1, 16>}, {transform_indices = @transform_3, window_bounds = array<i64: 512, 16>}]} {
    %get3A = arith.constant 0 : index
    %get3A_0 = arith.constant 0 : index
    %get3A_1 = vector.load %arg1[%get3A, %get3A_0] : memref<512x2048xf32, #tpu.memory_space<vmem>>, vector<512x2048xf32>
    %get3A_2 = arith.constant 0 : index
    %get3A_3 = arith.constant 0 : index
    %get3A_4 = vector.load %arg2[%get3A_2, %get3A_3] : memref<2048x16xf32, #tpu.memory_space<vmem>>, vector<2048x16xf32>
    %dot_general3A = arith.constant dense<0.000000e+00> : vector<512x16xf32>
    %dot_general3A_5 = tpu.matmul %get3A_1, %get3A_4, %dot_general3A {dimension_numbers = #tpu.dot_dimension_numbers<[1], [0], [0], [1], [0, 0, 1, 1], [], []>, transpose_lhs_hint = false} : vector<512x2048xf32>, vector<2048x16xf32>, vector<512x16xf32> -> vector<512x16xf32>
    %get3A_6 = arith.constant 0 : index
    %get3A_7 = arith.constant 0 : index
    %get3A_8 = vector.load %arg3[%get3A_6, %get3A_7] : memref<1x16xf32, #tpu.memory_space<vmem>>, vector<1x16xf32>
    %add3A = vector.broadcast %get3A_8 : vector<1x16xf32> to vector<512x16xf32>
    %add3A_9 = arith.addf %dot_general3A_5, %add3A : vector<512x16xf32>
    %max3A = arith.constant 0.000000e+00 : f32
    %max3A_10 = vector.broadcast %max3A : f32 to vector<512x16xf32>
    %max3A_11 = arith.maximumf %add3A_9, %max3A_10 : vector<512x16xf32>
    %swap3A = arith.constant 0 : index
    %swap3A_12 = arith.constant 0 : index
    %swap3A_13 = vector.load %arg4[%swap3A, %swap3A_12] : memref<512x16xf32, #tpu.memory_space<vmem>>, vector<512x16xf32>
    tpu.vector_store %arg4[%swap3A, %swap3A_12], %max3A_11 {strides = array<i32>} : memref<512x16xf32, #tpu.memory_space<vmem>>, vector<512x16xf32>,
    return
  }
  func.func @transform_0(%arg0: i32) -> (i32, i32) {
    %add3A = arith.constant 4 : i32
    %add3A_0 = arith.addi %add3A, %arg0 : i32
    %c0_i32 = arith.constant 0 : i32
    %c0_i32_1 = arith.constant 0 : i32
    return %add3A_0, %c0_i32 : i32, i32
  }
  func.func @transform_1(%arg0: i32) -> (i32, i32) {
    %c0_i32 = arith.constant 0 : i32
    %c0_i32_0 = arith.constant 0 : i32
    %c0_i32_1 = arith.constant 0 : i32
    return %c0_i32, %c0_i32_0 : i32, i32
  }
  func.func @transform_2(%arg0: i32) -> (i32, i32) {
    %c0_i32 = arith.constant 0 : i32
    %c0_i32_0 = arith.constant 0 : i32
    %c0_i32_1 = arith.constant 0 : i32
    return %c0_i32, %c0_i32_0 : i32, i32
  }
  func.func @transform_3(%arg0: i32) -> (i32, i32) {
    %c0_i32 = arith.constant 0 : i32
    %c0_i32_0 = arith.constant 0 : i32
    return %arg0, %c0_i32 : i32, i32
  }
}

</mosaic_0001>

<sc_bundles>
// kernel: kernel.6.cloned.1.call-start
scs
__scs_entry_jumppad:
0x0: {  	(pc) =	sbr.rel $0x88, $3  }
0x1: {  	(tag) =	ssettag $0x0;
	lr =	simm.s32 $0x1  }
0x2: {  	[smem:$0x3F9C] =	sst lr;
	_ =	strace $0xD0000000  }
0x3: {  	_ = 	snop  }
0x4: {  	_ = 	snop  }
0x5: {  	_ = 	snop  }
0x6: {  	_ = 	snop  }
0x7: {  	_ = 	snop  }
__scs_overlays_trampoline_lowered:
0x8: {  	[smem:$0x3FAB] =	sst s0  }
0x9: {  	[smem:$0x3FAC] =	sst s1  }
0xa: {  	[smem:$0x3FAD] =	sst s2  }
0xb: {  	[smem:$0x3FAE] =	sst s3  }
0xc: {  	[smem:$0x3FAF] =	sst s4  }
0xd: {  	[smem:$0x3FB0] =	sst s5  }
0xe: {  	[smem:$0x3FB1] =	sst s6  }
0xf: {  	[smem:$0x3FB2] =	sst s7  }
0x10: {  	[smem:$0x3FB3] =	sst s8  }
0x11: {  	[smem:$0x3FB4] =	sst s9;
	s0 =	simm.s32 @!p0 $0x0  }
0x12: {  	s1 =	sld [smem:$0x3F9A];
	s0 =	simm.s32 @p0 $0x1  }
0x13: {  	[smem:$0x3FB5] =	sst s0;
	s0 =	simm.s32 @!p1 $0x0  }
0x14: {  	s2 =	sld [smem:$0x3F99];
	s0 =	simm.s32 @p1 $0x1  }
0x15: {  	[smem:$0x3FB6] =	sst s0;
	s0 =	simm.s32 @!p2 $0x0  }
0x16: {  	s3 =	sld [smem:$0x3FDB];
	s0 =	simm.s32 @p2 $0x1  }
0x17: {  	s4 =	simm.s32 $0x1BF5;
	[smem:$0x3FB8] =	sst s0  }
0x18: {  	s0 =	sld [smem:$0x3F9B];
	_ =	swait.ge [sflag:s4], $0x0  }
0x19: {  	s7 =	sld [smem:$0x3F9C]  }
0x1a: {  	s8 =	sadd.s32 $0xFFFFE003, lr  }
0x1b: {  	s9 =	sadd.s32 $0xFFFFFEF7, lr;
	s5 =	simm.s32 $0xFFFFFFFF;
	p2 =	slt.u32 s8, $0xFFFFF086  }
0x1c: {  	p1 =	slt.u32 s9, $0xF7A;
	s5 =	simm.s32 @!p2 $0x0  }
0x1d: {  	s5 =	simm.s32 @p1 $0x1;
	p0 =	seq.s32 s7, s2  }
0x1e: {  	s7 =	smul.u32 @!p0 $0xF7A, s2;
	p2 =	seq.s32 @!p0 s5, $0x0  }
0x1f: {  	s9 =	smul.u32 $0xF7A, s1;
	s8 =	simm.s32 @!p0 $0x1BF5;
	p2 =	por !p2, p0  }
0x20: {  	[sflag:s8] =	ssyncset.s32 @!p0 $0xFFFFF086;
	s6 =	sadd.s32 @!p0 s3, s7;
	s7 =	simm.s32 @!p0 $0x108  }
0x21: {  	s3 =	sadd.s32 s3, s9;
	s6 =	sadd.s32 @!p0 $0x88, s6;
	s7 =	simm.s32 @p2 $0x1082  }
0x22: {  	[simem:s7], [sflag:s8] =	dma.local @!p0 [hbm:s6], $0xF7A  }
0x23: {  	s9 =	sor.u32 $0xD0000000, s2;
	s6 =	simm.s32 $0x108;
	_ =	swait.ge @!p0 [sflag:s8], $0x0  }
0x24: {  	s3 =	sadd.s32 $0x88, s3;
	s6 =	simm.s32 @!p1 $0x1082;
	[sflag:s4] =	ssyncset.s32 $0xFFFFF086  }
0x25: {  	[simem:s6], [sflag:s4] =	dma.local [hbm:s3], $0xF7A  }
0x26: {  	[smem:$0x3F9C] =	sst s1;
	(tag) =	ssettag s2;
	_ =	strace s9  }
0x27: {  	s1 =	sld [smem:$0x3FAC]  }
0x28: {  	s2 =	sld [smem:$0x3FAD]  }
0x29: {  	s4 =	sld [smem:$0x3FAF]  }
0x2a: {  	p0 =	seq.s32 s5, $0x0;
	s5 =	sld [smem:$0x3FB0]  }
0x2b: {  	s6 =	sld [smem:$0x3FB1]  }
0x2c: {  	s7 =	sld [smem:$0x3FB2]  }
0x2d: {  	s3 =	simm.s32 $0x108;
	s8 =	sld [smem:$0x3FB3]  }
0x2e: {  	s3 =	simm.s32 @!p0 $0x1082;
	s9 =	sld [smem:$0x3FB4]  }
0x2f: {  	lr =	sadd.s32 s0, s3;
	s0 =	sld [smem:$0x3FAB]  }
0x30: {  	s3 =	sld [smem:$0x3FAE]  }
0x31: {  	[smem:$0x3FB7] =	sst s10  }
0x32: {  	s10 =	sld [smem:$0x3FB5];
	_ =	sdelay $0x3  }
0x33: {  	p0 =	seq.s32 s10, $0x1;
	s10 =	sld [smem:$0x3FB7];
	_ =	sdelay $0x3  }
0x34: {  	[smem:$0x3FB7] =	sst s10  }
0x35: {  	s10 =	sld [smem:$0x3FB6];
	_ =	sdelay $0x3  }
0x36: {  	p1 =	seq.s32 s10, $0x1;
	s10 =	sld [smem:$0x3FB7];
	_ =	sdelay $0x3  }
0x37: {  	[smem:$0x3FB7] =	sst s10  }
0x38: {  	s10 =	sld [smem:$0x3FB8]  }
0x39: {  	_ = 	snop;
	(pc) =	sbr.ind lr, $3  }
0x3a: {  	_ = 	snop  }
0x3b: {  	_ = 	snop  }
0x3c: {  	p2 =	seq.s32 s10, $0x1;
	s10 =	sld [smem:$0x3FB7]  }
0x3d: {  	_ =	shalt  }
0x3e: {  	_ =	shalt  }
0x3f: {  	_ =	shalt  }
0x40: {  	_ =	shalt  }
0x41: {  	_ =	shalt  }
0x42: {  	_ =	shalt  }
0x43: {  	_ =	shalt  }
0x44: {  	_ =	shalt  }
0x45: {  	_ =	shalt  }
0x46: {  	_ =	shalt  }
0x47: {  	_ =	shalt  }
0x48: {  	_ =	shalt  }
0x49: {  	_ =	shalt  }
0x4a: {  	_ =	shalt  }
0x4b: {  	_ =	shalt  }
0x4c: {  	_ =	shalt  }
0x4d: {  	_ =	shalt  }
0x4e: {  	_ =	shalt  }
0x4f: {  	_ =	shalt  }
0x50: {  	_ =	shalt  }
0x51: {  	_ =	shalt  }
0x52: {  	_ =	shalt  }
0x53: {  	_ =	shalt  }
0x54: {  	_ =	shalt  }
0x55: {  	_ =	shalt  }
0x56: {  	_ =	shalt  }
0x57: {  	_ =	shalt  }
0x58: {  	_ =	shalt  }
0x59: {  	_ =	shalt  }
0x5a: {  	_ =	shalt  }
0x5b: {  	_ =	shalt  }
0x5c: {  	_ =	shalt  }
0x5d: {  	_ =	shalt  }
0x5e: {  	_ =	shalt  }
0x5f: {  	_ =	shalt  }
0x60: {  	_ =	shalt  }
0x61: {  	_ =	shalt  }
0x62: {  	_ =	shalt  }
0x63: {  	_ =	shalt  }
0x64: {  	_ =	shalt  }
0x65: {  	_ =	shalt  }
0x66: {  	_ =	shalt  }
0x67: {  	_ =	shalt  }
0x68: {  	_ =	shalt  }
0x69: {  	_ =	shalt  }
0x6a: {  	_ =	shalt  }
0x6b: {  	_ =	shalt  }
0x6c: {  	_ =	shalt  }
0x6d: {  	_ =	shalt  }
0x6e: {  	_ =	shalt  }
0x6f: {  	_ =	shalt  }
0x70: {  	_ =	shalt  }
0x71: {  	_ =	shalt  }
0x72: {  	_ =	shalt  }
0x73: {  	_ =	shalt  }
0x74: {  	_ =	shalt  }
0x75: {  	_ =	shalt  }
0x76: {  	_ =	shalt  }
0x77: {  	_ =	shalt  }
0x78: {  	_ =	shalt  }
0x79: {  	_ =	shalt  }
0x7a: {  	_ =	shalt  }
0x7b: {  	_ =	shalt  }
0x7c: {  	_ =	shalt  }
0x7d: {  	_ =	shalt  }
0x7e: {  	_ =	shalt  }
0x7f: {  	_ =	shalt  }
0x80: {  	_ =	shalt  }
0x81: {  	_ =	shalt  }
0x82: {  	_ =	shalt  }
0x83: {  	_ =	shalt  }
0x84: {  	_ =	shalt  }
0x85: {  	_ =	shalt  }
0x86: {  	_ =	shalt  }
0x87: {  	_ =	shalt  }
.Lfunc_end0:
.L_simem_size_0:
called_computation_lowered:
.L_overlay_start_0:
0x88: {  	s2 =	sld [smem:$0x3FD9]  }
0x89: {  	s3 =	sld [smem:$0x3FFE];
	_ =	sdelay $0x1  }
0x8a: {  	s1 =	srdreg.scid  }
0x8b: {  	s0 =	sand.u32 $0x1, s1  }
0x8c: {  	s15 =	sshll.u32 s0, $0xA;
	s2 =	sadd.s32 s3, s2  }
0x8d: {  	s2 =	sadd.s32 s2, s15  }
0x8e: {  	[smem:$0x3FC3] =	sst s2  }
0x8f: {  	_ = 	snop  }
0x90: {  	s16 =	sld [smem:$0x3FD0];
	_ =	sdelay $0x2  }
0x91: {  	s4 =	simm.s32 $0xB;
	s5 =	simm.s32 $0x10;
	s2 =	sld [smem:$0x3FC5]  }
0x92: {  	[smem:s5], [sflag:s4] =	dma.local [hbm:s16], $0x1  }
0x93: {  	_ =	swait.eq [sflag:s4], $0x1  }
0x94: {  	[sflag:s4] =	ssyncset.done $0x0  }
0x95: {  	[sflag:s4] =	ssyncadd.s32 $0xFFFFFFFF  }
0x96: {  	s17 =	sld [smem:$0x11];
	(tm) =	ssettm $0x1  }
0x97: {  	s18 =	sld [smem:$0x3FFB];
	_ =	sdelay $0x3  }
0x98: {  	_ =	strace s18  }
0x99: {  	s3 =	sld [smem:$0x3FFC];
	_ =	sdelay $0x3  }
0x9a: {  	_ =	strace s3  }
0x9b: {  	s3 =	sld [smem:$0x3FFD];
	_ =	sdelay $0x3  }
0x9c: {  	_ =	strace s3  }
0x9d: {  	_ =	strace $0x8FFFFFFF  }
0x9e: {  	s19 =	sld [smem:$0x3FDB];
	_ =	sdelay $0x1  }
0x9f: {  	s20 =	simm.s32 $_scs_section_size  }
0xa0: {  	s6 =	simm.s32 $_size__tile_overlayer_lowered;
	s7 =	simm.s32 $_tile_overlayer_lowered  }
0xa1: {  	s8 =	simm.s32 $0x1BFF;
	s21 =	sshll.u32 s7, $0x1;
	s5 =	sadd.s32 s20, s19  }
0xa2: {  	s22 =	simm.s32 $0x0;
	s6 =	sshll.u32 s6, $0x1;
	s7 =	sadd.s32 s21, s5  }
0xa3: {  	[timem:s22], [sflag:s8] =	dma.local [hbm:s7], s6  }
0xa4: {  	_ =	swait.ge [sflag:s8], s6  }
0xa5: {  	s6 =	ssub.s32 $0x0, s6;
	[sflag:s8] =	ssyncset.done $0x0  }
0xa6: {  	[sflag:s8] =	ssyncadd.s32 s6;
	_ =	sdelay $0x1  }
0xa7: {  	s23 =	simm.s32 $0x1B8B  }
0xa8: {  	_ =	swait.ge [sflag:s23], $0x1  }
0xa9: {  	[sflag:s23] =	ssyncset.done $0x0  }
0xaa: {  	[sflag:s23] =	ssyncadd.s32 $0xFFFFFFFF  }
0xab: {  	s6 =	sld [smem:$0x0]  }
0xac: {  	s7 =	sand.u32 $0xFFFFFFFE, s1  }
0xad: {  	p0 =	sne.s32 s1, s7  }
0xae: {  	s7 =	sshll.u32 @p0 s7, $0xE  }
0xaf: {  	s7 =	sadd.s32 @p0 $0x11B8D, s7;
	s8 =	sshll.u32 @p0 s6, $0x11  }
0xb0: {  	s7 =	sor.u32 @p0 s8, s7  }
0xb1: {  	[sflag:s7] =	ssyncadd.remote.s32 @p0 $0x1;
	_ =	sdelay $0x1  }
0xb2: {  	s7 =	simm.s32 @p0 $0x1B8D  }
0xb3: {  	_ =	swait.eq @p0 [sflag:s7], $0x1  }
0xb4: {  	[sflag:s7] =	ssyncadd.s32 @p0 $0xFFFFFFFF  }
0xb5: {  	s8 =	sshll.u32 @!p0 s1, $0xE  }
0xb6: {  	s8 =	sor.u32 @!p0 $0x4000, s8;
	s7 =	simm.s32 @!p0 $0x1B8D  }
0xb7: {  	s6 =	sshll.u32 @!p0 s6, $0x11;
	s8 =	sadd.s32 @!p0 $0x11B8D, s8;
	_ =	swait.eq @!p0 [sflag:s7], $0x1  }
0xb8: {  	s6 =	sor.u32 @!p0 s6, s8;
	[sflag:s7] =	ssyncadd.s32 @!p0 $0xFFFFFFFF  }
0xb9: {  	s25 =	simm.s32 $0x1B8E;
	s24 =	sld [smem:$0x3FFE];
	[sflag:s6] =	ssyncadd.remote.s32 @!p0 $0x1  }
0xba: {  	s26 =	simm.s32 $execute0_lowered;
	[smem:$0x3FD2] =	sst s25  }
0xbb: {  	s7 =	sshll.u32 s26, $0x1;
	_ =	strace $0x80000049;
	[dreg:$0x1] =	wrdreg $0xFFFFFFFF  }
0xbc: {  	s28 =	simm.s32 $_size_execute0_lowered;
	s5 =	sadd.s32 s5, s7;
	[dreg:$0x0] =	wrdreg $0x0  }
0xbd: {  	s7 =	sshll.u32 s28, $0x1;
	[dreg:$0x2] =	wrdreg s5  }
0xbe: {  	[dreg:$0x3] =	wrdreg s7  }
0xbf: {  	[dreg:$0x4] =	wrdreg $0xC0  }
0xc0: {  	_ =	task [dreg:s22], $0x5FFFF  }
0xc1: {  	[dreg:$0x1] =	wrdreg $0xFFFFFFFF  }
0xc2: {  	[dreg:$0x0] =	wrdreg $0x60  }
0xc3: {  	[dreg:$0x2] =	wrdreg s24  }
0xc4: {  	[dreg:$0x3] =	wrdreg s2  }
0xc5: {  	[dreg:$0x4] =	wrdreg s17  }
0xc6: {  	[dreg:$0x5] =	wrdreg $0x9  }
0xc7: {  	_ =	task.clear_ibuf [dreg:s22], $0x6FFFF;
	_ =	strace $0x90000049  }
0xc8: {  	s29 =	simm.s32 $0x9;
	_ =	strace $0x8000004B  }
0xc9: {  	_ =	swait.ge [sflag:s29], $0x1  }
0xca: {  	[sflag:s29] =	ssyncadd.s32 $0xFFFFFFFF  }
0xcb: {  	_ =	strace $0x9000004B  }
0xcc: {  	_ =	sfence  }
0xcd: {  	s30 =	sld [smem:$0x0];
	_ =	sdelay $0x2  }
0xce: {  	s31 =	sshll.u32 s1, $0xD;
	s1 =	sshrl.u32 s1, $0x2  }
0xcf: {  	s4 =	sand.u32 $0x4000, s31;
	s1 =	sadd.s32 s1, s30  }
0xd0: {  	s0 =	sor.u32 s4, s0;
	s1 =	sshll.u32 s1, $0x11  }
0xd1: {  	s0 =	sor.u32 s1, s0  }
0xd2: {  	s0 =	sadd.s32 $0x8F2B, s0  }
0xd3: {  	[sflag:s0] =	ssyncadd.remote.s32 $0x1  }
0xd4: {  	_ =	sfence.sel $0xFFFF  }
0xd5: {  	[dreg:$0x0] =	wrdreg $0xFFFFFFFF;
	(pc) =	sbr.abs _section_cstart, $3  }
0xd6: {  	[dreg:$0x1] =	wrdreg $0xFFFFFFFF  }
0xd7: {  	_ =	task.clear_ibuf [dreg:s22], $0x2FFFF;
	_ =	strace $0x9FFFFFFF  }
0xd8: {  	(tm) =	ssettm $0x7FFFFFFF  }
0xd9: {  	_ =	shalt  }
tec
execute0_lowered:
.L_overlay_start_1:
0x0: {  	(tag) =	ssettag $0x1  }
0x1: {  	s6 =	rddreg [dreg:$0x0]  }
0x2: {  	s1 =	rddreg [dreg:$0x1]  }
0x3: {  	s2 =	rddreg [dreg:$0x2]  }
0x4: {  	s0 =	rddreg [dreg:$0x3];
	s4 =	simm.s32 $0x0  }
0x5: {  	v1 =	vlaneseq.u32;
	s5 =	srdreg.scid;
	s3 =	stileid.u32;
	s11 =	simm.s32 $0x1580  }
0x6: {  	s12 =	simm.s32 $0x2580;
	s13 =	simm.s32 $0x1;
	s14 =	simm.s32 $0x2600;
	v11 =	vmul.u32 $0x10, v1  }
0x7: {  	s15 =	simm.s32 $0x2A00;
	s16 =	simm.s32 $0x2;
	s17 =	simm.s32 $0x0;
	v0 =	vand.u32 $0x7, v1  }
0x8: {  	[smem:$0x7FF] =	sst s4;
	s7 =	sand.u32 $0x1, s5;
	s8 =	sshll.u32 s3, $0x1;
	v0 =	vmul.u32 $0x10, v0;
	v24 =	vor.u32 $0x1, v11  }
0x9: {  	s5 =	sadd.s32 $0x1200, s6;
	_ =	strace $0x8000004A;
	s8 =	sor.u32 s7, s8;
	v25 =	vor.u32 $0x2, v11;
	v26 =	vor.u32 $0x3, v11;
	v27 =	vor.u32 $0x4, v11  }
0xa: {  	s7 =	ssub.s32 $0x2, s7;
	s9 =	sshll.u32 s8, $0x7;
	s8 =	sshll.u32 s8, $0x3;
	v28 =	vor.u32 $0x5, v11;
	v29 =	vor.u32 $0x6, v11;
	v30 =	vor.u32 $0x7, v11  }
0xb: {  	s10 =	sshrl.u32 s7, $0x1;
	v31 =	vor.u32 $0x8, v11;
	v32 =	vor.u32 $0x9, v11;
	v33 =	vor.u32 $0xA, v11;
	s9 =	sadd.s32 s9, s6;
	s8 =	sadd.s32 s8, s6  }
0xc: {  	v22 =	vor.u32 $0xB, v11;
	v13 =	vor.u32 $0xC, v11;
	v14 =	vor.u32 $0xD, v11;
	[tilespmem:$0x1FFE0] =	vst v11;
	s10 =	ssub.s32 s7, s10;
	s6 =	sadd.s32 $0x2800, s9;
	s7 =	sadd.s32 $0x3800, s9  }
0xd: {  	v15 =	vor.u32 $0xE, v11;
	v16 =	vor.u32 $0xF, v11;
	v23 =	vor.u32 $0xFFFFFF80, v0;
	[tilespmem:$0x1FFF0] =	vst v13;
	s8 =	sadd.s32 $0x4800, s8;
	s9 =	smax.u32 s10, $0x1;
	s10 =	simm.s32 $0x400  }
.LBB2_1:
0xe: {  	[tilespmem:s4], [sflag:$0x1] =	stream.linear.gather [hbm4b:s6+s4], $0x400, $0x38;
	[tilespmem:$0x2A80] =	vst v63  }
0xf: {  	_ = 	snop  }
0x10: {  	[tilespmem:s10], [sflag:$0x1] =	stream.linear.gather [hbm4b:s5+s4], $0x1180, $0x38;
	[tilespmem:$0x2A80] =	vst v63  }
0x11: {  	_ = 	snop  }
0x12: {  	[tilespmem:s11], [sflag:$0x1] =	stream.linear.gather [hbm4b:s1+s4], $0x1000, $0x38;
	[tilespmem:$0x2A80] =	vst v63  }
0x13: {  	_ = 	snop  }
0x14: {  	[tilespmem:s12], [sflag:$0x1] =	stream.linear.gather [hbm4b:s2+s4], $0x80, $0x38;
	[tilespmem:$0x2A80] =	vst v63  }
0x15: {  	_ =	swait.ge [sflag:s13], $0x400  }
0x16: {  	[sflag:s13] =	ssyncset.done $0x0  }
0x17: {  	[sflag:s13] =	ssyncadd.s32 $0xFFFFFC00  }
0x18: {  	_ =	swait.ge [sflag:s13], $0x1180  }
0x19: {  	[sflag:s13] =	ssyncset.done $0x0  }
0x1a: {  	[sflag:s13] =	ssyncadd.s32 $0xFFFFEE80  }
0x1b: {  	_ =	swait.ge [sflag:s13], $0x1000  }
0x1c: {  	[sflag:s13] =	ssyncset.done $0x0  }
0x1d: {  	[sflag:s13] =	ssyncadd.s32 $0xFFFFF000  }
0x1e: {  	_ =	swait.ge [sflag:s13], $0x80  }
0x1f: {  	[sflag:s13] =	ssyncset.done $0x0  }
0x20: {  	[sflag:s13] =	ssyncadd.s32 $0xFFFFFF80  }
0x21: {  	v18 =	vld [tilespmem:$0x2580];
	_ =	sdelay $0x4  }
0x22: {  	v0 =	vadd.s32 $0x111, v18  }
0x23: {  	v50 =	vadd.s32 $0x222, v18;
	[tilespmem:$0x1FEF0] =	vst v0  }
0x24: {  	v51 =	vadd.s32 $0x333, v18;
	[tilespmem:$0x1FF00] =	vst v50  }
0x25: {  	v52 =	vadd.s32 $0x444, v18;
	[tilespmem:$0x1FF10] =	vst v51  }
0x26: {  	v53 =	vadd.s32 $0x555, v18;
	[tilespmem:$0x1FF20] =	vst v52  }
0x27: {  	v54 =	vadd.s32 $0x666, v18;
	[tilespmem:$0x1FF30] =	vst v53  }
0x28: {  	v55 =	vadd.s32 $0x777, v18;
	[tilespmem:$0x1FF40] =	vst v54  }
0x29: {  	v56 =	vadd.s32 $0x888, v18;
	[tilespmem:$0x1FF50] =	vst v55  }
0x2a: {  	v57 =	vadd.s32 $0x999, v18;
	[tilespmem:$0x1FF60] =	vst v56  }
0x2b: {  	v58 =	vadd.s32 $0xAAA, v18;
	[tilespmem:$0x1FF70] =	vst v57  }
0x2c: {  	v59 =	vadd.s32 $0xBBB, v18;
	[tilespmem:$0x1FF80] =	vst v58  }
0x2d: {  	v60 =	vadd.s32 $0xCCC, v18;
	[tilespmem:$0x1FF90] =	vst v59  }
0x2e: {  	v61 =	vadd.s32 $0xDDD, v18;
	[tilespmem:$0x1FFA0] =	vst v60  }
0x2f: {  	v62 =	vadd.s32 $0xEEE, v18;
	[tilespmem:$0x1FFB0] =	vst v61  }
0x30: {  	v63 =	vadd.s32 $0xFFF, v18;
	[tilespmem:$0x1FFC0] =	vst v62  }
0x31: {  	s18 =	simm.s32 $0x0;
	s19 =	simm.s32 $0x0;
	[tilespmem:$0x1FFD0] =	vst v63  }
.LBB2_2:
0x32: {  	v1 =	vld [tilespmem:$0x1FEF0];
	_ =	sdelay $0x1  }
0x33: {  	v44 =	vld [tilespmem:$0x1FF00];
	_ =	sdelay $0x1  }
0x34: {  	v45 =	vld [tilespmem:$0x1FF10]  }
0x35: {  	v0 =	vld.idx.msk [tilespmem:v18+s10+$0x0], $0xffff  }
0x36: {  	v2 =	vld [tilespmem:$0x1FF20]  }
0x37: {  	v51 =	vld [tilespmem:$0x1FF30]  }
0x38: {  	v3 =	vld.idx.msk [tilespmem:v1+s10+$0x0], $0xffff  }
0x39: {  	v52 =	vld [tilespmem:$0x1FF40]  }
0x3a: {  	v47 =	vld.idx.msk [tilespmem:v44+s10+$0x0], $0xffff  }
0x3b: {  	v53 =	vld [tilespmem:$0x1FF50]  }
0x3c: {  	v48 =	vld.idx.msk [tilespmem:v45+s10+$0x0], $0xffff  }
0x3d: {  	v54 =	vld [tilespmem:$0x1FF60];
	v46 =	vadd.f32 v3, v0  }
0x3e: {  	v49 =	vld.idx.msk [tilespmem:v2+s10+$0x0], $0xffff  }
0x3f: {  	v55 =	vld [tilespmem:$0x1FF70];
	v1 =	vadd.f32 v47, v46  }
0x40: {  	v62 =	vld.idx.msk [tilespmem:v51+s10+$0x0], $0xffff  }
0x41: {  	v56 =	vld [tilespmem:$0x1FF80];
	v1 =	vadd.f32 v48, v1  }
0x42: {  	v63 =	vld.idx.msk [tilespmem:v52+s10+$0x0], $0xffff  }
0x43: {  	v57 =	vld [tilespmem:$0x1FF90];
	v1 =	vadd.f32 v49, v1  }
0x44: {  	v4 =	vld.idx.msk [tilespmem:v53+s10+$0x0], $0xffff  }
0x45: {  	v58 =	vld [tilespmem:$0x1FFA0];
	v1 =	vadd.f32 v62, v1  }
0x46: {  	v5 =	vld.idx.msk [tilespmem:v54+s10+$0x0], $0xffff  }
0x47: {  	v59 =	vld [tilespmem:$0x1FFB0];
	v1 =	vadd.f32 v63, v1  }
0x48: {  	v6 =	vld.idx.msk [tilespmem:v55+s10+$0x0], $0xffff  }
0x49: {  	v60 =	vld [tilespmem:$0x1FFC0];
	v1 =	vadd.f32 v4, v1  }
0x4a: {  	v7 =	vld.idx.msk [tilespmem:v56+s10+$0x0], $0xffff  }
0x4b: {  	v61 =	vld [tilespmem:$0x1FFD0];
	v1 =	vadd.f32 v5, v1  }
0x4c: {  	v8 =	vld.idx.msk [tilespmem:v57+s10+$0x0], $0xffff  }
0x4d: {  	v1 =	vadd.f32 v6, v1  }
0x4e: {  	v9 =	vld.idx.msk [tilespmem:v58+s10+$0x0], $0xffff  }
0x4f: {  	v1 =	vadd.f32 v7, v1  }
0x50: {  	v10 =	vld.idx.msk [tilespmem:v59+s10+$0x0], $0xffff  }
0x51: {  	v1 =	vadd.f32 v8, v1  }
0x52: {  	v42 =	vor.u32 s19, v26;
	v2 =	vld.idx.msk [tilespmem:v60+s10+$0x0], $0xffff  }
0x53: {  	v43 =	vor.u32 s19, v25;
	v34 =	vadd.f32 v9, v1  }
0x54: {  	v41 =	vor.u32 s19, v27;
	v1 =	vld.idx.msk [tilespmem:v61+s10+$0x0], $0xffff  }
0x55: {  	v40 =	vor.u32 s19, v28;
	v34 =	vadd.f32 v10, v34  }
0x56: {  	v38 =	vor.u32 s19, v30;
	v35 =	vor.u32 s19, v11  }
0x57: {  	v45 =	vand.u32 v23, v35;
	v51 =	vld.idx.msk [tilespmem:v42+s4+$0x0], $0xffff;
	v34 =	vadd.f32 v2, v34  }
0x58: {  	v12 =	vor.u32 s19, v33;
	v50 =	vld.idx.msk [tilespmem:v43+s4+$0x0], $0xffff  }
0x59: {  	v17 =	vor.u32 s19, v22;
	v52 =	vld.idx.msk [tilespmem:v41+s4+$0x0], $0xffff;
	v34 =	vadd.f32 v1, v34  }
0x5a: {  	v44 =	vor.u32 s19, v24;
	v54 =	vld.idx.msk [tilespmem:v40+s4+$0x0], $0xffff  }
0x5b: {  	v60 =	vld.idx.msk [tilespmem:v38+s4+$0x0], $0xffff;
	(erf) = vrcp.f32 v34  }
0x5c: {  	v39 =	vor.u32 s19, v29;
	v36 =	vld.idx.msk [tilespmem:v45+s4+$0x0], $0xffff;
	v35 =	vmax.f32 v51, $1.000000000e-30  }
0x5d: {  	v11 =	vor.u32 s19, v32;
	v59 =	vmin.f32 v35, $1.000000000e+00;
	v35 =	vld.idx.msk [tilespmem:v12+s4+$0x0], $0xffff  }
0x5e: {  	v37 =	vor.u32 s19, v31;
	[tilespmem:$0x1FED0] =	vst v12;
	v12 =	vld.idx.msk [tilespmem:v17+s4+$0x0], $0xffff  }
0x5f: {  	v46 =	vld.idx.msk [tilespmem:v44+s4+$0x0], $0xffff;
	_ =	sdelay $0x1  }
0x60: {  	v58 =	vld.idx.msk [tilespmem:v39+s4+$0x0], $0xffff;
	v54 =	vmax.f32 v54, $1.000000000e-30;
	v53 =	vmax.f32 v36, $1.000000000e-30;
	v36 =	vmax.f32 v52, $1.000000000e-30  }
0x61: {  	v51 =	vmin.f32 v54, $1.000000000e+00;
	v55 =	vmin.f32 v53, $1.000000000e+00;
	v53 =	vmin.f32 v36, $1.000000000e+00;
	v61 =	vld.idx.msk [tilespmem:v11+s4+$0x0], $0xffff  }
0x62: {  	v36 =	vmax.f32 v60, $1.000000000e-30;
	v54 =	vmax.f32 v35, $1.000000000e-30;
	v34 =	vmax.f32 v50, $1.000000000e-30;
	v50 =	vld.idx.msk [tilespmem:v37+s4+$0x0], $0xffff  }
0x63: {  	[tilespmem:$0x1FEC0] =	vst v11;
	v12 =	vmax.f32 v12, $1.000000000e-30;
	v46 =	vmax.f32 v46, $1.000000000e-30;
	v60 =	vmin.f32 v36, $1.000000000e+00;
	v11 =	vpop (erf)  }
0x64: {  	v56 =	vmin.f32 v46, $1.000000000e+00;
	v0 =	vmul.f32 v11, v0;
	v3 =	vmul.f32 v11, v3  }
0x65: {  	v46 =	vor.u32 s19, v13;
	v57 =	vmin.f32 v34, $1.000000000e+00;
	v47 =	vmul.f32 v11, v47  }
0x66: {  	v34 =	vmax.f32 v58, $1.000000000e-30;
	v0 =	vmul.f32 v0, v55;
	v3 =	vmul.f32 v3, v56  }
0x67: {  	v61 =	vmax.f32 v61, $1.000000000e-30;
	v52 =	vmin.f32 v34, $1.000000000e+00;
	v50 =	vmax.f32 v50, $1.000000000e-30  }
0x68: {  	v48 =	vmul.f32 v11, v48;
	v47 =	vmul.f32 v47, v57;
	vm0 =	vgt.f32 v3, v0  }
0x69: {  	v58 =	vmin.f32 v50, $1.000000000e+00;
	v50 =	vmin.f32 v61, $1.000000000e+00;
	v0 =	vsel vm0, v3, v0  }
0x6a: {  	v49 =	vmul.f32 v11, v49;
	v48 =	vmul.f32 v48, v59;
	vm1 =	vgt.f32 v47, v0  }
0x6b: {  	v61 =	vmin.f32 v54, $1.000000000e+00;
	v54 =	vmin.f32 v12, $1.000000000e+00;
	v0 =	vsel vm1, v47, v0  }
0x6c: {  	v34 =	vmul.f32 v11, v62;
	v12 =	vmul.f32 v49, v53;
	vm2 =	vgt.f32 v48, v0  }
0x6d: {  	v36 =	vmul.f32 v11, v63;
	v4 =	vmul.f32 v11, v4;
	v0 =	vsel vm2, v48, v0  }
0x6e: {  	v5 =	vmul.f32 v11, v5;
	v49 =	vmul.f32 v34, v51;
	vm10 =	vgt.f32 v12, v0  }
0x6f: {  	v6 =	vmul.f32 v11, v6;
	v7 =	vmul.f32 v11, v7;
	v0 =	vsel vm10, v12, v0  }
0x70: {  	v2 =	vmul.f32 v11, v2;
	v3 =	vld.idx.msk [tilespmem:v46+s4+$0x0], $0xffff;
	v12 =	vmul.f32 v36, v52;
	vm11 =	vgt.f32 v49, v0  }
0x71: {  	v1 =	vmul.f32 v11, v1;
	v47 =	vor.u32 s19, v14;
	v0 =	vsel vm11, v49, v0  }
0x72: {  	v4 =	vmul.f32 v4, v60;
	v5 =	vmul.f32 v5, v58;
	vm12 =	vgt.f32 v12, v0  }
0x73: {  	v6 =	vmul.f32 v6, v50;
	v35 =	vsel vm0, $0x1, v18;
	v0 =	vsel vm12, v12, v0  }
0x74: {  	v62 =	vsel vm1, $0x2, v35;
	v48 =	vor.u32 s19, v15;
	vm13 =	vgt.f32 v4, v0  }
0x75: {  	v3 =	vmax.f32 v3, $1.000000000e-30;
	v49 =	vor.u32 s19, v16;
	v0 =	vsel vm13, v4, v0  }
0x76: {  	v34 =	vsel vm2, $0x3, v62;
	v62 =	vmin.f32 v3, $1.000000000e+00;
	v13 =	vld.idx.msk [tilespmem:v47+s4+$0x0], $0xffff;
	vm14 =	vgt.f32 v5, v0  }
0x77: {  	v35 =	vsel vm10, $0x4, v34;
	v36 =	vmul.f32 v7, v61;
	v0 =	vsel vm14, v5, v0  }
0x78: {  	v34 =	vmul.f32 v11, v8;
	v8 =	vmul.f32 v11, v9;
	vm15 =	vgt.f32 v6, v0  }
0x79: {  	v9 =	vmul.f32 v11, v10;
	v3 =	vsel vm11, $0x5, v35;
	v4 =	vld.idx.msk [tilespmem:v48+s4+$0x0], $0xffff;
	v0 =	vsel vm15, v6, v0  }
0x7a: {  	v7 =	vmul.f32 v34, v54;
	v8 =	vmul.f32 v8, v62;
	v35 =	vld.idx.msk [tilespmem:v49+s4+$0x0], $0xffff;
	vm4 =	vgt.f32 v36, v0  }
0x7b: {  	v3 =	vsel vm12, $0x6, v3;
	v12 =	vmax.f32 v13, $1.000000000e-30;
	v5 =	vsel vm4, v36, v0  }
0x7c: {  	v3 =	vsel vm13, $0x7, v3;
	v63 =	vmin.f32 v12, $1.000000000e+00;
	vm5 =	vgt.f32 v7, v5  }
0x7d: {  	v3 =	vsel vm14, $0x8, v3;
	v34 =	vmul.f32 v9, v63;
	v36 =	vsel vm5, v7, v5  }
0x7e: {  	v3 =	vsel vm15, $0x9, v3;
	v4 =	vmax.f32 v4, $1.000000000e-30;
	vm6 =	vgt.f32 v8, v36  }
0x7f: {  	v0 =	vmin.f32 v4, $1.000000000e+00;
	v6 =	vmax.f32 v35, $1.000000000e-30;
	v4 =	vsel vm6, v8, v36  }
0x80: {  	v35 =	vsel vm4, $0xA, v3;
	v2 =	vmul.f32 v2, v0;
	vm7 =	vgt.f32 v34, v4  }
0x81: {  	v3 =	vmin.f32 v6, $1.000000000e+00;
	v36 =	vsel vm5, $0xB, v35;
	v4 =	vsel vm7, v34, v4  }
0x82: {  	v1 =	vmul.f32 v1, v3;
	v34 =	vsel vm6, $0xC, v36;
	vm8 =	vgt.f32 v2, v4  }
0x83: {  	v5 =	vsel vm7, $0xD, v34;
	v2 =	vsel vm8, v2, v4  }
0x84: {  	v35 =	vsel vm8, $0xE, v5;
	vm9 =	vgt.f32 v1, v2  }
0x85: {  	v2 =	vsel vm9, $0xF, v35  }
0x86: {  	v36 =	vadd.s32 $0x1, v2  }
0x87: {  	v4 =	vadd.s32 $0x112, v2;
	_ =	sdelay $0x1  }
0x88: {  	v34 =	vadd.s32 $0x223, v2;
	_ =	sdelay $0x1  }
0x89: {  	v35 =	vadd.s32 $0x334, v2;
	v1 =	vld.idx.msk [tilespmem:v36+s10+$0x0], $0xffff  }
0x8a: {  	v4 =	vld.idx.msk [tilespmem:v4+s10+$0x0], $0xffff  }
0x8b: {  	v36 =	vadd.s32 $0x445, v2  }
0x8c: {  	v5 =	vld.idx.msk [tilespmem:v34+s10+$0x0], $0xffff  }
0x8d: {  	v8 =	vadd.s32 $0x556, v2  }
0x8e: {  	v6 =	vld.idx.msk [tilespmem:v35+s10+$0x0], $0xffff  }
0x8f: {  	v9 =	vadd.s32 $0x667, v2;
	v10 =	vadd.f32 v4, v1  }
0x90: {  	v7 =	vld.idx.msk [tilespmem:v36+s10+$0x0], $0xffff  }
0x91: {  	v11 =	vadd.s32 $0x778, v2;
	v10 =	vadd.f32 v5, v10  }
0x92: {  	v8 =	vld.idx.msk [tilespmem:v8+s10+$0x0], $0xffff  }
0x93: {  	v12 =	vadd.s32 $0x889, v2;
	v10 =	vadd.f32 v6, v10  }
0x94: {  	v9 =	vld.idx.msk [tilespmem:v9+s10+$0x0], $0xffff  }
0x95: {  	v13 =	vadd.s32 $0x99A, v2;
	v10 =	vadd.f32 v7, v10  }
0x96: {  	v11 =	vld.idx.msk [tilespmem:v11+s10+$0x0], $0xffff  }
0x97: {  	v36 =	vmov v14;
	v14 =	vadd.s32 $0xAAB, v2;
	v10 =	vadd.f32 v8, v10  }
0x98: {  	v12 =	vld.idx.msk [tilespmem:v12+s10+$0x0], $0xffff  }
0x99: {  	v35 =	vmov v15;
	v15 =	vadd.s32 $0xBBC, v2;
	v10 =	vadd.f32 v9, v10  }
0x9a: {  	v13 =	vld.idx.msk [tilespmem:v13+s10+$0x0], $0xffff  }
0x9b: {  	v34 =	vmov v16;
	v16 =	vadd.s32 $0xCCD, v2;
	v10 =	vadd.f32 v11, v10  }
0x9c: {  	v14 =	vld.idx.msk [tilespmem:v14+s10+$0x0], $0xffff  }
0x9d: {  	[tilespmem:$0x1FEE0] =	vst v17;
	v17 =	vadd.s32 $0xDDE, v2;
	v10 =	vadd.f32 v12, v10  }
0x9e: {  	v15 =	vld.idx.msk [tilespmem:v15+s10+$0x0], $0xffff  }
0x9f: {  	v19 =	vadd.s32 $0xEEF, v2;
	v10 =	vadd.f32 v13, v10  }
0xa0: {  	v16 =	vld.idx.msk [tilespmem:v16+s10+$0x0], $0xffff  }
0xa1: {  	v20 =	vadd.s32 $0x1000, v2;
	v10 =	vadd.f32 v14, v10  }
0xa2: {  	v17 =	vld.idx.msk [tilespmem:v17+s10+$0x0], $0xffff  }
0xa3: {  	v10 =	vadd.f32 v15, v10  }
0xa4: {  	v19 =	vld.idx.msk [tilespmem:v19+s10+$0x0], $0xffff  }
0xa5: {  	v10 =	vadd.f32 v16, v10  }
0xa6: {  	v20 =	vld.idx.msk [tilespmem:v20+s10+$0x0], $0xffff  }
0xa7: {  	v10 =	vadd.f32 v17, v10;
	_ =	sdelay $0x1  }
0xa8: {  	v10 =	vadd.f32 v19, v10;
	_ =	sdelay $0x1  }
0xa9: {  	v10 =	vadd.f32 v20, v10;
	_ =	sdelay $0x1  }
0xaa: {  	(erf) = vrcp.f32 v10;
	_ =	sdelay $0x8  }
0xab: {  	v10 =	vpop (erf)  }
0xac: {  	v1 =	vmul.f32 v10, v1;
	v4 =	vmul.f32 v10, v4  }
0xad: {  	v5 =	vmul.f32 v10, v5  }
0xae: {  	v1 =	vmul.f32 v1, v55;
	v4 =	vmul.f32 v4, v56;
	_ =	sdelay $0x1  }
0xaf: {  	v6 =	vmul.f32 v10, v6;
	v5 =	vmul.f32 v5, v57;
	vm10 =	vgt.f32 v4, v1  }
0xb0: {  	v1 =	vsel vm10, v4, v1  }
0xb1: {  	v4 =	vmul.f32 v6, v59;
	v6 =	vmul.f32 v10, v7;
	vm11 =	vgt.f32 v5, v1  }
0xb2: {  	v1 =	vsel vm11, v5, v1  }
0xb3: {  	v5 =	vmul.f32 v6, v53;
	v6 =	vmul.f32 v10, v8;
	vm12 =	vgt.f32 v4, v1  }
0xb4: {  	v7 =	vsel vm10, $0x1, v18;
	v1 =	vsel vm12, v4, v1  }
0xb5: {  	v4 =	vmul.f32 v6, v51;
	v6 =	vmul.f32 v10, v9;
	vm13 =	vgt.f32 v5, v1  }
0xb6: {  	v7 =	vsel vm11, $0x2, v7;
	v1 =	vsel vm13, v5, v1  }
0xb7: {  	v5 =	vmul.f32 v6, v52;
	v6 =	vmul.f32 v10, v11;
	vm14 =	vgt.f32 v4, v1  }
0xb8: {  	v7 =	vsel vm12, $0x3, v7;
	v1 =	vsel vm14, v4, v1  }
0xb9: {  	v4 =	vmul.f32 v6, v60;
	v6 =	vmul.f32 v10, v12;
	vm15 =	vgt.f32 v5, v1  }
0xba: {  	v7 =	vsel vm13, $0x4, v7;
	v1 =	vsel vm15, v5, v1  }
0xbb: {  	v5 =	vmul.f32 v6, v58;
	v6 =	vmul.f32 v10, v13;
	vm4 =	vgt.f32 v4, v1  }
0xbc: {  	v7 =	vsel vm14, $0x5, v7;
	v1 =	vsel vm4, v4, v1  }
0xbd: {  	v4 =	vmul.f32 v6, v50;
	v6 =	vmul.f32 v10, v14;
	vm5 =	vgt.f32 v5, v1  }
0xbe: {  	v7 =	vsel vm15, $0x6, v7;
	v1 =	vsel vm5, v5, v1  }
0xbf: {  	v5 =	vmul.f32 v6, v61;
	v6 =	vmul.f32 v10, v15;
	vm6 =	vgt.f32 v4, v1  }
0xc0: {  	v7 =	vsel vm4, $0x7, v7;
	v1 =	vsel vm6, v4, v1  }
0xc1: {  	v4 =	vmul.f32 v6, v54;
	v6 =	vmul.f32 v10, v16;
	vm7 =	vgt.f32 v5, v1  }
0xc2: {  	v7 =	vsel vm5, $0x8, v7;
	v1 =	vsel vm7, v5, v1  }
0xc3: {  	v5 =	vmul.f32 v6, v62;
	v6 =	vmul.f32 v10, v17;
	vm8 =	vgt.f32 v4, v1  }
0xc4: {  	v7 =	vsel vm6, $0x9, v7;
	v1 =	vsel vm8, v4, v1  }
0xc5: {  	v4 =	vmul.f32 v6, v63;
	v6 =	vmul.f32 v10, v19;
	vm9 =	vgt.f32 v5, v1  }
0xc6: {  	v7 =	vsel vm7, $0xA, v7;
	v1 =	vsel vm9, v5, v1  }
0xc7: {  	v5 =	vmul.f32 v6, v0;
	v6 =	vmul.f32 v10, v20;
	vm10 =	vgt.f32 v4, v1  }
0xc8: {  	v7 =	vsel vm8, $0xB, v7;
	v1 =	vsel vm10, v4, v1  }
0xc9: {  	v4 =	vsel vm9, $0xC, v7;
	v6 =	vmul.f32 v6, v3;
	vm11 =	vgt.f32 v5, v1  }
0xca: {  	v4 =	vsel vm10, $0xD, v4;
	v1 =	vsel vm11, v5, v1  }
0xcb: {  	v4 =	vsel vm11, $0xE, v4;
	vm12 =	vgt.f32 v6, v1  }
0xcc: {  	v1 =	vsel vm12, $0xF, v4;
	v4 =	vshll.u32 v2, $0x4  }
0xcd: {  	v4 =	vadd.s32 v1, v4  }
0xce: {  	v4 =	vadd.s32 $0x11, v4  }
0xcf: {  	v5 =	vadd.s32 $0x111, v4;
	_ =	sdelay $0x1  }
0xd0: {  	v6 =	vadd.s32 $0x222, v4;
	_ =	sdelay $0x1  }
0xd1: {  	v8 =	vadd.s32 $0x333, v4;
	v7 =	vld.idx.msk [tilespmem:v4+s10+$0x0], $0xffff  }
0xd2: {  	v5 =	vld.idx.msk [tilespmem:v5+s10+$0x0], $0xffff  }
0xd3: {  	v9 =	vadd.s32 $0x444, v4  }
0xd4: {  	v6 =	vld.idx.msk [tilespmem:v6+s10+$0x0], $0xffff  }
0xd5: {  	v10 =	vadd.s32 $0x555, v4  }
0xd6: {  	v8 =	vld.idx.msk [tilespmem:v8+s10+$0x0], $0xffff  }
0xd7: {  	v11 =	vadd.s32 $0x666, v4;
	v12 =	vadd.f32 v5, v7  }
0xd8: {  	v9 =	vld.idx.msk [tilespmem:v9+s10+$0x0], $0xffff  }
0xd9: {  	v13 =	vadd.s32 $0x777, v4;
	v12 =	vadd.f32 v6, v12  }
0xda: {  	v10 =	vld.idx.msk [tilespmem:v10+s10+$0x0], $0xffff  }
0xdb: {  	v14 =	vadd.s32 $0x888, v4;
	v12 =	vadd.f32 v8, v12  }
0xdc: {  	v11 =	vld.idx.msk [tilespmem:v11+s10+$0x0], $0xffff  }
0xdd: {  	v15 =	vadd.s32 $0x999, v4;
	v12 =	vadd.f32 v9, v12  }
0xde: {  	v13 =	vld.idx.msk [tilespmem:v13+s10+$0x0], $0xffff  }
0xdf: {  	v16 =	vadd.s32 $0xAAA, v4;
	v12 =	vadd.f32 v10, v12  }
0xe0: {  	v14 =	vld.idx.msk [tilespmem:v14+s10+$0x0], $0xffff  }
0xe1: {  	v17 =	vadd.s32 $0xBBB, v4;
	v12 =	vadd.f32 v11, v12  }
0xe2: {  	v15 =	vld.idx.msk [tilespmem:v15+s10+$0x0], $0xffff  }
0xe3: {  	v19 =	vadd.s32 $0xCCC, v4;
	v12 =	vadd.f32 v13, v12  }
0xe4: {  	v16 =	vld.idx.msk [tilespmem:v16+s10+$0x0], $0xffff  }
0xe5: {  	v20 =	vadd.s32 $0xDDD, v4;
	v12 =	vadd.f32 v14, v12  }
0xe6: {  	v17 =	vld.idx.msk [tilespmem:v17+s10+$0x0], $0xffff  }
0xe7: {  	v21 =	vadd.s32 $0xEEE, v4;
	v12 =	vadd.f32 v15, v12  }
0xe8: {  	v19 =	vld.idx.msk [tilespmem:v19+s10+$0x0], $0xffff  }
0xe9: {  	v4 =	vadd.s32 $0xFFF, v4;
	v12 =	vadd.f32 v16, v12  }
0xea: {  	v20 =	vld.idx.msk [tilespmem:v20+s10+$0x0], $0xffff  }
0xeb: {  	v12 =	vadd.f32 v17, v12  }
0xec: {  	v21 =	vld.idx.msk [tilespmem:v21+s10+$0x0], $0xffff  }
0xed: {  	v12 =	vadd.f32 v19, v12  }
0xee: {  	v4 =	vld.idx.msk [tilespmem:v4+s10+$0x0], $0xffff  }
0xef: {  	v12 =	vadd.f32 v20, v12;
	_ =	sdelay $0x1  }
0xf0: {  	v12 =	vadd.f32 v21, v12;
	_ =	sdelay $0x1  }
0xf1: {  	v12 =	vadd.f32 v4, v12;
	_ =	sdelay $0x1  }
0xf2: {  	(erf) = vrcp.f32 v12;
	_ =	sdelay $0x8  }
0xf3: {  	v12 =	vpop (erf)  }
0xf4: {  	v7 =	vmul.f32 v12, v7;
	v5 =	vmul.f32 v12, v5  }
0xf5: {  	v6 =	vmul.f32 v12, v6  }
0xf6: {  	v7 =	vmul.f32 v7, v55;
	v5 =	vmul.f32 v5, v56;
	_ =	sdelay $0x1  }
0xf7: {  	v8 =	vmul.f32 v12, v8;
	v6 =	vmul.f32 v6, v57;
	vm13 =	vgt.f32 v5, v7  }
0xf8: {  	v55 =	vsel vm13, v5, v7  }
0xf9: {  	v9 =	vmul.f32 v12, v9;
	v8 =	vmul.f32 v8, v59;
	vm14 =	vgt.f32 v6, v55  }
0xfa: {  	v55 =	vsel vm14, v6, v55  }
0xfb: {  	v10 =	vmul.f32 v12, v10;
	v9 =	vmul.f32 v9, v53;
	vm15 =	vgt.f32 v8, v55  }
0xfc: {  	v57 =	vsel vm15, v8, v55  }
0xfd: {  	v11 =	vmul.f32 v12, v11;
	v10 =	vmul.f32 v10, v51;
	vm3 =	vgt.f32 v9, v57  }
0xfe: {  	v59 =	vsel vm3, v9, v57  }
0xff: {  	v13 =	vmul.f32 v12, v13;
	v11 =	vmul.f32 v11, v52;
	vm4 =	vgt.f32 v10, v59  }
0x100: {  	v51 =	vsel vm4, v10, v59  }
0x101: {  	v14 =	vmul.f32 v12, v14;
	v13 =	vmul.f32 v13, v60;
	vm5 =	vgt.f32 v11, v51  }
0x102: {  	v51 =	vsel vm5, v11, v51  }
0x103: {  	v15 =	vmul.f32 v12, v15;
	v14 =	vmul.f32 v14, v58;
	vm6 =	vgt.f32 v13, v51  }
0x104: {  	v16 =	vmul.f32 v12, v16;
	v51 =	vsel vm6, v13, v51  }
0x105: {  	v15 =	vmul.f32 v15, v50;
	vm7 =	vgt.f32 v14, v51  }
0x106: {  	v16 =	vmul.f32 v16, v61;
	v61 =	vsel vm13, $0x1, v18;
	v60 =	vsel vm7, v14, v51  }
0x107: {  	v17 =	vmul.f32 v12, v17;
	v51 =	vsel vm14, $0x2, v61;
	vm9 =	vgt.f32 v15, v60  }
0x108: {  	v19 =	vmul.f32 v12, v19;
	v51 =	vsel vm15, $0x3, v51;
	v50 =	vsel vm9, v15, v60  }
0x109: {  	v17 =	vmul.f32 v17, v54;
	v51 =	vsel vm3, $0x4, v51;
	vm10 =	vgt.f32 v16, v50  }
0x10a: {  	v20 =	vmul.f32 v12, v20;
	[tilespmem:v45+s14+$0x0] =	vst.idx.msk $0xffff, v7;
	v52 =	vsel vm4, $0x5, v51;
	v50 =	vsel vm10, v16, v50  }
0x10b: {  	v19 =	vmul.f32 v19, v62;
	v58 =	vld [tilespmem:$0x1FEC0];
	[tilespmem:v44+s14+$0x0] =	vst.idx.msk $0xffff, v5;
	v53 =	vsel vm5, $0x6, v52;
	vm11 =	vgt.f32 v17, v50  }
0x10c: {  	v21 =	vmul.f32 v12, v21;
	[tilespmem:v43+s14+$0x0] =	vst.idx.msk $0xffff, v6;
	v59 =	vld [tilespmem:$0x1FED0];
	v5 =	vsel vm6, $0x7, v53;
	v54 =	vsel vm11, v17, v50  }
0x10d: {  	[tilespmem:v42+s14+$0x0] =	vst.idx.msk $0xffff, v8;
	v55 =	vmul.f32 v20, v63;
	v61 =	vld [tilespmem:$0x1FEE0];
	v5 =	vsel vm7, $0x8, v5;
	vm12 =	vgt.f32 v19, v54  }
0x10e: {  	v4 =	vmul.f32 v12, v4;
	[tilespmem:v41+s14+$0x0] =	vst.idx.msk $0xffff, v9;
	v5 =	vsel vm9, $0x9, v5;
	v7 =	vsel vm12, v19, v54  }
0x10f: {  	v0 =	vmul.f32 v21, v0;
	[tilespmem:v40+s14+$0x0] =	vst.idx.msk $0xffff, v10;
	v5 =	vsel vm10, $0xA, v5;
	vm13 =	vgt.f32 v55, v7  }
0x110: {  	[tilespmem:v39+s14+$0x0] =	vst.idx.msk $0xffff, v11;
	v56 =	vsel vm11, $0xB, v5;
	v7 =	vsel vm13, v55, v7  }
0x111: {  	v3 =	vmul.f32 v4, v3;
	[tilespmem:v38+s14+$0x0] =	vst.idx.msk $0xffff, v13;
	v4 =	vsel vm12, $0xC, v56;
	vm14 =	vgt.f32 v0, v7  }
0x112: {  	v2 =	vshll.u32 v2, $0x8;
	[tilespmem:v37+s14+$0x0] =	vst.idx.msk $0xffff, v14;
	v4 =	vsel vm13, $0xD, v4;
	v57 =	vsel vm14, v0, v7  }
0x113: {  	v1 =	vshll.u32 v1, $0x4;
	[tilespmem:v58+s14+$0x0] =	vst.idx.msk $0xffff, v15;
	v4 =	vsel vm14, $0xE, v4;
	vm15 =	vgt.f32 v3, v57  }
0x114: {  	v1 =	vadd.s32 v2, v1;
	[tilespmem:v59+s14+$0x0] =	vst.idx.msk $0xffff, v16;
	v60 =	vsel vm15, $0xF, v4  }
0x115: {  	[tilespmem:v61+s14+$0x0] =	vst.idx.msk $0xffff, v17;
	v1 =	vadd.s32 v60, v1  }
0x116: {  	[tilespmem:v46+s14+$0x0] =	vst.idx.msk $0xffff, v19  }
0x117: {  	[tilespmem:v47+s14+$0x0] =	vst.idx.msk $0xffff, v55  }
0x118: {  	[tilespmem:v48+s14+$0x0] =	vst.idx.msk $0xffff, v0  }
0x119: {  	v62 =	vlaneseq.u32;
	[tilespmem:v49+s14+$0x0] =	vst.idx.msk $0xffff, v3  }
0x11a: {  	p0 =	sne.s32 s19, $0x300;
	v63 =	vor.u32 s18, v62;
	v0 =	vld.idx.msk [tilespmem:v1+s11+$0x0], $0xffff  }
.Ltmp0:
0x11b: {  	_ = 	snop;
	(pc) =	sbr.rel @p0 .LBB2_2-.Ltmp0, $3  }
0x11c: {  	_ =	sdelay $0x1  }
0x11d: {  	v11 =	vld [tilespmem:$0x1FFE0]  }
0x11e: {  	s19 =	sadd.s32 $0x100, s19;
	s18 =	sadd.s32 $0x10, s18;
	v13 =	vld [tilespmem:$0x1FFF0];
	v14 =	vmov v36;
	v15 =	vmov v35;
	v16 =	vmov v34;
	[tilespmem:v63+s15+$0x0] =	vst.idx.msk $0xffff, v0  }
0x11f: {  	[hbm4b:s7+s4] =	stream.linear.scatter [tilespmem:s14], [sflag:$0x2], $0x400, $0x38;
	[tilespmem:$0x2A80] =	vst v63  }
0x120: {  	s17 =	sadd.s32 $0x1, s17;
	_ =	swait.ge [sflag:s16], $0x400  }
0x121: {  	p0 =	sne.s32 s17, s9;
	[sflag:s16] =	ssyncset.done $0x0  }
.Ltmp1:
0x122: {  	[sflag:s16] =	ssyncadd.s32 $0xFFFFFC00;
	(pc) =	sbr.rel @p0 .LBB2_1-.Ltmp1, $4  }
0x123: {  	[hbm4b:s8+s4] =	stream.linear.scatter [tilespmem:s15], [sflag:$0x2], $0x40, $0x38;
	[tilespmem:$0x2A80] =	vst v63  }
0x124: {  	_ =	swait.ge [sflag:s16], $0x40  }
0x125: {  	[sflag:s16] =	ssyncset.done $0x0  }
0x126: {  	[sflag:s16] =	ssyncadd.s32 $0xFFFFFFC0  }
0x127: {  	_ =	sfence.sel $0x180000  }
0x128: {  	[bflag:$0x0] =	sbarrier.arrive $0xFFFF  }
0x129: {  	p0 =	sne.s32 s3, $0x0;
	_ =	strace $0x9000004A  }
0x12a: {  	s0 =	sadd.s32 @!p0 $0x100000, s0;
	[bflag:$0x2] =	sbarrier.arrive $0xFFFF  }
0x12b: {  	[sflag:s0] =	ssyncadd.tile.s32 @!p0 $0x1;
	_ =	shalt  }
.Lfunc_end2:
_tile_overlayer_lowered:
.L_overlay_start_2:
0x12c: {  	(tag) =	ssettag $0x2  }
0x12d: {  	s0 =	rddreg [dreg:$0x0];
	s2 =	stileid.u32  }
0x12e: {  	s1 =	rddreg [dreg:$0x1];
	p0 =	sne.s32 s2, $0x0  }
0x12f: {  	s3 =	rddreg [dreg:$0x2];
	[bflag:$0x3] =	sbarrier.arrive $0xFFFF;
	s2 =	simm.s32 @!p0 $0x1C02  }
0x130: {  	[timem:s3], [sflag:s2] =	dma.local @!p0 [hbm:s0], s1  }
0x131: {  	s0 =	simm.s32 @!p0 $0x2  }
0x132: {  	_ =	swait.ge @!p0 [sflag:s0], s1  }
0x133: {  	s1 =	ssub.s32 @!p0 $0x0, s1;
	[sflag:s0] =	ssyncset.done @!p0 $0x0  }
0x134: {  	[sflag:s0] =	ssyncadd.s32 @!p0 s1  }
0x135: {  	[bflag:$0x3] =	sbarrier.arrive $0xFFFF  }
0x136: {  	_ =	shalt  }

// kernel: kernel.9.cloned.1.call-start
scs
__scs_entry_jumppad:
0x0: {  	(pc) =	sbr.rel $0x88, $3  }
0x1: {  	(tag) =	ssettag $0x0;
	lr =	simm.s32 $0x1  }
0x2: {  	[smem:$0x3F9C] =	sst lr;
	_ =	strace $0xD0000000  }
0x3: {  	_ = 	snop  }
0x4: {  	_ = 	snop  }
0x5: {  	_ = 	snop  }
0x6: {  	_ = 	snop  }
0x7: {  	_ = 	snop  }
__scs_overlays_trampoline_lowered:
0x8: {  	[smem:$0x3FAB] =	sst s0  }
0x9: {  	[smem:$0x3FAC] =	sst s1  }
0xa: {  	[smem:$0x3FAD] =	sst s2  }
0xb: {  	[smem:$0x3FAE] =	sst s3  }
0xc: {  	[smem:$0x3FAF] =	sst s4  }
0xd: {  	[smem:$0x3FB0] =	sst s5  }
0xe: {  	[smem:$0x3FB1] =	sst s6  }
0xf: {  	[smem:$0x3FB2] =	sst s7  }
0x10: {  	[smem:$0x3FB3] =	sst s8  }
0x11: {  	[smem:$0x3FB4] =	sst s9;
	s0 =	simm.s32 @!p0 $0x0  }
0x12: {  	s1 =	sld [smem:$0x3F9A];
	s0 =	simm.s32 @p0 $0x1  }
0x13: {  	[smem:$0x3FB5] =	sst s0;
	s0 =	simm.s32 @!p1 $0x0  }
0x14: {  	s2 =	sld [smem:$0x3F99];
	s0 =	simm.s32 @p1 $0x1  }
0x15: {  	[smem:$0x3FB6] =	sst s0;
	s0 =	simm.s32 @!p2 $0x0  }
0x16: {  	s3 =	sld [smem:$0x3FDB];
	s0 =	simm.s32 @p2 $0x1  }
0x17: {  	s4 =	simm.s32 $0x1BF5;
	[smem:$0x3FB8] =	sst s0  }
0x18: {  	s0 =	sld [smem:$0x3F9B];
	_ =	swait.ge [sflag:s4], $0x0  }
0x19: {  	s7 =	sld [smem:$0x3F9C]  }
0x1a: {  	s8 =	sadd.s32 $0xFFFFE003, lr  }
0x1b: {  	s9 =	sadd.s32 $0xFFFFFEF7, lr;
	s5 =	simm.s32 $0xFFFFFFFF;
	p2 =	slt.u32 s8, $0xFFFFF086  }
0x1c: {  	p1 =	slt.u32 s9, $0xF7A;
	s5 =	simm.s32 @!p2 $0x0  }
0x1d: {  	s5 =	simm.s32 @p1 $0x1;
	p0 =	seq.s32 s7, s2  }
0x1e: {  	s7 =	smul.u32 @!p0 $0xF7A, s2;
	p2 =	seq.s32 @!p0 s5, $0x0  }
0x1f: {  	s9 =	smul.u32 $0xF7A, s1;
	s8 =	simm.s32 @!p0 $0x1BF5;
	p2 =	por !p2, p0  }
0x20: {  	[sflag:s8] =	ssyncset.s32 @!p0 $0xFFFFF086;
	s6 =	sadd.s32 @!p0 s3, s7;
	s7 =	simm.s32 @!p0 $0x108  }
0x21: {  	s3 =	sadd.s32 s3, s9;
	s6 =	sadd.s32 @!p0 $0x88, s6;
	s7 =	simm.s32 @p2 $0x1082  }
0x22: {  	[simem:s7], [sflag:s8] =	dma.local @!p0 [hbm:s6], $0xF7A  }
0x23: {  	s9 =	sor.u32 $0xD0000000, s2;
	s6 =	simm.s32 $0x108;
	_ =	swait.ge @!p0 [sflag:s8], $0x0  }
0x24: {  	s3 =	sadd.s32 $0x88, s3;
	s6 =	simm.s32 @!p1 $0x1082;
	[sflag:s4] =	ssyncset.s32 $0xFFFFF086  }
0x25: {  	[simem:s6], [sflag:s4] =	dma.local [hbm:s3], $0xF7A  }
0x26: {  	[smem:$0x3F9C] =	sst s1;
	(tag) =	ssettag s2;
	_ =	strace s9  }
0x27: {  	s1 =	sld [smem:$0x3FAC]  }
0x28: {  	s2 =	sld [smem:$0x3FAD]  }
0x29: {  	s4 =	sld [smem:$0x3FAF]  }
0x2a: {  	p0 =	seq.s32 s5, $0x0;
	s5 =	sld [smem:$0x3FB0]  }
0x2b: {  	s6 =	sld [smem:$0x3FB1]  }
0x2c: {  	s7 =	sld [smem:$0x3FB2]  }
0x2d: {  	s3 =	simm.s32 $0x108;
	s8 =	sld [smem:$0x3FB3]  }
0x2e: {  	s3 =	simm.s32 @!p0 $0x1082;
	s9 =	sld [smem:$0x3FB4]  }
0x2f: {  	lr =	sadd.s32 s0, s3;
	s0 =	sld [smem:$0x3FAB]  }
0x30: {  	s3 =	sld [smem:$0x3FAE]  }
0x31: {  	[smem:$0x3FB7] =	sst s10  }
0x32: {  	s10 =	sld [smem:$0x3FB5];
	_ =	sdelay $0x3  }
0x33: {  	p0 =	seq.s32 s10, $0x1;
	s10 =	sld [smem:$0x3FB7];
	_ =	sdelay $0x3  }
0x34: {  	[smem:$0x3FB7] =	sst s10  }
0x35: {  	s10 =	sld [smem:$0x3FB6];
	_ =	sdelay $0x3  }
0x36: {  	p1 =	seq.s32 s10, $0x1;
	s10 =	sld [smem:$0x3FB7];
	_ =	sdelay $0x3  }
0x37: {  	[smem:$0x3FB7] =	sst s10  }
0x38: {  	s10 =	sld [smem:$0x3FB8]  }
0x39: {  	_ = 	snop;
	(pc) =	sbr.ind lr, $3  }
0x3a: {  	_ = 	snop  }
0x3b: {  	_ = 	snop  }
0x3c: {  	p2 =	seq.s32 s10, $0x1;
	s10 =	sld [smem:$0x3FB7]  }
0x3d: {  	_ =	shalt  }
0x3e: {  	_ =	shalt  }
0x3f: {  	_ =	shalt  }
0x40: {  	_ =	shalt  }
0x41: {  	_ =	shalt  }
0x42: {  	_ =	shalt  }
0x43: {  	_ =	shalt  }
0x44: {  	_ =	shalt  }
0x45: {  	_ =	shalt  }
0x46: {  	_ =	shalt  }
0x47: {  	_ =	shalt  }
0x48: {  	_ =	shalt  }
0x49: {  	_ =	shalt  }
0x4a: {  	_ =	shalt  }
0x4b: {  	_ =	shalt  }
0x4c: {  	_ =	shalt  }
0x4d: {  	_ =	shalt  }
0x4e: {  	_ =	shalt  }
0x4f: {  	_ =	shalt  }
0x50: {  	_ =	shalt  }
0x51: {  	_ =	shalt  }
0x52: {  	_ =	shalt  }
0x53: {  	_ =	shalt  }
0x54: {  	_ =	shalt  }
0x55: {  	_ =	shalt  }
0x56: {  	_ =	shalt  }
0x57: {  	_ =	shalt  }
0x58: {  	_ =	shalt  }
0x59: {  	_ =	shalt  }
0x5a: {  	_ =	shalt  }
0x5b: {  	_ =	shalt  }
0x5c: {  	_ =	shalt  }
0x5d: {  	_ =	shalt  }
0x5e: {  	_ =	shalt  }
0x5f: {  	_ =	shalt  }
0x60: {  	_ =	shalt  }
0x61: {  	_ =	shalt  }
0x62: {  	_ =	shalt  }
0x63: {  	_ =	shalt  }
0x64: {  	_ =	shalt  }
0x65: {  	_ =	shalt  }
0x66: {  	_ =	shalt  }
0x67: {  	_ =	shalt  }
0x68: {  	_ =	shalt  }
0x69: {  	_ =	shalt  }
0x6a: {  	_ =	shalt  }
0x6b: {  	_ =	shalt  }
0x6c: {  	_ =	shalt  }
0x6d: {  	_ =	shalt  }
0x6e: {  	_ =	shalt  }
0x6f: {  	_ =	shalt  }
0x70: {  	_ =	shalt  }
0x71: {  	_ =	shalt  }
0x72: {  	_ =	shalt  }
0x73: {  	_ =	shalt  }
0x74: {  	_ =	shalt  }
0x75: {  	_ =	shalt  }
0x76: {  	_ =	shalt  }
0x77: {  	_ =	shalt  }
0x78: {  	_ =	shalt  }
0x79: {  	_ =	shalt  }
0x7a: {  	_ =	shalt  }
0x7b: {  	_ =	shalt  }
0x7c: {  	_ =	shalt  }
0x7d: {  	_ =	shalt  }
0x7e: {  	_ =	shalt  }
0x7f: {  	_ =	shalt  }
0x80: {  	_ =	shalt  }
0x81: {  	_ =	shalt  }
0x82: {  	_ =	shalt  }
0x83: {  	_ =	shalt  }
0x84: {  	_ =	shalt  }
0x85: {  	_ =	shalt  }
0x86: {  	_ =	shalt  }
0x87: {  	_ =	shalt  }
.Lfunc_end0:
.L_simem_size_0:
called_computation.1_lowered:
.L_overlay_start_0:
0x88: {  	s2 =	sld [smem:$0x3FD9]  }
0x89: {  	s3 =	sld [smem:$0x3FFE];
	_ =	sdelay $0x1  }
0x8a: {  	s1 =	srdreg.scid  }
0x8b: {  	s0 =	sand.u32 $0x1, s1  }
0x8c: {  	s14 =	sshll.u32 s0, $0xA;
	s2 =	sadd.s32 s3, s2  }
0x8d: {  	s2 =	sadd.s32 s2, s14  }
0x8e: {  	[smem:$0x3FC3] =	sst s2  }
0x8f: {  	_ = 	snop  }
0x90: {  	s2 =	sld [smem:$0x3FD0];
	_ =	sdelay $0x2  }
0x91: {  	s4 =	simm.s32 $0xB;
	s5 =	simm.s32 $0x10;
	s15 =	sld [smem:$0x3FC5]  }
0x92: {  	[smem:s5], [sflag:s4] =	dma.local [hbm:s2], $0x1  }
0x93: {  	_ =	swait.eq [sflag:s4], $0x1  }
0x94: {  	[sflag:s4] =	ssyncset.done $0x0  }
0x95: {  	s16 =	sld [smem:$0x10];
	[sflag:s4] =	ssyncadd.s32 $0xFFFFFFFF  }
0x96: {  	s17 =	sld [smem:$0x11];
	(tm) =	ssettm $0x1  }
0x97: {  	s18 =	sld [smem:$0x3FFB];
	_ =	sdelay $0x3  }
0x98: {  	_ =	strace s18  }
0x99: {  	s5 =	sld [smem:$0x3FFC];
	_ =	sdelay $0x3  }
0x9a: {  	_ =	strace s5  }
0x9b: {  	s5 =	sld [smem:$0x3FFD];
	_ =	sdelay $0x3  }
0x9c: {  	_ =	strace s5  }
0x9d: {  	_ =	strace $0x8FFFFFFF  }
0x9e: {  	s19 =	sld [smem:$0x3FDB];
	_ =	sdelay $0x1  }
0x9f: {  	s6 =	simm.s32 $_scs_section_size  }
0xa0: {  	s7 =	simm.s32 $_size__tile_overlayer_lowered;
	s8 =	simm.s32 $_tile_overlayer_lowered  }
0xa1: {  	s22 =	simm.s32 $0x1BFF;
	s21 =	sshll.u32 s8, $0x1;
	s5 =	sadd.s32 s6, s19  }
0xa2: {  	s9 =	simm.s32 $0x0;
	s20 =	sshll.u32 s7, $0x1;
	s7 =	sadd.s32 s21, s5  }
0xa3: {  	[timem:s9], [sflag:s22] =	dma.local [hbm:s7], s20  }
0xa4: {  	_ =	swait.ge [sflag:s22], s20  }
0xa5: {  	s6 =	ssub.s32 $0x0, s20;
	[sflag:s22] =	ssyncset.done $0x0  }
0xa6: {  	[sflag:s22] =	ssyncadd.s32 s6;
	_ =	sdelay $0x1  }
0xa7: {  	s23 =	simm.s32 $0x1B8B  }
0xa8: {  	_ =	swait.ge [sflag:s23], $0x1  }
0xa9: {  	[sflag:s23] =	ssyncset.done $0x0  }
0xaa: {  	s25 =	simm.s32 $0x1B8E;
	s24 =	sld [smem:$0x3FFE];
	[sflag:s23] =	ssyncadd.s32 $0xFFFFFFFF  }
0xab: {  	s26 =	simm.s32 $execute0_lowered;
	[smem:$0x3FD2] =	sst s25  }
0xac: {  	s7 =	sshll.u32 s26, $0x1;
	_ =	strace $0x80000046;
	[dreg:$0x1] =	wrdreg $0xFFFFFFFF  }
0xad: {  	s28 =	simm.s32 $_size_execute0_lowered;
	s5 =	sadd.s32 s5, s7;
	[dreg:$0x0] =	wrdreg $0x0  }
0xae: {  	s7 =	sshll.u32 s28, $0x1;
	[dreg:$0x2] =	wrdreg s5  }
0xaf: {  	[dreg:$0x3] =	wrdreg s7  }
0xb0: {  	[dreg:$0x4] =	wrdreg $0xC0  }
0xb1: {  	_ =	task [dreg:s9], $0x5FFFF  }
0xb2: {  	[dreg:$0x1] =	wrdreg $0xFFFFFFFF  }
0xb3: {  	[dreg:$0x0] =	wrdreg $0x60  }
0xb4: {  	[dreg:$0x2] =	wrdreg s16  }
0xb5: {  	[dreg:$0x3] =	wrdreg s24  }
0xb6: {  	[dreg:$0x4] =	wrdreg s15  }
0xb7: {  	[dreg:$0x5] =	wrdreg s17  }
0xb8: {  	[dreg:$0x6] =	wrdreg $0xA  }
0xb9: {  	_ =	task.clear_ibuf [dreg:s9], $0x7FFFF;
	_ =	strace $0x90000046  }
0xba: {  	s29 =	simm.s32 $0xA;
	_ =	strace $0x80000048  }
0xbb: {  	_ =	swait.ge [sflag:s29], $0x1  }
0xbc: {  	[sflag:s29] =	ssyncadd.s32 $0xFFFFFFFF  }
0xbd: {  	_ =	strace $0x90000048  }
0xbe: {  	_ =	sfence  }
0xbf: {  	s30 =	sld [smem:$0x0];
	_ =	sdelay $0x2  }
0xc0: {  	s31 =	sshll.u32 s1, $0xD;
	s1 =	sshrl.u32 s1, $0x2  }
0xc1: {  	s3 =	sand.u32 $0x4000, s31;
	s1 =	sadd.s32 s1, s30  }
0xc2: {  	s0 =	sor.u32 s3, s0;
	s1 =	sshll.u32 s1, $0x11  }
0xc3: {  	s0 =	sor.u32 s1, s0  }
0xc4: {  	s0 =	sadd.s32 $0x8F2B, s0  }
0xc5: {  	[sflag:s0] =	ssyncadd.remote.s32 $0x1  }
0xc6: {  	_ =	sfence.sel $0xFFFF  }
0xc7: {  	[dreg:$0x0] =	wrdreg $0xFFFFFFFF;
	(pc) =	sbr.abs _section_cstart, $3  }
0xc8: {  	[dreg:$0x1] =	wrdreg $0xFFFFFFFF  }
0xc9: {  	_ =	task.clear_ibuf [dreg:s9], $0x2FFFF;
	_ =	strace $0x9FFFFFFF  }
0xca: {  	(tm) =	ssettm $0x7FFFFFFF  }
0xcb: {  	_ =	shalt  }
tec
execute0_lowered:
.L_overlay_start_1:
0x0: {  	(tag) =	ssettag $0x1  }
0x1: {  	s6 =	rddreg [dreg:$0x0]  }
0x2: {  	s7 =	rddreg [dreg:$0x1]  }
0x3: {  	s1 =	rddreg [dreg:$0x2]  }
0x4: {  	s2 =	rddreg [dreg:$0x3]  }
0x5: {  	s0 =	rddreg [dreg:$0x4];
	s4 =	simm.s32 $0x0  }
0x6: {  	v1 =	vlaneseq.u32;
	s5 =	srdreg.scid;
	s3 =	stileid.u32;
	s13 =	simm.s32 $0x1  }
0x7: {  	s14 =	simm.s32 $0x2600;
	s15 =	simm.s32 $0x2A00;
	s16 =	simm.s32 $0x2;
	v11 =	vmul.u32 $0x10, v1  }
0x8: {  	s17 =	simm.s32 $0x0;
	v0 =	vand.u32 $0x7, v1;
	s8 =	sand.u32 $0x1, s5;
	s9 =	sshll.u32 s3, $0x1  }
0x9: {  	[smem:$0x7FF] =	sst s4;
	s5 =	sadd.s32 $0x1200, s7;
	v0 =	vmul.u32 $0x10, v0;
	s9 =	sor.u32 s8, s9;
	v24 =	vor.u32 $0x1, v11  }
0xa: {  	_ =	strace $0x80000047;
	s8 =	ssub.s32 $0x2, s8;
	s10 =	sshll.u32 s9, $0x7;
	v25 =	vor.u32 $0x2, v11;
	v26 =	vor.u32 $0x3, v11;
	v27 =	vor.u32 $0x4, v11  }
0xb: {  	s9 =	sshll.u32 s9, $0x3;
	s11 =	sshrl.u32 s8, $0x1;
	v28 =	vor.u32 $0x5, v11;
	v29 =	vor.u32 $0x6, v11;
	v30 =	vor.u32 $0x7, v11;
	s12 =	sadd.s32 s10, s7  }
0xc: {  	v32 =	vor.u32 $0x9, v11;
	v33 =	vor.u32 $0xA, v11;
	v22 =	vor.u32 $0xB, v11;
	s9 =	sadd.s32 s9, s7;
	s11 =	ssub.s32 s8, s11;
	s6 =	sadd.s32 s6, s10  }
0xd: {  	v31 =	vor.u32 $0x8, v11;
	v13 =	vor.u32 $0xC, v11;
	v14 =	vor.u32 $0xD, v11;
	[tilespmem:$0x1FFE0] =	vst v11;
	s10 =	simm.s32 $0x400;
	s7 =	sadd.s32 $0x1600, s12;
	s8 =	sadd.s32 $0x2600, s9  }
0xe: {  	v15 =	vor.u32 $0xE, v11;
	v16 =	vor.u32 $0xF, v11;
	v23 =	vor.u32 $0xFFFFFF80, v0;
	[tilespmem:$0x1FFF0] =	vst v13;
	s9 =	smax.u32 s11, $0x1;
	s11 =	simm.s32 $0x1580;
	s12 =	simm.s32 $0x2580  }
.LBB2_1:
0xf: {  	[tilespmem:s4], [sflag:$0x1] =	stream.linear.gather [hbm4b:s6+s4], $0x400, $0x38;
	[tilespmem:$0x2A80] =	vst v63  }
0x10: {  	_ = 	snop  }
0x11: {  	[tilespmem:s10], [sflag:$0x1] =	stream.linear.gather [hbm4b:s5+s4], $0x1180, $0x38;
	[tilespmem:$0x2A80] =	vst v63  }
0x12: {  	_ = 	snop  }
0x13: {  	[tilespmem:s11], [sflag:$0x1] =	stream.linear.gather [hbm4b:s1+s4], $0x1000, $0x38;
	[tilespmem:$0x2A80] =	vst v63  }
0x14: {  	_ = 	snop  }
0x15: {  	[tilespmem:s12], [sflag:$0x1] =	stream.linear.gather [hbm4b:s2+s4], $0x80, $0x38;
	[tilespmem:$0x2A80] =	vst v63  }
0x16: {  	_ =	swait.ge [sflag:s13], $0x400  }
0x17: {  	[sflag:s13] =	ssyncset.done $0x0  }
0x18: {  	[sflag:s13] =	ssyncadd.s32 $0xFFFFFC00  }
0x19: {  	_ =	swait.ge [sflag:s13], $0x1180  }
0x1a: {  	[sflag:s13] =	ssyncset.done $0x0  }
0x1b: {  	[sflag:s13] =	ssyncadd.s32 $0xFFFFEE80  }
0x1c: {  	_ =	swait.ge [sflag:s13], $0x1000  }
0x1d: {  	[sflag:s13] =	ssyncset.done $0x0  }
0x1e: {  	[sflag:s13] =	ssyncadd.s32 $0xFFFFF000  }
0x1f: {  	_ =	swait.ge [sflag:s13], $0x80  }
0x20: {  	[sflag:s13] =	ssyncset.done $0x0  }
0x21: {  	[sflag:s13] =	ssyncadd.s32 $0xFFFFFF80  }
0x22: {  	v18 =	vld [tilespmem:$0x2580];
	_ =	sdelay $0x4  }
0x23: {  	v0 =	vadd.s32 $0x111, v18  }
0x24: {  	v50 =	vadd.s32 $0x222, v18;
	[tilespmem:$0x1FEF0] =	vst v0  }
0x25: {  	v51 =	vadd.s32 $0x333, v18;
	[tilespmem:$0x1FF00] =	vst v50  }
0x26: {  	v52 =	vadd.s32 $0x444, v18;
	[tilespmem:$0x1FF10] =	vst v51  }
0x27: {  	v53 =	vadd.s32 $0x555, v18;
	[tilespmem:$0x1FF20] =	vst v52  }
0x28: {  	v54 =	vadd.s32 $0x666, v18;
	[tilespmem:$0x1FF30] =	vst v53  }
0x29: {  	v55 =	vadd.s32 $0x777, v18;
	[tilespmem:$0x1FF40] =	vst v54  }
0x2a: {  	v56 =	vadd.s32 $0x888, v18;
	[tilespmem:$0x1FF50] =	vst v55  }
0x2b: {  	v57 =	vadd.s32 $0x999, v18;
	[tilespmem:$0x1FF60] =	vst v56  }
0x2c: {  	v58 =	vadd.s32 $0xAAA, v18;
	[tilespmem:$0x1FF70] =	vst v57  }
0x2d: {  	v59 =	vadd.s32 $0xBBB, v18;
	[tilespmem:$0x1FF80] =	vst v58  }
0x2e: {  	v60 =	vadd.s32 $0xCCC, v18;
	[tilespmem:$0x1FF90] =	vst v59  }
0x2f: {  	v61 =	vadd.s32 $0xDDD, v18;
	[tilespmem:$0x1FFA0] =	vst v60  }
0x30: {  	v62 =	vadd.s32 $0xEEE, v18;
	[tilespmem:$0x1FFB0] =	vst v61  }
0x31: {  	v63 =	vadd.s32 $0xFFF, v18;
	[tilespmem:$0x1FFC0] =	vst v62  }
0x32: {  	s18 =	simm.s32 $0x0;
	s19 =	simm.s32 $0x0;
	[tilespmem:$0x1FFD0] =	vst v63  }
.LBB2_2:
0x33: {  	v1 =	vld [tilespmem:$0x1FEF0];
	_ =	sdelay $0x1  }
0x34: {  	v44 =	vld [tilespmem:$0x1FF00];
	_ =	sdelay $0x1  }
0x35: {  	v45 =	vld [tilespmem:$0x1FF10]  }
0x36: {  	v0 =	vld.idx.msk [tilespmem:v18+s10+$0x0], $0xffff  }
0x37: {  	v2 =	vld [tilespmem:$0x1FF20]  }
0x38: {  	v51 =	vld [tilespmem:$0x1FF30]  }
0x39: {  	v3 =	vld.idx.msk [tilespmem:v1+s10+$0x0], $0xffff  }
0x3a: {  	v52 =	vld [tilespmem:$0x1FF40]  }
0x3b: {  	v47 =	vld.idx.msk [tilespmem:v44+s10+$0x0], $0xffff  }
0x3c: {  	v53 =	vld [tilespmem:$0x1FF50]  }
0x3d: {  	v48 =	vld.idx.msk [tilespmem:v45+s10+$0x0], $0xffff  }
0x3e: {  	v54 =	vld [tilespmem:$0x1FF60];
	v46 =	vadd.f32 v3, v0  }
0x3f: {  	v49 =	vld.idx.msk [tilespmem:v2+s10+$0x0], $0xffff  }
0x40: {  	v55 =	vld [tilespmem:$0x1FF70];
	v1 =	vadd.f32 v47, v46  }
0x41: {  	v62 =	vld.idx.msk [tilespmem:v51+s10+$0x0], $0xffff  }
0x42: {  	v56 =	vld [tilespmem:$0x1FF80];
	v1 =	vadd.f32 v48, v1  }
0x43: {  	v63 =	vld.idx.msk [tilespmem:v52+s10+$0x0], $0xffff  }
0x44: {  	v57 =	vld [tilespmem:$0x1FF90];
	v1 =	vadd.f32 v49, v1  }
0x45: {  	v4 =	vld.idx.msk [tilespmem:v53+s10+$0x0], $0xffff  }
0x46: {  	v58 =	vld [tilespmem:$0x1FFA0];
	v1 =	vadd.f32 v62, v1  }
0x47: {  	v5 =	vld.idx.msk [tilespmem:v54+s10+$0x0], $0xffff  }
0x48: {  	v59 =	vld [tilespmem:$0x1FFB0];
	v1 =	vadd.f32 v63, v1  }
0x49: {  	v6 =	vld.idx.msk [tilespmem:v55+s10+$0x0], $0xffff  }
0x4a: {  	v60 =	vld [tilespmem:$0x1FFC0];
	v1 =	vadd.f32 v4, v1  }
0x4b: {  	v7 =	vld.idx.msk [tilespmem:v56+s10+$0x0], $0xffff  }
0x4c: {  	v61 =	vld [tilespmem:$0x1FFD0];
	v1 =	vadd.f32 v5, v1  }
0x4d: {  	v8 =	vld.idx.msk [tilespmem:v57+s10+$0x0], $0xffff  }
0x4e: {  	v1 =	vadd.f32 v6, v1  }
0x4f: {  	v9 =	vld.idx.msk [tilespmem:v58+s10+$0x0], $0xffff  }
0x50: {  	v1 =	vadd.f32 v7, v1  }
0x51: {  	v10 =	vld.idx.msk [tilespmem:v59+s10+$0x0], $0xffff  }
0x52: {  	v1 =	vadd.f32 v8, v1  }
0x53: {  	v42 =	vor.u32 s19, v26;
	v2 =	vld.idx.msk [tilespmem:v60+s10+$0x0], $0xffff  }
0x54: {  	v43 =	vor.u32 s19, v25;
	v34 =	vadd.f32 v9, v1  }
0x55: {  	v41 =	vor.u32 s19, v27;
	v1 =	vld.idx.msk [tilespmem:v61+s10+$0x0], $0xffff  }
0x56: {  	v40 =	vor.u32 s19, v28;
	v34 =	vadd.f32 v10, v34  }
0x57: {  	v38 =	vor.u32 s19, v30;
	v35 =	vor.u32 s19, v11  }
0x58: {  	v45 =	vand.u32 v23, v35;
	v51 =	vld.idx.msk [tilespmem:v42+s4+$0x0], $0xffff;
	v34 =	vadd.f32 v2, v34  }
0x59: {  	v12 =	vor.u32 s19, v33;
	v50 =	vld.idx.msk [tilespmem:v43+s4+$0x0], $0xffff  }
0x5a: {  	v17 =	vor.u32 s19, v22;
	v52 =	vld.idx.msk [tilespmem:v41+s4+$0x0], $0xffff;
	v34 =	vadd.f32 v1, v34  }
0x5b: {  	v44 =	vor.u32 s19, v24;
	v54 =	vld.idx.msk [tilespmem:v40+s4+$0x0], $0xffff  }
0x5c: {  	v60 =	vld.idx.msk [tilespmem:v38+s4+$0x0], $0xffff;
	(erf) = vrcp.f32 v34  }
0x5d: {  	v39 =	vor.u32 s19, v29;
	v36 =	vld.idx.msk [tilespmem:v45+s4+$0x0], $0xffff;
	v35 =	vmax.f32 v51, $1.000000000e-30  }
0x5e: {  	v11 =	vor.u32 s19, v32;
	v59 =	vmin.f32 v35, $1.000000000e+00;
	v35 =	vld.idx.msk [tilespmem:v12+s4+$0x0], $0xffff  }
0x5f: {  	v37 =	vor.u32 s19, v31;
	[tilespmem:$0x1FED0] =	vst v12;
	v12 =	vld.idx.msk [tilespmem:v17+s4+$0x0], $0xffff  }
0x60: {  	v46 =	vld.idx.msk [tilespmem:v44+s4+$0x0], $0xffff;
	_ =	sdelay $0x1  }
0x61: {  	v58 =	vld.idx.msk [tilespmem:v39+s4+$0x0], $0xffff;
	v54 =	vmax.f32 v54, $1.000000000e-30;
	v53 =	vmax.f32 v36, $1.000000000e-30;
	v36 =	vmax.f32 v52, $1.000000000e-30  }
0x62: {  	v51 =	vmin.f32 v54, $1.000000000e+00;
	v55 =	vmin.f32 v53, $1.000000000e+00;
	v53 =	vmin.f32 v36, $1.000000000e+00;
	v61 =	vld.idx.msk [tilespmem:v11+s4+$0x0], $0xffff  }
0x63: {  	v36 =	vmax.f32 v60, $1.000000000e-30;
	v54 =	vmax.f32 v35, $1.000000000e-30;
	v34 =	vmax.f32 v50, $1.000000000e-30;
	v50 =	vld.idx.msk [tilespmem:v37+s4+$0x0], $0xffff  }
0x64: {  	[tilespmem:$0x1FEC0] =	vst v11;
	v12 =	vmax.f32 v12, $1.000000000e-30;
	v46 =	vmax.f32 v46, $1.000000000e-30;
	v60 =	vmin.f32 v36, $1.000000000e+00;
	v11 =	vpop (erf)  }
0x65: {  	v56 =	vmin.f32 v46, $1.000000000e+00;
	v0 =	vmul.f32 v11, v0;
	v3 =	vmul.f32 v11, v3  }
0x66: {  	v46 =	vor.u32 s19, v13;
	v57 =	vmin.f32 v34, $1.000000000e+00;
	v47 =	vmul.f32 v11, v47  }
0x67: {  	v34 =	vmax.f32 v58, $1.000000000e-30;
	v0 =	vmul.f32 v0, v55;
	v3 =	vmul.f32 v3, v56  }
0x68: {  	v61 =	vmax.f32 v61, $1.000000000e-30;
	v52 =	vmin.f32 v34, $1.000000000e+00;
	v50 =	vmax.f32 v50, $1.000000000e-30  }
0x69: {  	v48 =	vmul.f32 v11, v48;
	v47 =	vmul.f32 v47, v57;
	vm0 =	vgt.f32 v3, v0  }
0x6a: {  	v58 =	vmin.f32 v50, $1.000000000e+00;
	v50 =	vmin.f32 v61, $1.000000000e+00;
	v0 =	vsel vm0, v3, v0  }
0x6b: {  	v49 =	vmul.f32 v11, v49;
	v48 =	vmul.f32 v48, v59;
	vm1 =	vgt.f32 v47, v0  }
0x6c: {  	v61 =	vmin.f32 v54, $1.000000000e+00;
	v54 =	vmin.f32 v12, $1.000000000e+00;
	v0 =	vsel vm1, v47, v0  }
0x6d: {  	v34 =	vmul.f32 v11, v62;
	v12 =	vmul.f32 v49, v53;
	vm2 =	vgt.f32 v48, v0  }
0x6e: {  	v36 =	vmul.f32 v11, v63;
	v4 =	vmul.f32 v11, v4;
	v0 =	vsel vm2, v48, v0  }
0x6f: {  	v5 =	vmul.f32 v11, v5;
	v49 =	vmul.f32 v34, v51;
	vm10 =	vgt.f32 v12, v0  }
0x70: {  	v6 =	vmul.f32 v11, v6;
	v7 =	vmul.f32 v11, v7;
	v0 =	vsel vm10, v12, v0  }
0x71: {  	v2 =	vmul.f32 v11, v2;
	v3 =	vld.idx.msk [tilespmem:v46+s4+$0x0], $0xffff;
	v12 =	vmul.f32 v36, v52;
	vm11 =	vgt.f32 v49, v0  }
0x72: {  	v1 =	vmul.f32 v11, v1;
	v47 =	vor.u32 s19, v14;
	v0 =	vsel vm11, v49, v0  }
0x73: {  	v4 =	vmul.f32 v4, v60;
	v5 =	vmul.f32 v5, v58;
	vm12 =	vgt.f32 v12, v0  }
0x74: {  	v6 =	vmul.f32 v6, v50;
	v35 =	vsel vm0, $0x1, v18;
	v0 =	vsel vm12, v12, v0  }
0x75: {  	v62 =	vsel vm1, $0x2, v35;
	v48 =	vor.u32 s19, v15;
	vm13 =	vgt.f32 v4, v0  }
0x76: {  	v3 =	vmax.f32 v3, $1.000000000e-30;
	v49 =	vor.u32 s19, v16;
	v0 =	vsel vm13, v4, v0  }
0x77: {  	v34 =	vsel vm2, $0x3, v62;
	v62 =	vmin.f32 v3, $1.000000000e+00;
	v13 =	vld.idx.msk [tilespmem:v47+s4+$0x0], $0xffff;
	vm14 =	vgt.f32 v5, v0  }
0x78: {  	v35 =	vsel vm10, $0x4, v34;
	v36 =	vmul.f32 v7, v61;
	v0 =	vsel vm14, v5, v0  }
0x79: {  	v34 =	vmul.f32 v11, v8;
	v8 =	vmul.f32 v11, v9;
	vm15 =	vgt.f32 v6, v0  }
0x7a: {  	v9 =	vmul.f32 v11, v10;
	v3 =	vsel vm11, $0x5, v35;
	v4 =	vld.idx.msk [tilespmem:v48+s4+$0x0], $0xffff;
	v0 =	vsel vm15, v6, v0  }
0x7b: {  	v7 =	vmul.f32 v34, v54;
	v8 =	vmul.f32 v8, v62;
	v35 =	vld.idx.msk [tilespmem:v49+s4+$0x0], $0xffff;
	vm4 =	vgt.f32 v36, v0  }
0x7c: {  	v3 =	vsel vm12, $0x6, v3;
	v12 =	vmax.f32 v13, $1.000000000e-30;
	v5 =	vsel vm4, v36, v0  }
0x7d: {  	v3 =	vsel vm13, $0x7, v3;
	v63 =	vmin.f32 v12, $1.000000000e+00;
	vm5 =	vgt.f32 v7, v5  }
0x7e: {  	v3 =	vsel vm14, $0x8, v3;
	v34 =	vmul.f32 v9, v63;
	v36 =	vsel vm5, v7, v5  }
0x7f: {  	v3 =	vsel vm15, $0x9, v3;
	v4 =	vmax.f32 v4, $1.000000000e-30;
	vm6 =	vgt.f32 v8, v36  }
0x80: {  	v0 =	vmin.f32 v4, $1.000000000e+00;
	v6 =	vmax.f32 v35, $1.000000000e-30;
	v4 =	vsel vm6, v8, v36  }
0x81: {  	v35 =	vsel vm4, $0xA, v3;
	v2 =	vmul.f32 v2, v0;
	vm7 =	vgt.f32 v34, v4  }
0x82: {  	v3 =	vmin.f32 v6, $1.000000000e+00;
	v36 =	vsel vm5, $0xB, v35;
	v4 =	vsel vm7, v34, v4  }
0x83: {  	v1 =	vmul.f32 v1, v3;
	v34 =	vsel vm6, $0xC, v36;
	vm8 =	vgt.f32 v2, v4  }
0x84: {  	v5 =	vsel vm7, $0xD, v34;
	v2 =	vsel vm8, v2, v4  }
0x85: {  	v35 =	vsel vm8, $0xE, v5;
	vm9 =	vgt.f32 v1, v2  }
0x86: {  	v2 =	vsel vm9, $0xF, v35  }
0x87: {  	v36 =	vadd.s32 $0x1, v2  }
0x88: {  	v4 =	vadd.s32 $0x112, v2;
	_ =	sdelay $0x1  }
0x89: {  	v34 =	vadd.s32 $0x223, v2;
	_ =	sdelay $0x1  }
0x8a: {  	v35 =	vadd.s32 $0x334, v2;
	v1 =	vld.idx.msk [tilespmem:v36+s10+$0x0], $0xffff  }
0x8b: {  	v4 =	vld.idx.msk [tilespmem:v4+s10+$0x0], $0xffff  }
0x8c: {  	v36 =	vadd.s32 $0x445, v2  }
0x8d: {  	v5 =	vld.idx.msk [tilespmem:v34+s10+$0x0], $0xffff  }
0x8e: {  	v8 =	vadd.s32 $0x556, v2  }
0x8f: {  	v6 =	vld.idx.msk [tilespmem:v35+s10+$0x0], $0xffff  }
0x90: {  	v9 =	vadd.s32 $0x667, v2;
	v10 =	vadd.f32 v4, v1  }
0x91: {  	v7 =	vld.idx.msk [tilespmem:v36+s10+$0x0], $0xffff  }
0x92: {  	v11 =	vadd.s32 $0x778, v2;
	v10 =	vadd.f32 v5, v10  }
0x93: {  	v8 =	vld.idx.msk [tilespmem:v8+s10+$0x0], $0xffff  }
0x94: {  	v12 =	vadd.s32 $0x889, v2;
	v10 =	vadd.f32 v6, v10  }
0x95: {  	v9 =	vld.idx.msk [tilespmem:v9+s10+$0x0], $0xffff  }
0x96: {  	v13 =	vadd.s32 $0x99A, v2;
	v10 =	vadd.f32 v7, v10  }
0x97: {  	v11 =	vld.idx.msk [tilespmem:v11+s10+$0x0], $0xffff  }
0x98: {  	v36 =	vmov v14;
	v14 =	vadd.s32 $0xAAB, v2;
	v10 =	vadd.f32 v8, v10  }
0x99: {  	v12 =	vld.idx.msk [tilespmem:v12+s10+$0x0], $0xffff  }
0x9a: {  	v35 =	vmov v15;
	v15 =	vadd.s32 $0xBBC, v2;
	v10 =	vadd.f32 v9, v10  }
0x9b: {  	v13 =	vld.idx.msk [tilespmem:v13+s10+$0x0], $0xffff  }
0x9c: {  	v34 =	vmov v16;
	v16 =	vadd.s32 $0xCCD, v2;
	v10 =	vadd.f32 v11, v10  }
0x9d: {  	v14 =	vld.idx.msk [tilespmem:v14+s10+$0x0], $0xffff  }
0x9e: {  	[tilespmem:$0x1FEE0] =	vst v17;
	v17 =	vadd.s32 $0xDDE, v2;
	v10 =	vadd.f32 v12, v10  }
0x9f: {  	v15 =	vld.idx.msk [tilespmem:v15+s10+$0x0], $0xffff  }
0xa0: {  	v19 =	vadd.s32 $0xEEF, v2;
	v10 =	vadd.f32 v13, v10  }
0xa1: {  	v16 =	vld.idx.msk [tilespmem:v16+s10+$0x0], $0xffff  }
0xa2: {  	v20 =	vadd.s32 $0x1000, v2;
	v10 =	vadd.f32 v14, v10  }
0xa3: {  	v17 =	vld.idx.msk [tilespmem:v17+s10+$0x0], $0xffff  }
0xa4: {  	v10 =	vadd.f32 v15, v10  }
0xa5: {  	v19 =	vld.idx.msk [tilespmem:v19+s10+$0x0], $0xffff  }
0xa6: {  	v10 =	vadd.f32 v16, v10  }
0xa7: {  	v20 =	vld.idx.msk [tilespmem:v20+s10+$0x0], $0xffff  }
0xa8: {  	v10 =	vadd.f32 v17, v10;
	_ =	sdelay $0x1  }
0xa9: {  	v10 =	vadd.f32 v19, v10;
	_ =	sdelay $0x1  }
0xaa: {  	v10 =	vadd.f32 v20, v10;
	_ =	sdelay $0x1  }
0xab: {  	(erf) = vrcp.f32 v10;
	_ =	sdelay $0x8  }
0xac: {  	v10 =	vpop (erf)  }
0xad: {  	v1 =	vmul.f32 v10, v1;
	v4 =	vmul.f32 v10, v4  }
0xae: {  	v5 =	vmul.f32 v10, v5  }
0xaf: {  	v1 =	vmul.f32 v1, v55;
	v4 =	vmul.f32 v4, v56;
	_ =	sdelay $0x1  }
0xb0: {  	v6 =	vmul.f32 v10, v6;
	v5 =	vmul.f32 v5, v57;
	vm10 =	vgt.f32 v4, v1  }
0xb1: {  	v1 =	vsel vm10, v4, v1  }
0xb2: {  	v4 =	vmul.f32 v6, v59;
	v6 =	vmul.f32 v10, v7;
	vm11 =	vgt.f32 v5, v1  }
0xb3: {  	v1 =	vsel vm11, v5, v1  }
0xb4: {  	v5 =	vmul.f32 v6, v53;
	v6 =	vmul.f32 v10, v8;
	vm12 =	vgt.f32 v4, v1  }
0xb5: {  	v7 =	vsel vm10, $0x1, v18;
	v1 =	vsel vm12, v4, v1  }
0xb6: {  	v4 =	vmul.f32 v6, v51;
	v6 =	vmul.f32 v10, v9;
	vm13 =	vgt.f32 v5, v1  }
0xb7: {  	v7 =	vsel vm11, $0x2, v7;
	v1 =	vsel vm13, v5, v1  }
0xb8: {  	v5 =	vmul.f32 v6, v52;
	v6 =	vmul.f32 v10, v11;
	vm14 =	vgt.f32 v4, v1  }
0xb9: {  	v7 =	vsel vm12, $0x3, v7;
	v1 =	vsel vm14, v4, v1  }
0xba: {  	v4 =	vmul.f32 v6, v60;
	v6 =	vmul.f32 v10, v12;
	vm15 =	vgt.f32 v5, v1  }
0xbb: {  	v7 =	vsel vm13, $0x4, v7;
	v1 =	vsel vm15, v5, v1  }
0xbc: {  	v5 =	vmul.f32 v6, v58;
	v6 =	vmul.f32 v10, v13;
	vm4 =	vgt.f32 v4, v1  }
0xbd: {  	v7 =	vsel vm14, $0x5, v7;
	v1 =	vsel vm4, v4, v1  }
0xbe: {  	v4 =	vmul.f32 v6, v50;
	v6 =	vmul.f32 v10, v14;
	vm5 =	vgt.f32 v5, v1  }
0xbf: {  	v7 =	vsel vm15, $0x6, v7;
	v1 =	vsel vm5, v5, v1  }
0xc0: {  	v5 =	vmul.f32 v6, v61;
	v6 =	vmul.f32 v10, v15;
	vm6 =	vgt.f32 v4, v1  }
0xc1: {  	v7 =	vsel vm4, $0x7, v7;
	v1 =	vsel vm6, v4, v1  }
0xc2: {  	v4 =	vmul.f32 v6, v54;
	v6 =	vmul.f32 v10, v16;
	vm7 =	vgt.f32 v5, v1  }
0xc3: {  	v7 =	vsel vm5, $0x8, v7;
	v1 =	vsel vm7, v5, v1  }
0xc4: {  	v5 =	vmul.f32 v6, v62;
	v6 =	vmul.f32 v10, v17;
	vm8 =	vgt.f32 v4, v1  }
0xc5: {  	v7 =	vsel vm6, $0x9, v7;
	v1 =	vsel vm8, v4, v1  }
0xc6: {  	v4 =	vmul.f32 v6, v63;
	v6 =	vmul.f32 v10, v19;
	vm9 =	vgt.f32 v5, v1  }
0xc7: {  	v7 =	vsel vm7, $0xA, v7;
	v1 =	vsel vm9, v5, v1  }
0xc8: {  	v5 =	vmul.f32 v6, v0;
	v6 =	vmul.f32 v10, v20;
	vm10 =	vgt.f32 v4, v1  }
0xc9: {  	v7 =	vsel vm8, $0xB, v7;
	v1 =	vsel vm10, v4, v1  }
0xca: {  	v4 =	vsel vm9, $0xC, v7;
	v6 =	vmul.f32 v6, v3;
	vm11 =	vgt.f32 v5, v1  }
0xcb: {  	v4 =	vsel vm10, $0xD, v4;
	v1 =	vsel vm11, v5, v1  }
0xcc: {  	v4 =	vsel vm11, $0xE, v4;
	vm12 =	vgt.f32 v6, v1  }
0xcd: {  	v1 =	vsel vm12, $0xF, v4;
	v4 =	vshll.u32 v2, $0x4  }
0xce: {  	v4 =	vadd.s32 v1, v4  }
0xcf: {  	v4 =	vadd.s32 $0x11, v4  }
0xd0: {  	v5 =	vadd.s32 $0x111, v4;
	_ =	sdelay $0x1  }
0xd1: {  	v6 =	vadd.s32 $0x222, v4;
	_ =	sdelay $0x1  }
0xd2: {  	v8 =	vadd.s32 $0x333, v4;
	v7 =	vld.idx.msk [tilespmem:v4+s10+$0x0], $0xffff  }
0xd3: {  	v5 =	vld.idx.msk [tilespmem:v5+s10+$0x0], $0xffff  }
0xd4: {  	v9 =	vadd.s32 $0x444, v4  }
0xd5: {  	v6 =	vld.idx.msk [tilespmem:v6+s10+$0x0], $0xffff  }
0xd6: {  	v10 =	vadd.s32 $0x555, v4  }
0xd7: {  	v8 =	vld.idx.msk [tilespmem:v8+s10+$0x0], $0xffff  }
0xd8: {  	v11 =	vadd.s32 $0x666, v4;
	v12 =	vadd.f32 v5, v7  }
0xd9: {  	v9 =	vld.idx.msk [tilespmem:v9+s10+$0x0], $0xffff  }
0xda: {  	v13 =	vadd.s32 $0x777, v4;
	v12 =	vadd.f32 v6, v12  }
0xdb: {  	v10 =	vld.idx.msk [tilespmem:v10+s10+$0x0], $0xffff  }
0xdc: {  	v14 =	vadd.s32 $0x888, v4;
	v12 =	vadd.f32 v8, v12  }
0xdd: {  	v11 =	vld.idx.msk [tilespmem:v11+s10+$0x0], $0xffff  }
0xde: {  	v15 =	vadd.s32 $0x999, v4;
	v12 =	vadd.f32 v9, v12  }
0xdf: {  	v13 =	vld.idx.msk [tilespmem:v13+s10+$0x0], $0xffff  }
0xe0: {  	v16 =	vadd.s32 $0xAAA, v4;
	v12 =	vadd.f32 v10, v12  }
0xe1: {  	v14 =	vld.idx.msk [tilespmem:v14+s10+$0x0], $0xffff  }
0xe2: {  	v17 =	vadd.s32 $0xBBB, v4;
	v12 =	vadd.f32 v11, v12  }
0xe3: {  	v15 =	vld.idx.msk [tilespmem:v15+s10+$0x0], $0xffff  }
0xe4: {  	v19 =	vadd.s32 $0xCCC, v4;
	v12 =	vadd.f32 v13, v12  }
0xe5: {  	v16 =	vld.idx.msk [tilespmem:v16+s10+$0x0], $0xffff  }
0xe6: {  	v20 =	vadd.s32 $0xDDD, v4;
	v12 =	vadd.f32 v14, v12  }
0xe7: {  	v17 =	vld.idx.msk [tilespmem:v17+s10+$0x0], $0xffff  }
0xe8: {  	v21 =	vadd.s32 $0xEEE, v4;
	v12 =	vadd.f32 v15, v12  }
0xe9: {  	v19 =	vld.idx.msk [tilespmem:v19+s10+$0x0], $0xffff  }
0xea: {  	v4 =	vadd.s32 $0xFFF, v4;
	v12 =	vadd.f32 v16, v12  }
0xeb: {  	v20 =	vld.idx.msk [tilespmem:v20+s10+$0x0], $0xffff  }
0xec: {  	v12 =	vadd.f32 v17, v12  }
0xed: {  	v21 =	vld.idx.msk [tilespmem:v21+s10+$0x0], $0xffff  }
0xee: {  	v12 =	vadd.f32 v19, v12  }
0xef: {  	v4 =	vld.idx.msk [tilespmem:v4+s10+$0x0], $0xffff  }
0xf0: {  	v12 =	vadd.f32 v20, v12;
	_ =	sdelay $0x1  }
0xf1: {  	v12 =	vadd.f32 v21, v12;
	_ =	sdelay $0x1  }
0xf2: {  	v12 =	vadd.f32 v4, v12;
	_ =	sdelay $0x1  }
0xf3: {  	(erf) = vrcp.f32 v12;
	_ =	sdelay $0x8  }
0xf4: {  	v12 =	vpop (erf)  }
0xf5: {  	v7 =	vmul.f32 v12, v7;
	v5 =	vmul.f32 v12, v5  }
0xf6: {  	v6 =	vmul.f32 v12, v6  }
0xf7: {  	v7 =	vmul.f32 v7, v55;
	v5 =	vmul.f32 v5, v56;
	_ =	sdelay $0x1  }
0xf8: {  	v8 =	vmul.f32 v12, v8;
	v6 =	vmul.f32 v6, v57;
	vm13 =	vgt.f32 v5, v7  }
0xf9: {  	v55 =	vsel vm13, v5, v7  }
0xfa: {  	v9 =	vmul.f32 v12, v9;
	v8 =	vmul.f32 v8, v59;
	vm14 =	vgt.f32 v6, v55  }
0xfb: {  	v55 =	vsel vm14, v6, v55  }
0xfc: {  	v10 =	vmul.f32 v12, v10;
	v9 =	vmul.f32 v9, v53;
	vm15 =	vgt.f32 v8, v55  }
0xfd: {  	v57 =	vsel vm15, v8, v55  }
0xfe: {  	v11 =	vmul.f32 v12, v11;
	v10 =	vmul.f32 v10, v51;
	vm3 =	vgt.f32 v9, v57  }
0xff: {  	v59 =	vsel vm3, v9, v57  }
0x100: {  	v13 =	vmul.f32 v12, v13;
	v11 =	vmul.f32 v11, v52;
	vm4 =	vgt.f32 v10, v59  }
0x101: {  	v51 =	vsel vm4, v10, v59  }
0x102: {  	v14 =	vmul.f32 v12, v14;
	v13 =	vmul.f32 v13, v60;
	vm5 =	vgt.f32 v11, v51  }
0x103: {  	v51 =	vsel vm5, v11, v51  }
0x104: {  	v15 =	vmul.f32 v12, v15;
	v14 =	vmul.f32 v14, v58;
	vm6 =	vgt.f32 v13, v51  }
0x105: {  	v16 =	vmul.f32 v12, v16;
	v51 =	vsel vm6, v13, v51  }
0x106: {  	v15 =	vmul.f32 v15, v50;
	vm7 =	vgt.f32 v14, v51  }
0x107: {  	v16 =	vmul.f32 v16, v61;
	v61 =	vsel vm13, $0x1, v18;
	v60 =	vsel vm7, v14, v51  }
0x108: {  	v17 =	vmul.f32 v12, v17;
	v51 =	vsel vm14, $0x2, v61;
	vm9 =	vgt.f32 v15, v60  }
0x109: {  	v19 =	vmul.f32 v12, v19;
	v51 =	vsel vm15, $0x3, v51;
	v50 =	vsel vm9, v15, v60  }
0x10a: {  	v17 =	vmul.f32 v17, v54;
	v51 =	vsel vm3, $0x4, v51;
	vm10 =	vgt.f32 v16, v50  }
0x10b: {  	v20 =	vmul.f32 v12, v20;
	[tilespmem:v45+s14+$0x0] =	vst.idx.msk $0xffff, v7;
	v52 =	vsel vm4, $0x5, v51;
	v50 =	vsel vm10, v16, v50  }
0x10c: {  	v19 =	vmul.f32 v19, v62;
	v58 =	vld [tilespmem:$0x1FEC0];
	[tilespmem:v44+s14+$0x0] =	vst.idx.msk $0xffff, v5;
	v53 =	vsel vm5, $0x6, v52;
	vm11 =	vgt.f32 v17, v50  }
0x10d: {  	v21 =	vmul.f32 v12, v21;
	[tilespmem:v43+s14+$0x0] =	vst.idx.msk $0xffff, v6;
	v59 =	vld [tilespmem:$0x1FED0];
	v5 =	vsel vm6, $0x7, v53;
	v54 =	vsel vm11, v17, v50  }
0x10e: {  	[tilespmem:v42+s14+$0x0] =	vst.idx.msk $0xffff, v8;
	v55 =	vmul.f32 v20, v63;
	v61 =	vld [tilespmem:$0x1FEE0];
	v5 =	vsel vm7, $0x8, v5;
	vm12 =	vgt.f32 v19, v54  }
0x10f: {  	v4 =	vmul.f32 v12, v4;
	[tilespmem:v41+s14+$0x0] =	vst.idx.msk $0xffff, v9;
	v5 =	vsel vm9, $0x9, v5;
	v7 =	vsel vm12, v19, v54  }
0x110: {  	v0 =	vmul.f32 v21, v0;
	[tilespmem:v40+s14+$0x0] =	vst.idx.msk $0xffff, v10;
	v5 =	vsel vm10, $0xA, v5;
	vm13 =	vgt.f32 v55, v7  }
0x111: {  	[tilespmem:v39+s14+$0x0] =	vst.idx.msk $0xffff, v11;
	v56 =	vsel vm11, $0xB, v5;
	v7 =	vsel vm13, v55, v7  }
0x112: {  	v3 =	vmul.f32 v4, v3;
	[tilespmem:v38+s14+$0x0] =	vst.idx.msk $0xffff, v13;
	v4 =	vsel vm12, $0xC, v56;
	vm14 =	vgt.f32 v0, v7  }
0x113: {  	v2 =	vshll.u32 v2, $0x8;
	[tilespmem:v37+s14+$0x0] =	vst.idx.msk $0xffff, v14;
	v4 =	vsel vm13, $0xD, v4;
	v57 =	vsel vm14, v0, v7  }
0x114: {  	v1 =	vshll.u32 v1, $0x4;
	[tilespmem:v58+s14+$0x0] =	vst.idx.msk $0xffff, v15;
	v4 =	vsel vm14, $0xE, v4;
	vm15 =	vgt.f32 v3, v57  }
0x115: {  	v1 =	vadd.s32 v2, v1;
	[tilespmem:v59+s14+$0x0] =	vst.idx.msk $0xffff, v16;
	v60 =	vsel vm15, $0xF, v4  }
0x116: {  	[tilespmem:v61+s14+$0x0] =	vst.idx.msk $0xffff, v17;
	v1 =	vadd.s32 v60, v1  }
0x117: {  	[tilespmem:v46+s14+$0x0] =	vst.idx.msk $0xffff, v19  }
0x118: {  	[tilespmem:v47+s14+$0x0] =	vst.idx.msk $0xffff, v55  }
0x119: {  	[tilespmem:v48+s14+$0x0] =	vst.idx.msk $0xffff, v0  }
0x11a: {  	v62 =	vlaneseq.u32;
	[tilespmem:v49+s14+$0x0] =	vst.idx.msk $0xffff, v3  }
0x11b: {  	p0 =	sne.s32 s19, $0x300;
	v63 =	vor.u32 s18, v62;
	v0 =	vld.idx.msk [tilespmem:v1+s11+$0x0], $0xffff  }
.Ltmp0:
0x11c: {  	_ = 	snop;
	(pc) =	sbr.rel @p0 .LBB2_2-.Ltmp0, $3  }
0x11d: {  	_ =	sdelay $0x1  }
0x11e: {  	v11 =	vld [tilespmem:$0x1FFE0]  }
0x11f: {  	s19 =	sadd.s32 $0x100, s19;
	s18 =	sadd.s32 $0x10, s18;
	v13 =	vld [tilespmem:$0x1FFF0];
	v14 =	vmov v36;
	v15 =	vmov v35;
	v16 =	vmov v34;
	[tilespmem:v63+s15+$0x0] =	vst.idx.msk $0xffff, v0  }
0x120: {  	[hbm4b:s7+s4] =	stream.linear.scatter [tilespmem:s14], [sflag:$0x2], $0x400, $0x38;
	[tilespmem:$0x2A80] =	vst v63  }
0x121: {  	s17 =	sadd.s32 $0x1, s17;
	_ =	swait.ge [sflag:s16], $0x400  }
0x122: {  	p0 =	sne.s32 s17, s9;
	[sflag:s16] =	ssyncset.done $0x0  }
.Ltmp1:
0x123: {  	[sflag:s16] =	ssyncadd.s32 $0xFFFFFC00;
	(pc) =	sbr.rel @p0 .LBB2_1-.Ltmp1, $4  }
0x124: {  	[hbm4b:s8+s4] =	stream.linear.scatter [tilespmem:s15], [sflag:$0x2], $0x40, $0x38;
	[tilespmem:$0x2A80] =	vst v63  }
0x125: {  	_ =	swait.ge [sflag:s16], $0x40  }
0x126: {  	[sflag:s16] =	ssyncset.done $0x0  }
0x127: {  	[sflag:s16] =	ssyncadd.s32 $0xFFFFFFC0  }
0x128: {  	_ =	sfence.sel $0x180000  }
0x129: {  	[bflag:$0x0] =	sbarrier.arrive $0xFFFF  }
0x12a: {  	p0 =	sne.s32 s3, $0x0;
	_ =	strace $0x90000047  }
0x12b: {  	s0 =	sadd.s32 @!p0 $0x100000, s0;
	[bflag:$0x2] =	sbarrier.arrive $0xFFFF  }
0x12c: {  	[sflag:s0] =	ssyncadd.tile.s32 @!p0 $0x1;
	_ =	shalt  }
.Lfunc_end2:
_tile_overlayer_lowered:
.L_overlay_start_2:
0x12d: {  	(tag) =	ssettag $0x2  }
0x12e: {  	s0 =	rddreg [dreg:$0x0];
	s2 =	stileid.u32  }
0x12f: {  	s1 =	rddreg [dreg:$0x1];
	p0 =	sne.s32 s2, $0x0  }
0x130: {  	s3 =	rddreg [dreg:$0x2];
	[bflag:$0x3] =	sbarrier.arrive $0xFFFF;
	s2 =	simm.s32 @!p0 $0x1C02  }
0x131: {  	[timem:s3], [sflag:s2] =	dma.local @!p0 [hbm:s0], s1  }
0x132: {  	s0 =	simm.s32 @!p0 $0x2  }
0x133: {  	_ =	swait.ge @!p0 [sflag:s0], s1  }
0x134: {  	s1 =	ssub.s32 @!p0 $0x0, s1;
	[sflag:s0] =	ssyncset.done @!p0 $0x0  }
0x135: {  	[sflag:s0] =	ssyncadd.s32 @!p0 s1  }
0x136: {  	[bflag:$0x3] =	sbarrier.arrive $0xFFFF  }
0x137: {  	_ =	shalt  }

</sc_bundles>
